<compile_context>
chip_gen: v7x
topology: tpu7x:2x2x1
jax: 0.10.2.dev20260603
libtpu: 0.0.44.dev20260713+nightly
codegen_flags: <defaults>
</compile_context>

<pallas_src>
import functools

import jax
import jax.numpy as jnp
from jax import lax
from jax.experimental import pallas as pl
from jax.experimental.pallas import tpu as pltpu
from jax.experimental.pallas import tpu_sc as plsc

_B = 4
_N = 4096
_K = 17
_R = 256
_NC = 2
_NS = 16
_NW = _NC * _NS
_NPW = (_B * _N) // _NW


def _tc_body(qr, kr, out_ref):
    qr = qr[0]
    kr = kr[0]

    dn = (((0,), (0,)), ((), ()))
    qk = jax.lax.dot_general(qr, kr, dn, precision=jax.lax.Precision.DEFAULT,
                             preferred_element_type=jnp.float32)
    q2 = jnp.sum(qr * qr, axis=0)
    r2 = jnp.sum(kr * kr, axis=0)
    d2 = q2[:, None] + r2[None, :] - 2.0 * qk

    ci = jax.lax.broadcasted_iota(jnp.int32, (_R, _N), 1)
    sb = jax.lax.bitcast_convert_type(d2, jnp.int32)
    cif = ci ^ (jax.lax.shift_right_arithmetic(sb, 31) & 0xFFF)
    keys = jax.lax.bitcast_convert_type((sb & ~0xFFF) | cif, jnp.float32)
    m0 = jnp.min(keys, axis=1, keepdims=True)

    kiT = jax.lax.broadcasted_iota(jnp.int32, (_K - 1, _R), 0)
    colsT = jnp.zeros((_K - 1, _R), jnp.int32)

    def _next(i, carry):
        m, colsT = carry
        m = jnp.min(jnp.where(keys > m, keys, jnp.inf), axis=1,
                    keepdims=True)
        mb = jax.lax.bitcast_convert_type(m, jnp.int32)
        col = (mb & 0xFFF) ^ (jax.lax.shift_right_arithmetic(mb, 31) & 0xFFF)
        colsT = jnp.where(kiT == i, jnp.reshape(col, (1, _R)), colsT)
        return m, colsT

    _, colsT = jax.lax.fori_loop(0, _K - 1, _next, (m0, colsT), unroll=True)
    out_ref[0] = colsT


def _nsqrt(s):
    i = jax.lax.bitcast_convert_type(s, jnp.int32)
    x = jax.lax.bitcast_convert_type(
        jax.lax.shift_right_arithmetic(i, 1) + 0x1FBD1DF6, jnp.float32)
    x = 0.5 * (x + s / x)
    x = 0.5 * (x + s / x)
    return x


def _sc_body(rxh, ryh, rzh, pxh, pyh, pzh, cols_hbm, out_hbm,
             rx, ry, rz, px, py, pz, cv, st, acc):
    wid = lax.axis_index("s") * _NC + lax.axis_index("c")
    b = wid // (_NW // _B)
    n0 = (wid % (_NW // _B)) * _NPW

    pltpu.sync_copy(rxh.at[pl.ds(b * _N, _N)], rx)
    pltpu.sync_copy(ryh.at[pl.ds(b * _N, _N)], ry)
    pltpu.sync_copy(rzh.at[pl.ds(b * _N, _N)], rz)
    pltpu.sync_copy(pxh.at[pl.ds(b * _N, _N)], px)
    pltpu.sync_copy(pyh.at[pl.ds(b * _N, _N)], py)
    pltpu.sync_copy(pzh.at[pl.ds(b * _N, _N)], pz)
    pltpu.sync_copy(cols_hbm.at[b, :, pl.ds(n0, _NPW)], cv)

    acc[...] = jnp.zeros((16,), jnp.float32)

    def _group(g, _):
        base = g * 16
        qx = rx[pl.ds(n0 + base, 16)]
        qy = ry[pl.ds(n0 + base, 16)]
        qz = rz[pl.ds(n0 + base, 16)]
        sx = px[pl.ds(n0 + base, 16)]
        sy = py[pl.ds(n0 + base, 16)]
        sz = pz[pl.ds(n0 + base, 16)]
        for k in range(_K - 1):
            idx = cv[k, pl.ds(base, 16)]
            gx = plsc.load_gather(rx, [idx])
            gy = plsc.load_gather(ry, [idx])
            gz = plsc.load_gather(rz, [idx])
            dx = gx - qx
            dy = gy - qy
            dz = gz - qz
            dd = dx * dx + dy * dy + dz * dz
            hx = plsc.load_gather(px, [idx])
            hy = plsc.load_gather(py, [idx])
            hz = plsc.load_gather(pz, [idx])
            ex = hx - sx
            ey = hy - sy
            ez = hz - sz
            ee = ex * ex + ey * ey + ez * ez
            acc[...] += jnp.abs(_nsqrt(dd) - _nsqrt(ee))
        return _

    lax.fori_loop(0, _NPW // 16, _group, 0)
    st[...] = acc[...]
    pltpu.sync_copy(st, out_hbm.at[wid])


@functools.cache
def _sc_kernel():
    return pl.kernel(
        _sc_body,
        out_type=jax.ShapeDtypeStruct((_NW, 16), jnp.float32),
        mesh=plsc.VectorSubcoreMesh(core_axis_name="c",
                                    subcore_axis_name="s"),
        compiler_params=pltpu.CompilerParams(needs_layout_passes=False),
        scratch_types=[
            pltpu.VMEM((_N,), jnp.float32),
            pltpu.VMEM((_N,), jnp.float32),
            pltpu.VMEM((_N,), jnp.float32),
            pltpu.VMEM((_N,), jnp.float32),
            pltpu.VMEM((_N,), jnp.float32),
            pltpu.VMEM((_N,), jnp.float32),
            pltpu.VMEM((_K - 1, _NPW), jnp.int32),
            pltpu.VMEM((16,), jnp.float32),
            pltpu.VMEM((16,), jnp.float32),
        ],
    )


def kernel(points_ref, points):
    ref_t = jnp.transpose(points_ref, (0, 2, 1))
    pts_t = jnp.transpose(points, (0, 2, 1))

    cols = pl.pallas_call(
        _tc_body,
        grid=(_B, _N // _R),
        in_specs=[
            pl.BlockSpec((1, 3, _R), lambda b, r: (b, 0, r)),
            pl.BlockSpec((1, 3, _N), lambda b, r: (b, 0, 0)),
        ],
        out_specs=pl.BlockSpec((1, _K - 1, _R), lambda b, r: (b, 0, r)),
        out_shape=jax.ShapeDtypeStruct((_B, _K - 1, _N), jnp.int32),
    )(ref_t, ref_t)

    partials = _sc_kernel()(
        ref_t[:, 0].reshape(-1), ref_t[:, 1].reshape(-1),
        ref_t[:, 2].reshape(-1), pts_t[:, 0].reshape(-1),
        pts_t[:, 1].reshape(-1), pts_t[:, 2].reshape(-1), cols)
    return jnp.sum(partials) * (1.0 / (_B * _N * (_K - 1)))

# --- scband reference (transcript-rebuilt; emitter-appended) ---
"""Pipeline reference for scband-point-edge-length-loss-8117488189443 (READ-ONLY COPY).

The authoritative reference and input builder live on the scoring server;
editing this copy changes nothing except your own understanding.
"""

import jax, jax.numpy as jnp
import numpy as np

NN_SIZE = 16

def setup_inputs(seed: int = 0) -> dict:
    key = jax.random.key(seed)
    k1, k2 = jax.random.split(key)
    points_ref = jax.random.normal(k1, (4, 4096, 3), dtype=jnp.float32)
    points = jax.random.normal(k2, (4, 4096, 3), dtype=jnp.float32)
    return {"points_ref": points_ref, "points": points}

def _faiss_knn(k, query, ref):
    # exact brute-force kNN (faiss_knn equivalent), NCHW=False: (B, N, D)
    q2 = jnp.sum(query * query, axis=-1)
    r2 = jnp.sum(ref * ref, axis=-1)
    d2 = q2[:, :, None] + r2[:, None, :] - 2.0 * jnp.einsum('bnd,bmd->bnm', query, ref)
    neg_d2, knn_idx = jax.lax.top_k(-d2, k)  # smallest distances first; self at position 0
    group_points = jnp.take_along_axis(ref[:, None, :, :], knn_idx[..., None], axis=2)  # (B, N, k, D)
    return group_points, knn_idx, -neg_d2

def reference(points_ref, points):
    group_points, knn_idx, _ = _faiss_knn(NN_SIZE + 1, points_ref, points_ref)
    knn_idx = knn_idx[:, :, 1:]              # drop self
    group_points = group_points[:, :, 1:, :]
    dist_ref = jnp.linalg.norm(group_points - points_ref[:, :, None, :], axis=-1)
    group_points2 = jnp.take_along_axis(points[:, None, :, :], knn_idx[..., None], axis=2)
    dist = jnp.linalg.norm(group_points2 - points[:, :, None, :], axis=-1)
    # metric = torch.nn.L1Loss() (mean reduction)
    return jnp.mean(jnp.abs(dist_ref - dist))

if __name__ == "__main__":
    import jax
    _d = setup_inputs()
    print(jax.jit(kernel)(*tuple(_d.values())))

</pallas_src>

<mosaic_0001>
#map = affine_map<(d0, d1) -> (0)>
#map1 = affine_map<(d0, d1) -> (0, 0, 0)>
#map2 = affine_map<(d0, d1) -> (0, 0)>
module attributes {stable_mosaic.version = 14 : i64} {
  func.func @_sc_body(%arg0: i32, %arg1: i32, %arg2: memref<16384xf32, #tpu.memory_space<hbm>>, %arg3: memref<16384xf32, #tpu.memory_space<hbm>>, %arg4: memref<16384xf32, #tpu.memory_space<hbm>>, %arg5: memref<16384xf32, #tpu.memory_space<hbm>>, %arg6: memref<16384xf32, #tpu.memory_space<hbm>>, %arg7: memref<16384xf32, #tpu.memory_space<hbm>>, %arg8: memref<4x16x4096xi32, #tpu.memory_space<hbm>>, %arg9: memref<32x16xf32, #tpu.memory_space<hbm>>, %arg10: memref<4096xf32, #tpu.memory_space<vmem>>, %arg11: memref<4096xf32, #tpu.memory_space<vmem>>, %arg12: memref<4096xf32, #tpu.memory_space<vmem>>, %arg13: memref<4096xf32, #tpu.memory_space<vmem>>, %arg14: memref<4096xf32, #tpu.memory_space<vmem>>, %arg15: memref<4096xf32, #tpu.memory_space<vmem>>, %arg16: memref<16x512xi32, #tpu.memory_space<vmem>>, %arg17: memref<16xf32, #tpu.memory_space<vmem>>, %arg18: memref<16xf32, #tpu.memory_space<vmem>>) attributes {dimension_semantics = [#tpu.dimension_semantics<core_parallel>, #tpu.dimension_semantics<subcore_parallel>], iteration_bounds = array<i64: 2, 16>, scalar_prefetch = 0 : i64, scratch_operands = 9 : i64, tpu.core_type = #tpu.core_type<sc_vector_subcore>, window_params = [{transform_indices = #map}, {transform_indices = #map}, {transform_indices = #map}, {transform_indices = #map}, {transform_indices = #map}, {transform_indices = #map}, {transform_indices = #map1}, {transform_indices = #map2}]} {
    %mul3A = arith.constant 2 : i32
    %mul3A_0 = arith.muli %arg1, %mul3A : i32
    %add3A = arith.addi %mul3A_0, %arg0 : i32
    %jit3A = arith.constant 8 : i32
    %div3A = arith.divsi %add3A, %jit3A : i32
    %sign3A = arith.constant 0 : i32
    %sign3A_1 = arith.cmpi sgt, %add3A, %sign3A : i32
    %sign3A_2 = arith.extui %sign3A_1 : i1 to i32
    %sign3A_3 = arith.constant 0 : i32
    %sign3A_4 = arith.cmpi slt, %add3A, %sign3A_3 : i32
    %sign3A_5 = arith.extui %sign3A_4 : i1 to i32
    %sign3A_6 = arith.subi %sign3A_2, %sign3A_5 : i32
    %sign3A_7 = arith.constant 0 : i32
    %sign3A_8 = arith.cmpi sgt, %jit3A, %sign3A_7 : i32
    %sign3A_9 = arith.extui %sign3A_8 : i1 to i32
    %sign3A_10 = arith.constant 0 : i32
    %sign3A_11 = arith.cmpi slt, %jit3A, %sign3A_10 : i32
    %sign3A_12 = arith.extui %sign3A_11 : i1 to i32
    %sign3A_13 = arith.subi %sign3A_9, %sign3A_12 : i32
    %ne3A = arith.cmpi ne, %sign3A_6, %sign3A_13 : i32
    %rem3A = arith.remsi %add3A, %jit3A : i32
    %ne3A_14 = arith.constant 0 : i32
    %ne3A_15 = arith.cmpi ne, %rem3A, %ne3A_14 : i32
    %and3A = arith.andi %ne3A, %ne3A_15 : i1
    %sub3A = arith.constant 1 : i32
    %sub3A_16 = arith.subi %div3A, %sub3A : i32
    %select_n3A = arith.select %and3A, %sub3A_16, %div3A : i32
    %jit3A_17 = arith.constant 8 : i32
    %eq3A = arith.constant 0 : i32
    %eq3A_18 = arith.cmpi eq, %jit3A_17, %eq3A : i32
    %jit3A_19 = arith.constant 1 : i32
    %select_n3A_20 = arith.select %eq3A_18, %jit3A_19, %jit3A_17 : i32
    %rem3A_21 = arith.remsi %add3A, %select_n3A_20 : i32
    %ne3A_22 = arith.constant 0 : i32
    %ne3A_23 = arith.cmpi ne, %rem3A_21, %ne3A_22 : i32
    %lt3A = arith.constant 0 : i32
    %lt3A_24 = arith.cmpi slt, %rem3A_21, %lt3A : i32
    %lt3A_25 = arith.constant 0 : i32
    %lt3A_26 = arith.cmpi slt, %select_n3A_20, %lt3A_25 : i32
    %ne3A_27 = arith.xori %lt3A_24, %lt3A_26 : i1
    %and3A_28 = arith.andi %ne3A_27, %ne3A_23 : i1
    %add3A_29 = arith.addi %rem3A_21, %select_n3A_20 : i32
    %select_n3A_30 = arith.select %and3A_28, %add3A_29, %rem3A_21 : i32
    %mul3A_31 = arith.constant 512 : i32
    %mul3A_32 = arith.muli %select_n3A_30, %mul3A_31 : i32
    %mul3A_33 = arith.constant 4096 : i32
    %mul3A_34 = arith.muli %select_n3A, %mul3A_33 : i32
    "tpu.region"() ({
      %run_scoped3A = tpu.sem_alloc : memref<!tpu.dma_semaphore, #tpu.memory_space<semaphore_mem>>
      %dma_start3A = tpu.memref_slice %arg2[%mul3A_34] : memref<16384xf32, #tpu.memory_space<hbm>> -> memref<4096xf32, #tpu.memory_space<hbm>>
      %dma_start3A_55 = tpu.memref_slice %arg2[%mul3A_34] : memref<16384xf32, #tpu.memory_space<hbm>> -> memref<4096xf32, #tpu.memory_space<hbm>>
      tpu.enqueue_dma source(%dma_start3A_55 : memref<4096xf32, #tpu.memory_space<hbm>>) target(%arg10 : memref<4096xf32, #tpu.memory_space<vmem>>) target_semaphore(%run_scoped3A : memref<!tpu.dma_semaphore, #tpu.memory_space<semaphore_mem>>)
      %dma_wait3A = tpu.memref_slice %arg2[%mul3A_34] : memref<16384xf32, #tpu.memory_space<hbm>> -> memref<4096xf32, #tpu.memory_space<hbm>>
      %dma_wait3A_56 = tpu.memref_slice %arg2[%mul3A_34] : memref<16384xf32, #tpu.memory_space<hbm>> -> memref<4096xf32, #tpu.memory_space<hbm>>
      tpu.wait_dma2 semaphore(%run_scoped3A : memref<!tpu.dma_semaphore, #tpu.memory_space<semaphore_mem>>) src(%dma_wait3A_56 : memref<4096xf32, #tpu.memory_space<hbm>>) dst(%arg10 : memref<4096xf32, #tpu.memory_space<vmem>>)
      tpu.yield
    }) : () -> ()
    %mul3A_35 = arith.constant 4096 : i32
    %mul3A_36 = arith.muli %select_n3A, %mul3A_35 : i32
    "tpu.region"() ({
      %run_scoped3A = tpu.sem_alloc : memref<!tpu.dma_semaphore, #tpu.memory_space<semaphore_mem>>
      %dma_start3A = tpu.memref_slice %arg3[%mul3A_36] : memref<16384xf32, #tpu.memory_space<hbm>> -> memref<4096xf32, #tpu.memory_space<hbm>>
      %dma_start3A_55 = tpu.memref_slice %arg3[%mul3A_36] : memref<16384xf32, #tpu.memory_space<hbm>> -> memref<4096xf32, #tpu.memory_space<hbm>>
      tpu.enqueue_dma source(%dma_start3A_55 : memref<4096xf32, #tpu.memory_space<hbm>>) target(%arg11 : memref<4096xf32, #tpu.memory_space<vmem>>) target_semaphore(%run_scoped3A : memref<!tpu.dma_semaphore, #tpu.memory_space<semaphore_mem>>)
      %dma_wait3A = tpu.memref_slice %arg3[%mul3A_36] : memref<16384xf32, #tpu.memory_space<hbm>> -> memref<4096xf32, #tpu.memory_space<hbm>>
      %dma_wait3A_56 = tpu.memref_slice %arg3[%mul3A_36] : memref<16384xf32, #tpu.memory_space<hbm>> -> memref<4096xf32, #tpu.memory_space<hbm>>
      tpu.wait_dma2 semaphore(%run_scoped3A : memref<!tpu.dma_semaphore, #tpu.memory_space<semaphore_mem>>) src(%dma_wait3A_56 : memref<4096xf32, #tpu.memory_space<hbm>>) dst(%arg11 : memref<4096xf32, #tpu.memory_space<vmem>>)
      tpu.yield
    }) : () -> ()
    %mul3A_37 = arith.constant 4096 : i32
    %mul3A_38 = arith.muli %select_n3A, %mul3A_37 : i32
    "tpu.region"() ({
      %run_scoped3A = tpu.sem_alloc : memref<!tpu.dma_semaphore, #tpu.memory_space<semaphore_mem>>
      %dma_start3A = tpu.memref_slice %arg4[%mul3A_38] : memref<16384xf32, #tpu.memory_space<hbm>> -> memref<4096xf32, #tpu.memory_space<hbm>>
      %dma_start3A_55 = tpu.memref_slice %arg4[%mul3A_38] : memref<16384xf32, #tpu.memory_space<hbm>> -> memref<4096xf32, #tpu.memory_space<hbm>>
      tpu.enqueue_dma source(%dma_start3A_55 : memref<4096xf32, #tpu.memory_space<hbm>>) target(%arg12 : memref<4096xf32, #tpu.memory_space<vmem>>) target_semaphore(%run_scoped3A : memref<!tpu.dma_semaphore, #tpu.memory_space<semaphore_mem>>)
      %dma_wait3A = tpu.memref_slice %arg4[%mul3A_38] : memref<16384xf32, #tpu.memory_space<hbm>> -> memref<4096xf32, #tpu.memory_space<hbm>>
      %dma_wait3A_56 = tpu.memref_slice %arg4[%mul3A_38] : memref<16384xf32, #tpu.memory_space<hbm>> -> memref<4096xf32, #tpu.memory_space<hbm>>
      tpu.wait_dma2 semaphore(%run_scoped3A : memref<!tpu.dma_semaphore, #tpu.memory_space<semaphore_mem>>) src(%dma_wait3A_56 : memref<4096xf32, #tpu.memory_space<hbm>>) dst(%arg12 : memref<4096xf32, #tpu.memory_space<vmem>>)
      tpu.yield
    }) : () -> ()
    %mul3A_39 = arith.constant 4096 : i32
    %mul3A_40 = arith.muli %select_n3A, %mul3A_39 : i32
    "tpu.region"() ({
      %run_scoped3A = tpu.sem_alloc : memref<!tpu.dma_semaphore, #tpu.memory_space<semaphore_mem>>
      %dma_start3A = tpu.memref_slice %arg5[%mul3A_40] : memref<16384xf32, #tpu.memory_space<hbm>> -> memref<4096xf32, #tpu.memory_space<hbm>>
      %dma_start3A_55 = tpu.memref_slice %arg5[%mul3A_40] : memref<16384xf32, #tpu.memory_space<hbm>> -> memref<4096xf32, #tpu.memory_space<hbm>>
      tpu.enqueue_dma source(%dma_start3A_55 : memref<4096xf32, #tpu.memory_space<hbm>>) target(%arg13 : memref<4096xf32, #tpu.memory_space<vmem>>) target_semaphore(%run_scoped3A : memref<!tpu.dma_semaphore, #tpu.memory_space<semaphore_mem>>)
      %dma_wait3A = tpu.memref_slice %arg5[%mul3A_40] : memref<16384xf32, #tpu.memory_space<hbm>> -> memref<4096xf32, #tpu.memory_space<hbm>>
      %dma_wait3A_56 = tpu.memref_slice %arg5[%mul3A_40] : memref<16384xf32, #tpu.memory_space<hbm>> -> memref<4096xf32, #tpu.memory_space<hbm>>
      tpu.wait_dma2 semaphore(%run_scoped3A : memref<!tpu.dma_semaphore, #tpu.memory_space<semaphore_mem>>) src(%dma_wait3A_56 : memref<4096xf32, #tpu.memory_space<hbm>>) dst(%arg13 : memref<4096xf32, #tpu.memory_space<vmem>>)
      tpu.yield
    }) : () -> ()
    %mul3A_41 = arith.constant 4096 : i32
    %mul3A_42 = arith.muli %select_n3A, %mul3A_41 : i32
    "tpu.region"() ({
      %run_scoped3A = tpu.sem_alloc : memref<!tpu.dma_semaphore, #tpu.memory_space<semaphore_mem>>
      %dma_start3A = tpu.memref_slice %arg6[%mul3A_42] : memref<16384xf32, #tpu.memory_space<hbm>> -> memref<4096xf32, #tpu.memory_space<hbm>>
      %dma_start3A_55 = tpu.memref_slice %arg6[%mul3A_42] : memref<16384xf32, #tpu.memory_space<hbm>> -> memref<4096xf32, #tpu.memory_space<hbm>>
      tpu.enqueue_dma source(%dma_start3A_55 : memref<4096xf32, #tpu.memory_space<hbm>>) target(%arg14 : memref<4096xf32, #tpu.memory_space<vmem>>) target_semaphore(%run_scoped3A : memref<!tpu.dma_semaphore, #tpu.memory_space<semaphore_mem>>)
      %dma_wait3A = tpu.memref_slice %arg6[%mul3A_42] : memref<16384xf32, #tpu.memory_space<hbm>> -> memref<4096xf32, #tpu.memory_space<hbm>>
      %dma_wait3A_56 = tpu.memref_slice %arg6[%mul3A_42] : memref<16384xf32, #tpu.memory_space<hbm>> -> memref<4096xf32, #tpu.memory_space<hbm>>
      tpu.wait_dma2 semaphore(%run_scoped3A : memref<!tpu.dma_semaphore, #tpu.memory_space<semaphore_mem>>) src(%dma_wait3A_56 : memref<4096xf32, #tpu.memory_space<hbm>>) dst(%arg14 : memref<4096xf32, #tpu.memory_space<vmem>>)
      tpu.yield
    }) : () -> ()
    %mul3A_43 = arith.constant 4096 : i32
    %mul3A_44 = arith.muli %select_n3A, %mul3A_43 : i32
    "tpu.region"() ({
      %run_scoped3A = tpu.sem_alloc : memref<!tpu.dma_semaphore, #tpu.memory_space<semaphore_mem>>
      %dma_start3A = tpu.memref_slice %arg7[%mul3A_44] : memref<16384xf32, #tpu.memory_space<hbm>> -> memref<4096xf32, #tpu.memory_space<hbm>>
      %dma_start3A_55 = tpu.memref_slice %arg7[%mul3A_44] : memref<16384xf32, #tpu.memory_space<hbm>> -> memref<4096xf32, #tpu.memory_space<hbm>>
      tpu.enqueue_dma source(%dma_start3A_55 : memref<4096xf32, #tpu.memory_space<hbm>>) target(%arg15 : memref<4096xf32, #tpu.memory_space<vmem>>) target_semaphore(%run_scoped3A : memref<!tpu.dma_semaphore, #tpu.memory_space<semaphore_mem>>)
      %dma_wait3A = tpu.memref_slice %arg7[%mul3A_44] : memref<16384xf32, #tpu.memory_space<hbm>> -> memref<4096xf32, #tpu.memory_space<hbm>>
      %dma_wait3A_56 = tpu.memref_slice %arg7[%mul3A_44] : memref<16384xf32, #tpu.memory_space<hbm>> -> memref<4096xf32, #tpu.memory_space<hbm>>
      tpu.wait_dma2 semaphore(%run_scoped3A : memref<!tpu.dma_semaphore, #tpu.memory_space<semaphore_mem>>) src(%dma_wait3A_56 : memref<4096xf32, #tpu.memory_space<hbm>>) dst(%arg15 : memref<4096xf32, #tpu.memory_space<vmem>>)
      tpu.yield
    }) : () -> ()
    "tpu.region"() ({
      %run_scoped3A = tpu.sem_alloc : memref<!tpu.dma_semaphore, #tpu.memory_space<semaphore_mem>>
      %dma_start3A = arith.constant 0 : i32
      %dma_start3A_55 = tpu.memref_slice %arg8[%select_n3A, %dma_start3A, %mul3A_32] : memref<4x16x4096xi32, #tpu.memory_space<hbm>> -> memref<1x16x512xi32, #tpu.memory_space<hbm>>
      %dma_start3A_56 = tpu.memref_squeeze %dma_start3A_55 : memref<1x16x512xi32, #tpu.memory_space<hbm>> -> memref<16x512xi32, #tpu.memory_space<hbm>>
      %dma_start3A_57 = arith.constant 0 : i32
      %dma_start3A_58 = tpu.memref_slice %arg8[%select_n3A, %dma_start3A_57, %mul3A_32] : memref<4x16x4096xi32, #tpu.memory_space<hbm>> -> memref<1x16x512xi32, #tpu.memory_space<hbm>>
      %dma_start3A_59 = tpu.memref_squeeze %dma_start3A_58 : memref<1x16x512xi32, #tpu.memory_space<hbm>> -> memref<16x512xi32, #tpu.memory_space<hbm>>
      tpu.enqueue_dma source(%dma_start3A_59 : memref<16x512xi32, #tpu.memory_space<hbm>>) target(%arg16 : memref<16x512xi32, #tpu.memory_space<vmem>>) target_semaphore(%run_scoped3A : memref<!tpu.dma_semaphore, #tpu.memory_space<semaphore_mem>>)
      %dma_wait3A = arith.constant 0 : i32
      %dma_wait3A_60 = tpu.memref_slice %arg8[%select_n3A, %dma_wait3A, %mul3A_32] : memref<4x16x4096xi32, #tpu.memory_space<hbm>> -> memref<1x16x512xi32, #tpu.memory_space<hbm>>
      %dma_wait3A_61 = tpu.memref_squeeze %dma_wait3A_60 : memref<1x16x512xi32, #tpu.memory_space<hbm>> -> memref<16x512xi32, #tpu.memory_space<hbm>>
      %dma_wait3A_62 = arith.constant 0 : i32
      %dma_wait3A_63 = tpu.memref_slice %arg8[%select_n3A, %dma_wait3A_62, %mul3A_32] : memref<4x16x4096xi32, #tpu.memory_space<hbm>> -> memref<1x16x512xi32, #tpu.memory_space<hbm>>
      %dma_wait3A_64 = tpu.memref_squeeze %dma_wait3A_63 : memref<1x16x512xi32, #tpu.memory_space<hbm>> -> memref<16x512xi32, #tpu.memory_space<hbm>>
      tpu.wait_dma2 semaphore(%run_scoped3A : memref<!tpu.dma_semaphore, #tpu.memory_space<semaphore_mem>>) src(%dma_wait3A_64 : memref<16x512xi32, #tpu.memory_space<hbm>>) dst(%arg16 : memref<16x512xi32, #tpu.memory_space<vmem>>)
      tpu.yield
    }) : () -> ()
    %broadcast_in_dim3A = arith.constant 0.000000e+00 : f32
    %broadcast_in_dim3A_45 = vector.broadcast %broadcast_in_dim3A : f32 to vector<16xf32>
    %swap3A = arith.constant 0 : index
    %swap3A_46 = tpu.vector_load %arg18[%swap3A] {strides = array<i32>} : memref<16xf32, #tpu.memory_space<vmem>>, vector<16xf32>,
    tpu.vector_store %arg18[%swap3A], %broadcast_in_dim3A_45 {strides = array<i32>} : memref<16xf32, #tpu.memory_space<vmem>>, vector<16xf32>,
    %scan3A = arith.constant 0 : i32
    %scan3A_47 = arith.constant 0 : i32
    %scan3A_48 = arith.constant 32 : i32
    %scan3A_49 = arith.addi %scan3A_47, %scan3A_48 : i32
    %scan3A_50 = arith.constant 1 : i32
    scf.for %scan3A_55 = %scan3A_47 to %scan3A_49 step %scan3A_50  : i32 {
      %mul3A_56 = arith.constant 16 : i32
      %mul3A_57 = arith.muli %scan3A_55, %mul3A_56 : i32
      %add3A_58 = arith.addi %mul3A_32, %mul3A_57 : i32
      %get3A_59 = arith.index_cast %add3A_58 : i32 to index
      %get3A_60 = tpu.vector_load %arg10[%get3A_59] {strides = array<i32>} : memref<4096xf32, #tpu.memory_space<vmem>>, vector<16xf32>,
      %add3A_61 = arith.addi %mul3A_32, %mul3A_57 : i32
      %get3A_62 = arith.index_cast %add3A_61 : i32 to index
      %get3A_63 = tpu.vector_load %arg11[%get3A_62] {strides = array<i32>} : memref<4096xf32, #tpu.memory_space<vmem>>, vector<16xf32>,
      %add3A_64 = arith.addi %mul3A_32, %mul3A_57 : i32
      %get3A_65 = arith.index_cast %add3A_64 : i32 to index
      %get3A_66 = tpu.vector_load %arg12[%get3A_65] {strides = array<i32>} : memref<4096xf32, #tpu.memory_space<vmem>>, vector<16xf32>,
      %add3A_67 = arith.addi %mul3A_32, %mul3A_57 : i32
      %get3A_68 = arith.index_cast %add3A_67 : i32 to index
      %get3A_69 = tpu.vector_load %arg13[%get3A_68] {strides = array<i32>} : memref<4096xf32, #tpu.memory_space<vmem>>, vector<16xf32>,
      %add3A_70 = arith.addi %mul3A_32, %mul3A_57 : i32
      %get3A_71 = arith.index_cast %add3A_70 : i32 to index
      %get3A_72 = tpu.vector_load %arg14[%get3A_71] {strides = array<i32>} : memref<4096xf32, #tpu.memory_space<vmem>>, vector<16xf32>,
      %add3A_73 = arith.addi %mul3A_32, %mul3A_57 : i32
      %get3A_74 = arith.index_cast %add3A_73 : i32 to index
      %get3A_75 = tpu.vector_load %arg15[%get3A_74] {strides = array<i32>} : memref<4096xf32, #tpu.memory_space<vmem>>, vector<16xf32>,
      %get3A_76 = arith.constant 0 : i32
      %get3A_77 = arith.index_cast %get3A_76 : i32 to index
      %get3A_78 = arith.index_cast %mul3A_57 : i32 to index
      %get3A_79 = tpu.vector_load %arg16[%get3A_77, %get3A_78] {strides = array<i32>} : memref<16x512xi32, #tpu.memory_space<vmem>>, vector<16xi32>,
      %gather3A = tpu.vector_load_idx %arg10[%get3A_79] : memref<4096xf32, #tpu.memory_space<vmem>>[vector<16xi32>], vector<16xf32>,
      %gather3A_80 = tpu.vector_load_idx %arg11[%get3A_79] : memref<4096xf32, #tpu.memory_space<vmem>>[vector<16xi32>], vector<16xf32>,
      %gather3A_81 = tpu.vector_load_idx %arg12[%get3A_79] : memref<4096xf32, #tpu.memory_space<vmem>>[vector<16xi32>], vector<16xf32>,
      %sub3A_82 = arith.subf %gather3A, %get3A_60 : vector<16xf32>
      %sub3A_83 = arith.subf %gather3A_80, %get3A_63 : vector<16xf32>
      %sub3A_84 = arith.subf %gather3A_81, %get3A_66 : vector<16xf32>
      %mul3A_85 = arith.mulf %sub3A_82, %sub3A_82 : vector<16xf32>
      %mul3A_86 = arith.mulf %sub3A_83, %sub3A_83 : vector<16xf32>
      %add3A_87 = arith.addf %mul3A_85, %mul3A_86 : vector<16xf32>
      %mul3A_88 = arith.mulf %sub3A_84, %sub3A_84 : vector<16xf32>
      %add3A_89 = arith.addf %add3A_87, %mul3A_88 : vector<16xf32>
      %gather3A_90 = tpu.vector_load_idx %arg13[%get3A_79] : memref<4096xf32, #tpu.memory_space<vmem>>[vector<16xi32>], vector<16xf32>,
      %gather3A_91 = tpu.vector_load_idx %arg14[%get3A_79] : memref<4096xf32, #tpu.memory_space<vmem>>[vector<16xi32>], vector<16xf32>,
      %gather3A_92 = tpu.vector_load_idx %arg15[%get3A_79] : memref<4096xf32, #tpu.memory_space<vmem>>[vector<16xi32>], vector<16xf32>,
      %sub3A_93 = arith.subf %gather3A_90, %get3A_69 : vector<16xf32>
      %sub3A_94 = arith.subf %gather3A_91, %get3A_72 : vector<16xf32>
      %sub3A_95 = arith.subf %gather3A_92, %get3A_75 : vector<16xf32>
      %mul3A_96 = arith.mulf %sub3A_93, %sub3A_93 : vector<16xf32>
      %mul3A_97 = arith.mulf %sub3A_94, %sub3A_94 : vector<16xf32>
      %add3A_98 = arith.addf %mul3A_96, %mul3A_97 : vector<16xf32>
      %mul3A_99 = arith.mulf %sub3A_95, %sub3A_95 : vector<16xf32>
      %add3A_100 = arith.addf %add3A_98, %mul3A_99 : vector<16xf32>
      %get3A_101 = arith.constant 0 : index
      %get3A_102 = tpu.vector_load %arg18[%get3A_101] {strides = array<i32>} : memref<16xf32, #tpu.memory_space<vmem>>, vector<16xf32>,
      %bitcast_convert_type3A = tpu.bitcast %add3A_89 : vector<16xf32> -> vector<16xi32>
      %shift_right_arithmetic3A = arith.constant 1 : i32
      %shift_right_arithmetic3A_103 = vector.broadcast %shift_right_arithmetic3A : i32 to vector<16xi32>
      %shift_right_arithmetic3A_104 = arith.shrsi %bitcast_convert_type3A, %shift_right_arithmetic3A_103 : vector<16xi32>
      %add3A_105 = arith.constant 532487670 : i32
      %add3A_106 = vector.broadcast %add3A_105 : i32 to vector<16xi32>
      %add3A_107 = arith.addi %shift_right_arithmetic3A_104, %add3A_106 : vector<16xi32>
      %bitcast_convert_type3A_108 = tpu.bitcast %add3A_107 : vector<16xi32> -> vector<16xf32>
      %div3A_109 = arith.divf %add3A_89, %bitcast_convert_type3A_108 : vector<16xf32>
      %add3A_110 = arith.addf %bitcast_convert_type3A_108, %div3A_109 : vector<16xf32>
      %mul3A_111 = arith.constant 5.000000e-01 : f32
      %mul3A_112 = vector.broadcast %mul3A_111 : f32 to vector<16xf32>
      %mul3A_113 = arith.mulf %mul3A_112, %add3A_110 : vector<16xf32>
      %div3A_114 = arith.divf %add3A_89, %mul3A_113 : vector<16xf32>
      %add3A_115 = arith.addf %mul3A_113, %div3A_114 : vector<16xf32>
      %mul3A_116 = arith.constant 5.000000e-01 : f32
      %mul3A_117 = vector.broadcast %mul3A_116 : f32 to vector<16xf32>
      %mul3A_118 = arith.mulf %mul3A_117, %add3A_115 : vector<16xf32>
      %bitcast_convert_type3A_119 = tpu.bitcast %add3A_100 : vector<16xf32> -> vector<16xi32>
      %shift_right_arithmetic3A_120 = arith.constant 1 : i32
      %shift_right_arithmetic3A_121 = vector.broadcast %shift_right_arithmetic3A_120 : i32 to vector<16xi32>
      %shift_right_arithmetic3A_122 = arith.shrsi %bitcast_convert_type3A_119, %shift_right_arithmetic3A_121 : vector<16xi32>
      %add3A_123 = arith.constant 532487670 : i32
      %add3A_124 = vector.broadcast %add3A_123 : i32 to vector<16xi32>
      %add3A_125 = arith.addi %shift_right_arithmetic3A_122, %add3A_124 : vector<16xi32>
      %bitcast_convert_type3A_126 = tpu.bitcast %add3A_125 : vector<16xi32> -> vector<16xf32>
      %div3A_127 = arith.divf %add3A_100, %bitcast_convert_type3A_126 : vector<16xf32>
      %add3A_128 = arith.addf %bitcast_convert_type3A_126, %div3A_127 : vector<16xf32>
      %mul3A_129 = arith.constant 5.000000e-01 : f32
      %mul3A_130 = vector.broadcast %mul3A_129 : f32 to vector<16xf32>
      %mul3A_131 = arith.mulf %mul3A_130, %add3A_128 : vector<16xf32>
      %div3A_132 = arith.divf %add3A_100, %mul3A_131 : vector<16xf32>
      %add3A_133 = arith.addf %mul3A_131, %div3A_132 : vector<16xf32>
      %mul3A_134 = arith.constant 5.000000e-01 : f32
      %mul3A_135 = vector.broadcast %mul3A_134 : f32 to vector<16xf32>
      %mul3A_136 = arith.mulf %mul3A_135, %add3A_133 : vector<16xf32>
      %sub3A_137 = arith.subf %mul3A_118, %mul3A_136 : vector<16xf32>
      %abs3A = math.absf %sub3A_137 : vector<16xf32>
      %add3A_138 = arith.addf %get3A_102, %abs3A : vector<16xf32>
      %swap3A_139 = arith.constant 0 : index
      %swap3A_140 = tpu.vector_load %arg18[%swap3A_139] {strides = array<i32>} : memref<16xf32, #tpu.memory_space<vmem>>, vector<16xf32>,
      tpu.vector_store %arg18[%swap3A_139], %add3A_138 {strides = array<i32>} : memref<16xf32, #tpu.memory_space<vmem>>, vector<16xf32>,
      %get3A_141 = arith.constant 1 : i32
      %get3A_142 = arith.index_cast %get3A_141 : i32 to index
      %get3A_143 = arith.index_cast %mul3A_57 : i32 to index
      %get3A_144 = tpu.vector_load %arg16[%get3A_142, %get3A_143] {strides = array<i32>} : memref<16x512xi32, #tpu.memory_space<vmem>>, vector<16xi32>,
      %gather3A_145 = tpu.vector_load_idx %arg10[%get3A_144] : memref<4096xf32, #tpu.memory_space<vmem>>[vector<16xi32>], vector<16xf32>,
      %gather3A_146 = tpu.vector_load_idx %arg11[%get3A_144] : memref<4096xf32, #tpu.memory_space<vmem>>[vector<16xi32>], vector<16xf32>,
      %gather3A_147 = tpu.vector_load_idx %arg12[%get3A_144] : memref<4096xf32, #tpu.memory_space<vmem>>[vector<16xi32>], vector<16xf32>,
      %sub3A_148 = arith.subf %gather3A_145, %get3A_60 : vector<16xf32>
      %sub3A_149 = arith.subf %gather3A_146, %get3A_63 : vector<16xf32>
      %sub3A_150 = arith.subf %gather3A_147, %get3A_66 : vector<16xf32>
      %mul3A_151 = arith.mulf %sub3A_148, %sub3A_148 : vector<16xf32>
      %mul3A_152 = arith.mulf %sub3A_149, %sub3A_149 : vector<16xf32>
      %add3A_153 = arith.addf %mul3A_151, %mul3A_152 : vector<16xf32>
      %mul3A_154 = arith.mulf %sub3A_150, %sub3A_150 : vector<16xf32>
      %add3A_155 = arith.addf %add3A_153, %mul3A_154 : vector<16xf32>
      %gather3A_156 = tpu.vector_load_idx %arg13[%get3A_144] : memref<4096xf32, #tpu.memory_space<vmem>>[vector<16xi32>], vector<16xf32>,
      %gather3A_157 = tpu.vector_load_idx %arg14[%get3A_144] : memref<4096xf32, #tpu.memory_space<vmem>>[vector<16xi32>], vector<16xf32>,
      %gather3A_158 = tpu.vector_load_idx %arg15[%get3A_144] : memref<4096xf32, #tpu.memory_space<vmem>>[vector<16xi32>], vector<16xf32>,
      %sub3A_159 = arith.subf %gather3A_156, %get3A_69 : vector<16xf32>
      %sub3A_160 = arith.subf %gather3A_157, %get3A_72 : vector<16xf32>
      %sub3A_161 = arith.subf %gather3A_158, %get3A_75 : vector<16xf32>
      %mul3A_162 = arith.mulf %sub3A_159, %sub3A_159 : vector<16xf32>
      %mul3A_163 = arith.mulf %sub3A_160, %sub3A_160 : vector<16xf32>
      %add3A_164 = arith.addf %mul3A_162, %mul3A_163 : vector<16xf32>
      %mul3A_165 = arith.mulf %sub3A_161, %sub3A_161 : vector<16xf32>
      %add3A_166 = arith.addf %add3A_164, %mul3A_165 : vector<16xf32>
      %get3A_167 = arith.constant 0 : index
      %get3A_168 = tpu.vector_load %arg18[%get3A_167] {strides = array<i32>} : memref<16xf32, #tpu.memory_space<vmem>>, vector<16xf32>,
      %bitcast_convert_type3A_169 = tpu.bitcast %add3A_155 : vector<16xf32> -> vector<16xi32>
      %shift_right_arithmetic3A_170 = arith.constant 1 : i32
      %shift_right_arithmetic3A_171 = vector.broadcast %shift_right_arithmetic3A_170 : i32 to vector<16xi32>
      %shift_right_arithmetic3A_172 = arith.shrsi %bitcast_convert_type3A_169, %shift_right_arithmetic3A_171 : vector<16xi32>
      %add3A_173 = arith.constant 532487670 : i32
      %add3A_174 = vector.broadcast %add3A_173 : i32 to vector<16xi32>
      %add3A_175 = arith.addi %shift_right_arithmetic3A_172, %add3A_174 : vector<16xi32>
      %bitcast_convert_type3A_176 = tpu.bitcast %add3A_175 : vector<16xi32> -> vector<16xf32>
      %div3A_177 = arith.divf %add3A_155, %bitcast_convert_type3A_176 : vector<16xf32>
      %add3A_178 = arith.addf %bitcast_convert_type3A_176, %div3A_177 : vector<16xf32>
      %mul3A_179 = arith.constant 5.000000e-01 : f32
      %mul3A_180 = vector.broadcast %mul3A_179 : f32 to vector<16xf32>
      %mul3A_181 = arith.mulf %mul3A_180, %add3A_178 : vector<16xf32>
      %div3A_182 = arith.divf %add3A_155, %mul3A_181 : vector<16xf32>
      %add3A_183 = arith.addf %mul3A_181, %div3A_182 : vector<16xf32>
      %mul3A_184 = arith.constant 5.000000e-01 : f32
      %mul3A_185 = vector.broadcast %mul3A_184 : f32 to vector<16xf32>
      %mul3A_186 = arith.mulf %mul3A_185, %add3A_183 : vector<16xf32>
      %bitcast_convert_type3A_187 = tpu.bitcast %add3A_166 : vector<16xf32> -> vector<16xi32>
      %shift_right_arithmetic3A_188 = arith.constant 1 : i32
      %shift_right_arithmetic3A_189 = vector.broadcast %shift_right_arithmetic3A_188 : i32 to vector<16xi32>
      %shift_right_arithmetic3A_190 = arith.shrsi %bitcast_convert_type3A_187, %shift_right_arithmetic3A_189 : vector<16xi32>
      %add3A_191 = arith.constant 532487670 : i32
      %add3A_192 = vector.broadcast %add3A_191 : i32 to vector<16xi32>
      %add3A_193 = arith.addi %shift_right_arithmetic3A_190, %add3A_192 : vector<16xi32>
      %bitcast_convert_type3A_194 = tpu.bitcast %add3A_193 : vector<16xi32> -> vector<16xf32>
      %div3A_195 = arith.divf %add3A_166, %bitcast_convert_type3A_194 : vector<16xf32>
      %add3A_196 = arith.addf %bitcast_convert_type3A_194, %div3A_195 : vector<16xf32>
      %mul3A_197 = arith.constant 5.000000e-01 : f32
      %mul3A_198 = vector.broadcast %mul3A_197 : f32 to vector<16xf32>
      %mul3A_199 = arith.mulf %mul3A_198, %add3A_196 : vector<16xf32>
      %div3A_200 = arith.divf %add3A_166, %mul3A_199 : vector<16xf32>
      %add3A_201 = arith.addf %mul3A_199, %div3A_200 : vector<16xf32>
      %mul3A_202 = arith.constant 5.000000e-01 : f32
      %mul3A_203 = vector.broadcast %mul3A_202 : f32 to vector<16xf32>
      %mul3A_204 = arith.mulf %mul3A_203, %add3A_201 : vector<16xf32>
      %sub3A_205 = arith.subf %mul3A_186, %mul3A_204 : vector<16xf32>
      %abs3A_206 = math.absf %sub3A_205 : vector<16xf32>
      %add3A_207 = arith.addf %get3A_168, %abs3A_206 : vector<16xf32>
      %swap3A_208 = arith.constant 0 : index
      %swap3A_209 = tpu.vector_load %arg18[%swap3A_208] {strides = array<i32>} : memref<16xf32, #tpu.memory_space<vmem>>, vector<16xf32>,
      tpu.vector_store %arg18[%swap3A_208], %add3A_207 {strides = array<i32>} : memref<16xf32, #tpu.memory_space<vmem>>, vector<16xf32>,
      %get3A_210 = arith.constant 2 : i32
      %get3A_211 = arith.index_cast %get3A_210 : i32 to index
      %get3A_212 = arith.index_cast %mul3A_57 : i32 to index
      %get3A_213 = tpu.vector_load %arg16[%get3A_211, %get3A_212] {strides = array<i32>} : memref<16x512xi32, #tpu.memory_space<vmem>>, vector<16xi32>,
      %gather3A_214 = tpu.vector_load_idx %arg10[%get3A_213] : memref<4096xf32, #tpu.memory_space<vmem>>[vector<16xi32>], vector<16xf32>,
      %gather3A_215 = tpu.vector_load_idx %arg11[%get3A_213] : memref<4096xf32, #tpu.memory_space<vmem>>[vector<16xi32>], vector<16xf32>,
      %gather3A_216 = tpu.vector_load_idx %arg12[%get3A_213] : memref<4096xf32, #tpu.memory_space<vmem>>[vector<16xi32>], vector<16xf32>,
      %sub3A_217 = arith.subf %gather3A_214, %get3A_60 : vector<16xf32>
      %sub3A_218 = arith.subf %gather3A_215, %get3A_63 : vector<16xf32>
      %sub3A_219 = arith.subf %gather3A_216, %get3A_66 : vector<16xf32>
      %mul3A_220 = arith.mulf %sub3A_217, %sub3A_217 : vector<16xf32>
      %mul3A_221 = arith.mulf %sub3A_218, %sub3A_218 : vector<16xf32>
      %add3A_222 = arith.addf %mul3A_220, %mul3A_221 : vector<16xf32>
      %mul3A_223 = arith.mulf %sub3A_219, %sub3A_219 : vector<16xf32>
      %add3A_224 = arith.addf %add3A_222, %mul3A_223 : vector<16xf32>
      %gather3A_225 = tpu.vector_load_idx %arg13[%get3A_213] : memref<4096xf32, #tpu.memory_space<vmem>>[vector<16xi32>], vector<16xf32>,
      %gather3A_226 = tpu.vector_load_idx %arg14[%get3A_213] : memref<4096xf32, #tpu.memory_space<vmem>>[vector<16xi32>], vector<16xf32>,
      %gather3A_227 = tpu.vector_load_idx %arg15[%get3A_213] : memref<4096xf32, #tpu.memory_space<vmem>>[vector<16xi32>], vector<16xf32>,
      %sub3A_228 = arith.subf %gather3A_225, %get3A_69 : vector<16xf32>
      %sub3A_229 = arith.subf %gather3A_226, %get3A_72 : vector<16xf32>
      %sub3A_230 = arith.subf %gather3A_227, %get3A_75 : vector<16xf32>
      %mul3A_231 = arith.mulf %sub3A_228, %sub3A_228 : vector<16xf32>
      %mul3A_232 = arith.mulf %sub3A_229, %sub3A_229 : vector<16xf32>
      %add3A_233 = arith.addf %mul3A_231, %mul3A_232 : vector<16xf32>
      %mul3A_234 = arith.mulf %sub3A_230, %sub3A_230 : vector<16xf32>
      %add3A_235 = arith.addf %add3A_233, %mul3A_234 : vector<16xf32>
      %get3A_236 = arith.constant 0 : index
      %get3A_237 = tpu.vector_load %arg18[%get3A_236] {strides = array<i32>} : memref<16xf32, #tpu.memory_space<vmem>>, vector<16xf32>,
      %bitcast_convert_type3A_238 = tpu.bitcast %add3A_224 : vector<16xf32> -> vector<16xi32>
      %shift_right_arithmetic3A_239 = arith.constant 1 : i32
      %shift_right_arithmetic3A_240 = vector.broadcast %shift_right_arithmetic3A_239 : i32 to vector<16xi32>
      %shift_right_arithmetic3A_241 = arith.shrsi %bitcast_convert_type3A_238, %shift_right_arithmetic3A_240 : vector<16xi32>
      %add3A_242 = arith.constant 532487670 : i32
      %add3A_243 = vector.broadcast %add3A_242 : i32 to vector<16xi32>
      %add3A_244 = arith.addi %shift_right_arithmetic3A_241, %add3A_243 : vector<16xi32>
      %bitcast_convert_type3A_245 = tpu.bitcast %add3A_244 : vector<16xi32> -> vector<16xf32>
      %div3A_246 = arith.divf %add3A_224, %bitcast_convert_type3A_245 : vector<16xf32>
      %add3A_247 = arith.addf %bitcast_convert_type3A_245, %div3A_246 : vector<16xf32>
      %mul3A_248 = arith.constant 5.000000e-01 : f32
      %mul3A_249 = vector.broadcast %mul3A_248 : f32 to vector<16xf32>
      %mul3A_250 = arith.mulf %mul3A_249, %add3A_247 : vector<16xf32>
      %div3A_251 = arith.divf %add3A_224, %mul3A_250 : vector<16xf32>
      %add3A_252 = arith.addf %mul3A_250, %div3A_251 : vector<16xf32>
      %mul3A_253 = arith.constant 5.000000e-01 : f32
      %mul3A_254 = vector.broadcast %mul3A_253 : f32 to vector<16xf32>
      %mul3A_255 = arith.mulf %mul3A_254, %add3A_252 : vector<16xf32>
      %bitcast_convert_type3A_256 = tpu.bitcast %add3A_235 : vector<16xf32> -> vector<16xi32>
      %shift_right_arithmetic3A_257 = arith.constant 1 : i32
      %shift_right_arithmetic3A_258 = vector.broadcast %shift_right_arithmetic3A_257 : i32 to vector<16xi32>
      %shift_right_arithmetic3A_259 = arith.shrsi %bitcast_convert_type3A_256, %shift_right_arithmetic3A_258 : vector<16xi32>
      %add3A_260 = arith.constant 532487670 : i32
      %add3A_261 = vector.broadcast %add3A_260 : i32 to vector<16xi32>
      %add3A_262 = arith.addi %shift_right_arithmetic3A_259, %add3A_261 : vector<16xi32>
      %bitcast_convert_type3A_263 = tpu.bitcast %add3A_262 : vector<16xi32> -> vector<16xf32>
      %div3A_264 = arith.divf %add3A_235, %bitcast_convert_type3A_263 : vector<16xf32>
      %add3A_265 = arith.addf %bitcast_convert_type3A_263, %div3A_264 : vector<16xf32>
      %mul3A_266 = arith.constant 5.000000e-01 : f32
      %mul3A_267 = vector.broadcast %mul3A_266 : f32 to vector<16xf32>
      %mul3A_268 = arith.mulf %mul3A_267, %add3A_265 : vector<16xf32>
      %div3A_269 = arith.divf %add3A_235, %mul3A_268 : vector<16xf32>
      %add3A_270 = arith.addf %mul3A_268, %div3A_269 : vector<16xf32>
      %mul3A_271 = arith.constant 5.000000e-01 : f32
      %mul3A_272 = vector.broadcast %mul3A_271 : f32 to vector<16xf32>
      %mul3A_273 = arith.mulf %mul3A_272, %add3A_270 : vector<16xf32>
      %sub3A_274 = arith.subf %mul3A_255, %mul3A_273 : vector<16xf32>
      %abs3A_275 = math.absf %sub3A_274 : vector<16xf32>
      %add3A_276 = arith.addf %get3A_237, %abs3A_275 : vector<16xf32>
      %swap3A_277 = arith.constant 0 : index
      %swap3A_278 = tpu.vector_load %arg18[%swap3A_277] {strides = array<i32>} : memref<16xf32, #tpu.memory_space<vmem>>, vector<16xf32>,
      tpu.vector_store %arg18[%swap3A_277], %add3A_276 {strides = array<i32>} : memref<16xf32, #tpu.memory_space<vmem>>, vector<16xf32>,
      %get3A_279 = arith.constant 3 : i32
      %get3A_280 = arith.index_cast %get3A_279 : i32 to index
      %get3A_281 = arith.index_cast %mul3A_57 : i32 to index
      %get3A_282 = tpu.vector_load %arg16[%get3A_280, %get3A_281] {strides = array<i32>} : memref<16x512xi32, #tpu.memory_space<vmem>>, vector<16xi32>,
      %gather3A_283 = tpu.vector_load_idx %arg10[%get3A_282] : memref<4096xf32, #tpu.memory_space<vmem>>[vector<16xi32>], vector<16xf32>,
      %gather3A_284 = tpu.vector_load_idx %arg11[%get3A_282] : memref<4096xf32, #tpu.memory_space<vmem>>[vector<16xi32>], vector<16xf32>,
      %gather3A_285 = tpu.vector_load_idx %arg12[%get3A_282] : memref<4096xf32, #tpu.memory_space<vmem>>[vector<16xi32>], vector<16xf32>,
      %sub3A_286 = arith.subf %gather3A_283, %get3A_60 : vector<16xf32>
      %sub3A_287 = arith.subf %gather3A_284, %get3A_63 : vector<16xf32>
      %sub3A_288 = arith.subf %gather3A_285, %get3A_66 : vector<16xf32>
      %mul3A_289 = arith.mulf %sub3A_286, %sub3A_286 : vector<16xf32>
      %mul3A_290 = arith.mulf %sub3A_287, %sub3A_287 : vector<16xf32>
      %add3A_291 = arith.addf %mul3A_289, %mul3A_290 : vector<16xf32>
      %mul3A_292 = arith.mulf %sub3A_288, %sub3A_288 : vector<16xf32>
      %add3A_293 = arith.addf %add3A_291, %mul3A_292 : vector<16xf32>
      %gather3A_294 = tpu.vector_load_idx %arg13[%get3A_282] : memref<4096xf32, #tpu.memory_space<vmem>>[vector<16xi32>], vector<16xf32>,
      %gather3A_295 = tpu.vector_load_idx %arg14[%get3A_282] : memref<4096xf32, #tpu.memory_space<vmem>>[vector<16xi32>], vector<16xf32>,
      %gather3A_296 = tpu.vector_load_idx %arg15[%get3A_282] : memref<4096xf32, #tpu.memory_space<vmem>>[vector<16xi32>], vector<16xf32>,
      %sub3A_297 = arith.subf %gather3A_294, %get3A_69 : vector<16xf32>
      %sub3A_298 = arith.subf %gather3A_295, %get3A_72 : vector<16xf32>
      %sub3A_299 = arith.subf %gather3A_296, %get3A_75 : vector<16xf32>
      %mul3A_300 = arith.mulf %sub3A_297, %sub3A_297 : vector<16xf32>
      %mul3A_301 = arith.mulf %sub3A_298, %sub3A_298 : vector<16xf32>
      %add3A_302 = arith.addf %mul3A_300, %mul3A_301 : vector<16xf32>
      %mul3A_303 = arith.mulf %sub3A_299, %sub3A_299 : vector<16xf32>
      %add3A_304 = arith.addf %add3A_302, %mul3A_303 : vector<16xf32>
      %get3A_305 = arith.constant 0 : index
      %get3A_306 = tpu.vector_load %arg18[%get3A_305] {strides = array<i32>} : memref<16xf32, #tpu.memory_space<vmem>>, vector<16xf32>,
      %bitcast_convert_type3A_307 = tpu.bitcast %add3A_293 : vector<16xf32> -> vector<16xi32>
      %shift_right_arithmetic3A_308 = arith.constant 1 : i32
      %shift_right_arithmetic3A_309 = vector.broadcast %shift_right_arithmetic3A_308 : i32 to vector<16xi32>
      %shift_right_arithmetic3A_310 = arith.shrsi %bitcast_convert_type3A_307, %shift_right_arithmetic3A_309 : vector<16xi32>
      %add3A_311 = arith.constant 532487670 : i32
      %add3A_312 = vector.broadcast %add3A_311 : i32 to vector<16xi32>
      %add3A_313 = arith.addi %shift_right_arithmetic3A_310, %add3A_312 : vector<16xi32>
      %bitcast_convert_type3A_314 = tpu.bitcast %add3A_313 : vector<16xi32> -> vector<16xf32>
      %div3A_315 = arith.divf %add3A_293, %bitcast_convert_type3A_314 : vector<16xf32>
      %add3A_316 = arith.addf %bitcast_convert_type3A_314, %div3A_315 : vector<16xf32>
      %mul3A_317 = arith.constant 5.000000e-01 : f32
      %mul3A_318 = vector.broadcast %mul3A_317 : f32 to vector<16xf32>
      %mul3A_319 = arith.mulf %mul3A_318, %add3A_316 : vector<16xf32>
      %div3A_320 = arith.divf %add3A_293, %mul3A_319 : vector<16xf32>
      %add3A_321 = arith.addf %mul3A_319, %div3A_320 : vector<16xf32>
      %mul3A_322 = arith.constant 5.000000e-01 : f32
      %mul3A_323 = vector.broadcast %mul3A_322 : f32 to vector<16xf32>
      %mul3A_324 = arith.mulf %mul3A_323, %add3A_321 : vector<16xf32>
      %bitcast_convert_type3A_325 = tpu.bitcast %add3A_304 : vector<16xf32> -> vector<16xi32>
      %shift_right_arithmetic3A_326 = arith.constant 1 : i32
      %shift_right_arithmetic3A_327 = vector.broadcast %shift_right_arithmetic3A_326 : i32 to vector<16xi32>
      %shift_right_arithmetic3A_328 = arith.shrsi %bitcast_convert_type3A_325, %shift_right_arithmetic3A_327 : vector<16xi32>
      %add3A_329 = arith.constant 532487670 : i32
      %add3A_330 = vector.broadcast %add3A_329 : i32 to vector<16xi32>
      %add3A_331 = arith.addi %shift_right_arithmetic3A_328, %add3A_330 : vector<16xi32>
      %bitcast_convert_type3A_332 = tpu.bitcast %add3A_331 : vector<16xi32> -> vector<16xf32>
      %div3A_333 = arith.divf %add3A_304, %bitcast_convert_type3A_332 : vector<16xf32>
      %add3A_334 = arith.addf %bitcast_convert_type3A_332, %div3A_333 : vector<16xf32>
      %mul3A_335 = arith.constant 5.000000e-01 : f32
      %mul3A_336 = vector.broadcast %mul3A_335 : f32 to vector<16xf32>
      %mul3A_337 = arith.mulf %mul3A_336, %add3A_334 : vector<16xf32>
      %div3A_338 = arith.divf %add3A_304, %mul3A_337 : vector<16xf32>
      %add3A_339 = arith.addf %mul3A_337, %div3A_338 : vector<16xf32>
      %mul3A_340 = arith.constant 5.000000e-01 : f32
      %mul3A_341 = vector.broadcast %mul3A_340 : f32 to vector<16xf32>
      %mul3A_342 = arith.mulf %mul3A_341, %add3A_339 : vector<16xf32>
      %sub3A_343 = arith.subf %mul3A_324, %mul3A_342 : vector<16xf32>
      %abs3A_344 = math.absf %sub3A_343 : vector<16xf32>
      %add3A_345 = arith.addf %get3A_306, %abs3A_344 : vector<16xf32>
      %swap3A_346 = arith.constant 0 : index
      %swap3A_347 = tpu.vector_load %arg18[%swap3A_346] {strides = array<i32>} : memref<16xf32, #tpu.memory_space<vmem>>, vector<16xf32>,
      tpu.vector_store %arg18[%swap3A_346], %add3A_345 {strides = array<i32>} : memref<16xf32, #tpu.memory_space<vmem>>, vector<16xf32>,
      %get3A_348 = arith.constant 4 : i32
      %get3A_349 = arith.index_cast %get3A_348 : i32 to index
      %get3A_350 = arith.index_cast %mul3A_57 : i32 to index
      %get3A_351 = tpu.vector_load %arg16[%get3A_349, %get3A_350] {strides = array<i32>} : memref<16x512xi32, #tpu.memory_space<vmem>>, vector<16xi32>,
      %gather3A_352 = tpu.vector_load_idx %arg10[%get3A_351] : memref<4096xf32, #tpu.memory_space<vmem>>[vector<16xi32>], vector<16xf32>,
      %gather3A_353 = tpu.vector_load_idx %arg11[%get3A_351] : memref<4096xf32, #tpu.memory_space<vmem>>[vector<16xi32>], vector<16xf32>,
      %gather3A_354 = tpu.vector_load_idx %arg12[%get3A_351] : memref<4096xf32, #tpu.memory_space<vmem>>[vector<16xi32>], vector<16xf32>,
      %sub3A_355 = arith.subf %gather3A_352, %get3A_60 : vector<16xf32>
      %sub3A_356 = arith.subf %gather3A_353, %get3A_63 : vector<16xf32>
      %sub3A_357 = arith.subf %gather3A_354, %get3A_66 : vector<16xf32>
      %mul3A_358 = arith.mulf %sub3A_355, %sub3A_355 : vector<16xf32>
      %mul3A_359 = arith.mulf %sub3A_356, %sub3A_356 : vector<16xf32>
      %add3A_360 = arith.addf %mul3A_358, %mul3A_359 : vector<16xf32>
      %mul3A_361 = arith.mulf %sub3A_357, %sub3A_357 : vector<16xf32>
      %add3A_362 = arith.addf %add3A_360, %mul3A_361 : vector<16xf32>
      %gather3A_363 = tpu.vector_load_idx %arg13[%get3A_351] : memref<4096xf32, #tpu.memory_space<vmem>>[vector<16xi32>], vector<16xf32>,
      %gather3A_364 = tpu.vector_load_idx %arg14[%get3A_351] : memref<4096xf32, #tpu.memory_space<vmem>>[vector<16xi32>], vector<16xf32>,
      %gather3A_365 = tpu.vector_load_idx %arg15[%get3A_351] : memref<4096xf32, #tpu.memory_space<vmem>>[vector<16xi32>], vector<16xf32>,
      %sub3A_366 = arith.subf %gather3A_363, %get3A_69 : vector<16xf32>
      %sub3A_367 = arith.subf %gather3A_364, %get3A_72 : vector<16xf32>
      %sub3A_368 = arith.subf %gather3A_365, %get3A_75 : vector<16xf32>
      %mul3A_369 = arith.mulf %sub3A_366, %sub3A_366 : vector<16xf32>
      %mul3A_370 = arith.mulf %sub3A_367, %sub3A_367 : vector<16xf32>
      %add3A_371 = arith.addf %mul3A_369, %mul3A_370 : vector<16xf32>
      %mul3A_372 = arith.mulf %sub3A_368, %sub3A_368 : vector<16xf32>
      %add3A_373 = arith.addf %add3A_371, %mul3A_372 : vector<16xf32>
      %get3A_374 = arith.constant 0 : index
      %get3A_375 = tpu.vector_load %arg18[%get3A_374] {strides = array<i32>} : memref<16xf32, #tpu.memory_space<vmem>>, vector<16xf32>,
      %bitcast_convert_type3A_376 = tpu.bitcast %add3A_362 : vector<16xf32> -> vector<16xi32>
      %shift_right_arithmetic3A_377 = arith.constant 1 : i32
      %shift_right_arithmetic3A_378 = vector.broadcast %shift_right_arithmetic3A_377 : i32 to vector<16xi32>
      %shift_right_arithmetic3A_379 = arith.shrsi %bitcast_convert_type3A_376, %shift_right_arithmetic3A_378 : vector<16xi32>
      %add3A_380 = arith.constant 532487670 : i32
      %add3A_381 = vector.broadcast %add3A_380 : i32 to vector<16xi32>
      %add3A_382 = arith.addi %shift_right_arithmetic3A_379, %add3A_381 : vector<16xi32>
      %bitcast_convert_type3A_383 = tpu.bitcast %add3A_382 : vector<16xi32> -> vector<16xf32>
      %div3A_384 = arith.divf %add3A_362, %bitcast_convert_type3A_383 : vector<16xf32>
      %add3A_385 = arith.addf %bitcast_convert_type3A_383, %div3A_384 : vector<16xf32>
      %mul3A_386 = arith.constant 5.000000e-01 : f32
      %mul3A_387 = vector.broadcast %mul3A_386 : f32 to vector<16xf32>
      %mul3A_388 = arith.mulf %mul3A_387, %add3A_385 : vector<16xf32>
      %div3A_389 = arith.divf %add3A_362, %mul3A_388 : vector<16xf32>
      %add3A_390 = arith.addf %mul3A_388, %div3A_389 : vector<16xf32>
      %mul3A_391 = arith.constant 5.000000e-01 : f32
      %mul3A_392 = vector.broadcast %mul3A_391 : f32 to vector<16xf32>
      %mul3A_393 = arith.mulf %mul3A_392, %add3A_390 : vector<16xf32>
      %bitcast_convert_type3A_394 = tpu.bitcast %add3A_373 : vector<16xf32> -> vector<16xi32>
      %shift_right_arithmetic3A_395 = arith.constant 1 : i32
      %shift_right_arithmetic3A_396 = vector.broadcast %shift_right_arithmetic3A_395 : i32 to vector<16xi32>
      %shift_right_arithmetic3A_397 = arith.shrsi %bitcast_convert_type3A_394, %shift_right_arithmetic3A_396 : vector<16xi32>
      %add3A_398 = arith.constant 532487670 : i32
      %add3A_399 = vector.broadcast %add3A_398 : i32 to vector<16xi32>
      %add3A_400 = arith.addi %shift_right_arithmetic3A_397, %add3A_399 : vector<16xi32>
      %bitcast_convert_type3A_401 = tpu.bitcast %add3A_400 : vector<16xi32> -> vector<16xf32>
      %div3A_402 = arith.divf %add3A_373, %bitcast_convert_type3A_401 : vector<16xf32>
      %add3A_403 = arith.addf %bitcast_convert_type3A_401, %div3A_402 : vector<16xf32>
      %mul3A_404 = arith.constant 5.000000e-01 : f32
      %mul3A_405 = vector.broadcast %mul3A_404 : f32 to vector<16xf32>
      %mul3A_406 = arith.mulf %mul3A_405, %add3A_403 : vector<16xf32>
      %div3A_407 = arith.divf %add3A_373, %mul3A_406 : vector<16xf32>
      %add3A_408 = arith.addf %mul3A_406, %div3A_407 : vector<16xf32>
      %mul3A_409 = arith.constant 5.000000e-01 : f32
      %mul3A_410 = vector.broadcast %mul3A_409 : f32 to vector<16xf32>
      %mul3A_411 = arith.mulf %mul3A_410, %add3A_408 : vector<16xf32>
      %sub3A_412 = arith.subf %mul3A_393, %mul3A_411 : vector<16xf32>
      %abs3A_413 = math.absf %sub3A_412 : vector<16xf32>
      %add3A_414 = arith.addf %get3A_375, %abs3A_413 : vector<16xf32>
      %swap3A_415 = arith.constant 0 : index
      %swap3A_416 = tpu.vector_load %arg18[%swap3A_415] {strides = array<i32>} : memref<16xf32, #tpu.memory_space<vmem>>, vector<16xf32>,
      tpu.vector_store %arg18[%swap3A_415], %add3A_414 {strides = array<i32>} : memref<16xf32, #tpu.memory_space<vmem>>, vector<16xf32>,
      %get3A_417 = arith.constant 5 : i32
      %get3A_418 = arith.index_cast %get3A_417 : i32 to index
      %get3A_419 = arith.index_cast %mul3A_57 : i32 to index
      %get3A_420 = tpu.vector_load %arg16[%get3A_418, %get3A_419] {strides = array<i32>} : memref<16x512xi32, #tpu.memory_space<vmem>>, vector<16xi32>,
      %gather3A_421 = tpu.vector_load_idx %arg10[%get3A_420] : memref<4096xf32, #tpu.memory_space<vmem>>[vector<16xi32>], vector<16xf32>,
      %gather3A_422 = tpu.vector_load_idx %arg11[%get3A_420] : memref<4096xf32, #tpu.memory_space<vmem>>[vector<16xi32>], vector<16xf32>,
      %gather3A_423 = tpu.vector_load_idx %arg12[%get3A_420] : memref<4096xf32, #tpu.memory_space<vmem>>[vector<16xi32>], vector<16xf32>,
      %sub3A_424 = arith.subf %gather3A_421, %get3A_60 : vector<16xf32>
      %sub3A_425 = arith.subf %gather3A_422, %get3A_63 : vector<16xf32>
      %sub3A_426 = arith.subf %gather3A_423, %get3A_66 : vector<16xf32>
      %mul3A_427 = arith.mulf %sub3A_424, %sub3A_424 : vector<16xf32>
      %mul3A_428 = arith.mulf %sub3A_425, %sub3A_425 : vector<16xf32>
      %add3A_429 = arith.addf %mul3A_427, %mul3A_428 : vector<16xf32>
      %mul3A_430 = arith.mulf %sub3A_426, %sub3A_426 : vector<16xf32>
      %add3A_431 = arith.addf %add3A_429, %mul3A_430 : vector<16xf32>
      %gather3A_432 = tpu.vector_load_idx %arg13[%get3A_420] : memref<4096xf32, #tpu.memory_space<vmem>>[vector<16xi32>], vector<16xf32>,
      %gather3A_433 = tpu.vector_load_idx %arg14[%get3A_420] : memref<4096xf32, #tpu.memory_space<vmem>>[vector<16xi32>], vector<16xf32>,
      %gather3A_434 = tpu.vector_load_idx %arg15[%get3A_420] : memref<4096xf32, #tpu.memory_space<vmem>>[vector<16xi32>], vector<16xf32>,
      %sub3A_435 = arith.subf %gather3A_432, %get3A_69 : vector<16xf32>
      %sub3A_436 = arith.subf %gather3A_433, %get3A_72 : vector<16xf32>
      %sub3A_437 = arith.subf %gather3A_434, %get3A_75 : vector<16xf32>
      %mul3A_438 = arith.mulf %sub3A_435, %sub3A_435 : vector<16xf32>
      %mul3A_439 = arith.mulf %sub3A_436, %sub3A_436 : vector<16xf32>
      %add3A_440 = arith.addf %mul3A_438, %mul3A_439 : vector<16xf32>
      %mul3A_441 = arith.mulf %sub3A_437, %sub3A_437 : vector<16xf32>
      %add3A_442 = arith.addf %add3A_440, %mul3A_441 : vector<16xf32>
      %get3A_443 = arith.constant 0 : index
      %get3A_444 = tpu.vector_load %arg18[%get3A_443] {strides = array<i32>} : memref<16xf32, #tpu.memory_space<vmem>>, vector<16xf32>,
      %bitcast_convert_type3A_445 = tpu.bitcast %add3A_431 : vector<16xf32> -> vector<16xi32>
      %shift_right_arithmetic3A_446 = arith.constant 1 : i32
      %shift_right_arithmetic3A_447 = vector.broadcast %shift_right_arithmetic3A_446 : i32 to vector<16xi32>
      %shift_right_arithmetic3A_448 = arith.shrsi %bitcast_convert_type3A_445, %shift_right_arithmetic3A_447 : vector<16xi32>
      %add3A_449 = arith.constant 532487670 : i32
      %add3A_450 = vector.broadcast %add3A_449 : i32 to vector<16xi32>
      %add3A_451 = arith.addi %shift_right_arithmetic3A_448, %add3A_450 : vector<16xi32>
      %bitcast_convert_type3A_452 = tpu.bitcast %add3A_451 : vector<16xi32> -> vector<16xf32>
      %div3A_453 = arith.divf %add3A_431, %bitcast_convert_type3A_452 : vector<16xf32>
      %add3A_454 = arith.addf %bitcast_convert_type3A_452, %div3A_453 : vector<16xf32>
      %mul3A_455 = arith.constant 5.000000e-01 : f32
      %mul3A_456 = vector.broadcast %mul3A_455 : f32 to vector<16xf32>
      %mul3A_457 = arith.mulf %mul3A_456, %add3A_454 : vector<16xf32>
      %div3A_458 = arith.divf %add3A_431, %mul3A_457 : vector<16xf32>
      %add3A_459 = arith.addf %mul3A_457, %div3A_458 : vector<16xf32>
      %mul3A_460 = arith.constant 5.000000e-01 : f32
      %mul3A_461 = vector.broadcast %mul3A_460 : f32 to vector<16xf32>
      %mul3A_462 = arith.mulf %mul3A_461, %add3A_459 : vector<16xf32>
      %bitcast_convert_type3A_463 = tpu.bitcast %add3A_442 : vector<16xf32> -> vector<16xi32>
      %shift_right_arithmetic3A_464 = arith.constant 1 : i32
      %shift_right_arithmetic3A_465 = vector.broadcast %shift_right_arithmetic3A_464 : i32 to vector<16xi32>
      %shift_right_arithmetic3A_466 = arith.shrsi %bitcast_convert_type3A_463, %shift_right_arithmetic3A_465 : vector<16xi32>
      %add3A_467 = arith.constant 532487670 : i32
      %add3A_468 = vector.broadcast %add3A_467 : i32 to vector<16xi32>
      %add3A_469 = arith.addi %shift_right_arithmetic3A_466, %add3A_468 : vector<16xi32>
      %bitcast_convert_type3A_470 = tpu.bitcast %add3A_469 : vector<16xi32> -> vector<16xf32>
      %div3A_471 = arith.divf %add3A_442, %bitcast_convert_type3A_470 : vector<16xf32>
      %add3A_472 = arith.addf %bitcast_convert_type3A_470, %div3A_471 : vector<16xf32>
      %mul3A_473 = arith.constant 5.000000e-01 : f32
      %mul3A_474 = vector.broadcast %mul3A_473 : f32 to vector<16xf32>
      %mul3A_475 = arith.mulf %mul3A_474, %add3A_472 : vector<16xf32>
      %div3A_476 = arith.divf %add3A_442, %mul3A_475 : vector<16xf32>
      %add3A_477 = arith.addf %mul3A_475, %div3A_476 : vector<16xf32>
      %mul3A_478 = arith.constant 5.000000e-01 : f32
      %mul3A_479 = vector.broadcast %mul3A_478 : f32 to vector<16xf32>
      %mul3A_480 = arith.mulf %mul3A_479, %add3A_477 : vector<16xf32>
      %sub3A_481 = arith.subf %mul3A_462, %mul3A_480 : vector<16xf32>
      %abs3A_482 = math.absf %sub3A_481 : vector<16xf32>
      %add3A_483 = arith.addf %get3A_444, %abs3A_482 : vector<16xf32>
      %swap3A_484 = arith.constant 0 : index
      %swap3A_485 = tpu.vector_load %arg18[%swap3A_484] {strides = array<i32>} : memref<16xf32, #tpu.memory_space<vmem>>, vector<16xf32>,
      tpu.vector_store %arg18[%swap3A_484], %add3A_483 {strides = array<i32>} : memref<16xf32, #tpu.memory_space<vmem>>, vector<16xf32>,
      %get3A_486 = arith.constant 6 : i32
      %get3A_487 = arith.index_cast %get3A_486 : i32 to index
      %get3A_488 = arith.index_cast %mul3A_57 : i32 to index
      %get3A_489 = tpu.vector_load %arg16[%get3A_487, %get3A_488] {strides = array<i32>} : memref<16x512xi32, #tpu.memory_space<vmem>>, vector<16xi32>,
      %gather3A_490 = tpu.vector_load_idx %arg10[%get3A_489] : memref<4096xf32, #tpu.memory_space<vmem>>[vector<16xi32>], vector<16xf32>,
      %gather3A_491 = tpu.vector_load_idx %arg11[%get3A_489] : memref<4096xf32, #tpu.memory_space<vmem>>[vector<16xi32>], vector<16xf32>,
      %gather3A_492 = tpu.vector_load_idx %arg12[%get3A_489] : memref<4096xf32, #tpu.memory_space<vmem>>[vector<16xi32>], vector<16xf32>,
      %sub3A_493 = arith.subf %gather3A_490, %get3A_60 : vector<16xf32>
      %sub3A_494 = arith.subf %gather3A_491, %get3A_63 : vector<16xf32>
      %sub3A_495 = arith.subf %gather3A_492, %get3A_66 : vector<16xf32>
      %mul3A_496 = arith.mulf %sub3A_493, %sub3A_493 : vector<16xf32>
      %mul3A_497 = arith.mulf %sub3A_494, %sub3A_494 : vector<16xf32>
      %add3A_498 = arith.addf %mul3A_496, %mul3A_497 : vector<16xf32>
      %mul3A_499 = arith.mulf %sub3A_495, %sub3A_495 : vector<16xf32>
      %add3A_500 = arith.addf %add3A_498, %mul3A_499 : vector<16xf32>
      %gather3A_501 = tpu.vector_load_idx %arg13[%get3A_489] : memref<4096xf32, #tpu.memory_space<vmem>>[vector<16xi32>], vector<16xf32>,
      %gather3A_502 = tpu.vector_load_idx %arg14[%get3A_489] : memref<4096xf32, #tpu.memory_space<vmem>>[vector<16xi32>], vector<16xf32>,
      %gather3A_503 = tpu.vector_load_idx %arg15[%get3A_489] : memref<4096xf32, #tpu.memory_space<vmem>>[vector<16xi32>], vector<16xf32>,
      %sub3A_504 = arith.subf %gather3A_501, %get3A_69 : vector<16xf32>
      %sub3A_505 = arith.subf %gather3A_502, %get3A_72 : vector<16xf32>
      %sub3A_506 = arith.subf %gather3A_503, %get3A_75 : vector<16xf32>
      %mul3A_507 = arith.mulf %sub3A_504, %sub3A_504 : vector<16xf32>
      %mul3A_508 = arith.mulf %sub3A_505, %sub3A_505 : vector<16xf32>
      %add3A_509 = arith.addf %mul3A_507, %mul3A_508 : vector<16xf32>
      %mul3A_510 = arith.mulf %sub3A_506, %sub3A_506 : vector<16xf32>
      %add3A_511 = arith.addf %add3A_509, %mul3A_510 : vector<16xf32>
      %get3A_512 = arith.constant 0 : index
      %get3A_513 = tpu.vector_load %arg18[%get3A_512] {strides = array<i32>} : memref<16xf32, #tpu.memory_space<vmem>>, vector<16xf32>,
      %bitcast_convert_type3A_514 = tpu.bitcast %add3A_500 : vector<16xf32> -> vector<16xi32>
      %shift_right_arithmetic3A_515 = arith.constant 1 : i32
      %shift_right_arithmetic3A_516 = vector.broadcast %shift_right_arithmetic3A_515 : i32 to vector<16xi32>
      %shift_right_arithmetic3A_517 = arith.shrsi %bitcast_convert_type3A_514, %shift_right_arithmetic3A_516 : vector<16xi32>
      %add3A_518 = arith.constant 532487670 : i32
      %add3A_519 = vector.broadcast %add3A_518 : i32 to vector<16xi32>
      %add3A_520 = arith.addi %shift_right_arithmetic3A_517, %add3A_519 : vector<16xi32>
      %bitcast_convert_type3A_521 = tpu.bitcast %add3A_520 : vector<16xi32> -> vector<16xf32>
      %div3A_522 = arith.divf %add3A_500, %bitcast_convert_type3A_521 : vector<16xf32>
      %add3A_523 = arith.addf %bitcast_convert_type3A_521, %div3A_522 : vector<16xf32>
      %mul3A_524 = arith.constant 5.000000e-01 : f32
      %mul3A_525 = vector.broadcast %mul3A_524 : f32 to vector<16xf32>
      %mul3A_526 = arith.mulf %mul3A_525, %add3A_523 : vector<16xf32>
      %div3A_527 = arith.divf %add3A_500, %mul3A_526 : vector<16xf32>
      %add3A_528 = arith.addf %mul3A_526, %div3A_527 : vector<16xf32>
      %mul3A_529 = arith.constant 5.000000e-01 : f32
      %mul3A_530 = vector.broadcast %mul3A_529 : f32 to vector<16xf32>
      %mul3A_531 = arith.mulf %mul3A_530, %add3A_528 : vector<16xf32>
      %bitcast_convert_type3A_532 = tpu.bitcast %add3A_511 : vector<16xf32> -> vector<16xi32>
      %shift_right_arithmetic3A_533 = arith.constant 1 : i32
      %shift_right_arithmetic3A_534 = vector.broadcast %shift_right_arithmetic3A_533 : i32 to vector<16xi32>
      %shift_right_arithmetic3A_535 = arith.shrsi %bitcast_convert_type3A_532, %shift_right_arithmetic3A_534 : vector<16xi32>
      %add3A_536 = arith.constant 532487670 : i32
      %add3A_537 = vector.broadcast %add3A_536 : i32 to vector<16xi32>
      %add3A_538 = arith.addi %shift_right_arithmetic3A_535, %add3A_537 : vector<16xi32>
      %bitcast_convert_type3A_539 = tpu.bitcast %add3A_538 : vector<16xi32> -> vector<16xf32>
      %div3A_540 = arith.divf %add3A_511, %bitcast_convert_type3A_539 : vector<16xf32>
      %add3A_541 = arith.addf %bitcast_convert_type3A_539, %div3A_540 : vector<16xf32>
      %mul3A_542 = arith.constant 5.000000e-01 : f32
      %mul3A_543 = vector.broadcast %mul3A_542 : f32 to vector<16xf32>
      %mul3A_544 = arith.mulf %mul3A_543, %add3A_541 : vector<16xf32>
      %div3A_545 = arith.divf %add3A_511, %mul3A_544 : vector<16xf32>
      %add3A_546 = arith.addf %mul3A_544, %div3A_545 : vector<16xf32>
      %mul3A_547 = arith.constant 5.000000e-01 : f32
      %mul3A_548 = vector.broadcast %mul3A_547 : f32 to vector<16xf32>
      %mul3A_549 = arith.mulf %mul3A_548, %add3A_546 : vector<16xf32>
      %sub3A_550 = arith.subf %mul3A_531, %mul3A_549 : vector<16xf32>
      %abs3A_551 = math.absf %sub3A_550 : vector<16xf32>
      %add3A_552 = arith.addf %get3A_513, %abs3A_551 : vector<16xf32>
      %swap3A_553 = arith.constant 0 : index
      %swap3A_554 = tpu.vector_load %arg18[%swap3A_553] {strides = array<i32>} : memref<16xf32, #tpu.memory_space<vmem>>, vector<16xf32>,
      tpu.vector_store %arg18[%swap3A_553], %add3A_552 {strides = array<i32>} : memref<16xf32, #tpu.memory_space<vmem>>, vector<16xf32>,
      %get3A_555 = arith.constant 7 : i32
      %get3A_556 = arith.index_cast %get3A_555 : i32 to index
      %get3A_557 = arith.index_cast %mul3A_57 : i32 to index
      %get3A_558 = tpu.vector_load %arg16[%get3A_556, %get3A_557] {strides = array<i32>} : memref<16x512xi32, #tpu.memory_space<vmem>>, vector<16xi32>,
      %gather3A_559 = tpu.vector_load_idx %arg10[%get3A_558] : memref<4096xf32, #tpu.memory_space<vmem>>[vector<16xi32>], vector<16xf32>,
      %gather3A_560 = tpu.vector_load_idx %arg11[%get3A_558] : memref<4096xf32, #tpu.memory_space<vmem>>[vector<16xi32>], vector<16xf32>,
      %gather3A_561 = tpu.vector_load_idx %arg12[%get3A_558] : memref<4096xf32, #tpu.memory_space<vmem>>[vector<16xi32>], vector<16xf32>,
      %sub3A_562 = arith.subf %gather3A_559, %get3A_60 : vector<16xf32>
      %sub3A_563 = arith.subf %gather3A_560, %get3A_63 : vector<16xf32>
      %sub3A_564 = arith.subf %gather3A_561, %get3A_66 : vector<16xf32>
      %mul3A_565 = arith.mulf %sub3A_562, %sub3A_562 : vector<16xf32>
      %mul3A_566 = arith.mulf %sub3A_563, %sub3A_563 : vector<16xf32>
      %add3A_567 = arith.addf %mul3A_565, %mul3A_566 : vector<16xf32>
      %mul3A_568 = arith.mulf %sub3A_564, %sub3A_564 : vector<16xf32>
      %add3A_569 = arith.addf %add3A_567, %mul3A_568 : vector<16xf32>
      %gather3A_570 = tpu.vector_load_idx %arg13[%get3A_558] : memref<4096xf32, #tpu.memory_space<vmem>>[vector<16xi32>], vector<16xf32>,
      %gather3A_571 = tpu.vector_load_idx %arg14[%get3A_558] : memref<4096xf32, #tpu.memory_space<vmem>>[vector<16xi32>], vector<16xf32>,
      %gather3A_572 = tpu.vector_load_idx %arg15[%get3A_558] : memref<4096xf32, #tpu.memory_space<vmem>>[vector<16xi32>], vector<16xf32>,
      %sub3A_573 = arith.subf %gather3A_570, %get3A_69 : vector<16xf32>
      %sub3A_574 = arith.subf %gather3A_571, %get3A_72 : vector<16xf32>
      %sub3A_575 = arith.subf %gather3A_572, %get3A_75 : vector<16xf32>
      %mul3A_576 = arith.mulf %sub3A_573, %sub3A_573 : vector<16xf32>
      %mul3A_577 = arith.mulf %sub3A_574, %sub3A_574 : vector<16xf32>
      %add3A_578 = arith.addf %mul3A_576, %mul3A_577 : vector<16xf32>
      %mul3A_579 = arith.mulf %sub3A_575, %sub3A_575 : vector<16xf32>
      %add3A_580 = arith.addf %add3A_578, %mul3A_579 : vector<16xf32>
      %get3A_581 = arith.constant 0 : index
      %get3A_582 = tpu.vector_load %arg18[%get3A_581] {strides = array<i32>} : memref<16xf32, #tpu.memory_space<vmem>>, vector<16xf32>,
      %bitcast_convert_type3A_583 = tpu.bitcast %add3A_569 : vector<16xf32> -> vector<16xi32>
      %shift_right_arithmetic3A_584 = arith.constant 1 : i32
      %shift_right_arithmetic3A_585 = vector.broadcast %shift_right_arithmetic3A_584 : i32 to vector<16xi32>
      %shift_right_arithmetic3A_586 = arith.shrsi %bitcast_convert_type3A_583, %shift_right_arithmetic3A_585 : vector<16xi32>
      %add3A_587 = arith.constant 532487670 : i32
      %add3A_588 = vector.broadcast %add3A_587 : i32 to vector<16xi32>
      %add3A_589 = arith.addi %shift_right_arithmetic3A_586, %add3A_588 : vector<16xi32>
      %bitcast_convert_type3A_590 = tpu.bitcast %add3A_589 : vector<16xi32> -> vector<16xf32>
      %div3A_591 = arith.divf %add3A_569, %bitcast_convert_type3A_590 : vector<16xf32>
      %add3A_592 = arith.addf %bitcast_convert_type3A_590, %div3A_591 : vector<16xf32>
      %mul3A_593 = arith.constant 5.000000e-01 : f32
      %mul3A_594 = vector.broadcast %mul3A_593 : f32 to vector<16xf32>
      %mul3A_595 = arith.mulf %mul3A_594, %add3A_592 : vector<16xf32>
      %div3A_596 = arith.divf %add3A_569, %mul3A_595 : vector<16xf32>
      %add3A_597 = arith.addf %mul3A_595, %div3A_596 : vector<16xf32>
      %mul3A_598 = arith.constant 5.000000e-01 : f32
      %mul3A_599 = vector.broadcast %mul3A_598 : f32 to vector<16xf32>
      %mul3A_600 = arith.mulf %mul3A_599, %add3A_597 : vector<16xf32>
      %bitcast_convert_type3A_601 = tpu.bitcast %add3A_580 : vector<16xf32> -> vector<16xi32>
      %shift_right_arithmetic3A_602 = arith.constant 1 : i32
      %shift_right_arithmetic3A_603 = vector.broadcast %shift_right_arithmetic3A_602 : i32 to vector<16xi32>
      %shift_right_arithmetic3A_604 = arith.shrsi %bitcast_convert_type3A_601, %shift_right_arithmetic3A_603 : vector<16xi32>
      %add3A_605 = arith.constant 532487670 : i32
      %add3A_606 = vector.broadcast %add3A_605 : i32 to vector<16xi32>
      %add3A_607 = arith.addi %shift_right_arithmetic3A_604, %add3A_606 : vector<16xi32>
      %bitcast_convert_type3A_608 = tpu.bitcast %add3A_607 : vector<16xi32> -> vector<16xf32>
      %div3A_609 = arith.divf %add3A_580, %bitcast_convert_type3A_608 : vector<16xf32>
      %add3A_610 = arith.addf %bitcast_convert_type3A_608, %div3A_609 : vector<16xf32>
      %mul3A_611 = arith.constant 5.000000e-01 : f32
      %mul3A_612 = vector.broadcast %mul3A_611 : f32 to vector<16xf32>
      %mul3A_613 = arith.mulf %mul3A_612, %add3A_610 : vector<16xf32>
      %div3A_614 = arith.divf %add3A_580, %mul3A_613 : vector<16xf32>
      %add3A_615 = arith.addf %mul3A_613, %div3A_614 : vector<16xf32>
      %mul3A_616 = arith.constant 5.000000e-01 : f32
      %mul3A_617 = vector.broadcast %mul3A_616 : f32 to vector<16xf32>
      %mul3A_618 = arith.mulf %mul3A_617, %add3A_615 : vector<16xf32>
      %sub3A_619 = arith.subf %mul3A_600, %mul3A_618 : vector<16xf32>
      %abs3A_620 = math.absf %sub3A_619 : vector<16xf32>
      %add3A_621 = arith.addf %get3A_582, %abs3A_620 : vector<16xf32>
      %swap3A_622 = arith.constant 0 : index
      %swap3A_623 = tpu.vector_load %arg18[%swap3A_622] {strides = array<i32>} : memref<16xf32, #tpu.memory_space<vmem>>, vector<16xf32>,
      tpu.vector_store %arg18[%swap3A_622], %add3A_621 {strides = array<i32>} : memref<16xf32, #tpu.memory_space<vmem>>, vector<16xf32>,
      %get3A_624 = arith.constant 8 : i32
      %get3A_625 = arith.index_cast %get3A_624 : i32 to index
      %get3A_626 = arith.index_cast %mul3A_57 : i32 to index
      %get3A_627 = tpu.vector_load %arg16[%get3A_625, %get3A_626] {strides = array<i32>} : memref<16x512xi32, #tpu.memory_space<vmem>>, vector<16xi32>,
      %gather3A_628 = tpu.vector_load_idx %arg10[%get3A_627] : memref<4096xf32, #tpu.memory_space<vmem>>[vector<16xi32>], vector<16xf32>,
      %gather3A_629 = tpu.vector_load_idx %arg11[%get3A_627] : memref<4096xf32, #tpu.memory_space<vmem>>[vector<16xi32>], vector<16xf32>,
      %gather3A_630 = tpu.vector_load_idx %arg12[%get3A_627] : memref<4096xf32, #tpu.memory_space<vmem>>[vector<16xi32>], vector<16xf32>,
      %sub3A_631 = arith.subf %gather3A_628, %get3A_60 : vector<16xf32>
      %sub3A_632 = arith.subf %gather3A_629, %get3A_63 : vector<16xf32>
      %sub3A_633 = arith.subf %gather3A_630, %get3A_66 : vector<16xf32>
      %mul3A_634 = arith.mulf %sub3A_631, %sub3A_631 : vector<16xf32>
      %mul3A_635 = arith.mulf %sub3A_632, %sub3A_632 : vector<16xf32>
      %add3A_636 = arith.addf %mul3A_634, %mul3A_635 : vector<16xf32>
      %mul3A_637 = arith.mulf %sub3A_633, %sub3A_633 : vector<16xf32>
      %add3A_638 = arith.addf %add3A_636, %mul3A_637 : vector<16xf32>
      %gather3A_639 = tpu.vector_load_idx %arg13[%get3A_627] : memref<4096xf32, #tpu.memory_space<vmem>>[vector<16xi32>], vector<16xf32>,
      %gather3A_640 = tpu.vector_load_idx %arg14[%get3A_627] : memref<4096xf32, #tpu.memory_space<vmem>>[vector<16xi32>], vector<16xf32>,
      %gather3A_641 = tpu.vector_load_idx %arg15[%get3A_627] : memref<4096xf32, #tpu.memory_space<vmem>>[vector<16xi32>], vector<16xf32>,
      %sub3A_642 = arith.subf %gather3A_639, %get3A_69 : vector<16xf32>
      %sub3A_643 = arith.subf %gather3A_640, %get3A_72 : vector<16xf32>
      %sub3A_644 = arith.subf %gather3A_641, %get3A_75 : vector<16xf32>
      %mul3A_645 = arith.mulf %sub3A_642, %sub3A_642 : vector<16xf32>
      %mul3A_646 = arith.mulf %sub3A_643, %sub3A_643 : vector<16xf32>
      %add3A_647 = arith.addf %mul3A_645, %mul3A_646 : vector<16xf32>
      %mul3A_648 = arith.mulf %sub3A_644, %sub3A_644 : vector<16xf32>
      %add3A_649 = arith.addf %add3A_647, %mul3A_648 : vector<16xf32>
      %get3A_650 = arith.constant 0 : index
      %get3A_651 = tpu.vector_load %arg18[%get3A_650] {strides = array<i32>} : memref<16xf32, #tpu.memory_space<vmem>>, vector<16xf32>,
      %bitcast_convert_type3A_652 = tpu.bitcast %add3A_638 : vector<16xf32> -> vector<16xi32>
      %shift_right_arithmetic3A_653 = arith.constant 1 : i32
      %shift_right_arithmetic3A_654 = vector.broadcast %shift_right_arithmetic3A_653 : i32 to vector<16xi32>
      %shift_right_arithmetic3A_655 = arith.shrsi %bitcast_convert_type3A_652, %shift_right_arithmetic3A_654 : vector<16xi32>
      %add3A_656 = arith.constant 532487670 : i32
      %add3A_657 = vector.broadcast %add3A_656 : i32 to vector<16xi32>
      %add3A_658 = arith.addi %shift_right_arithmetic3A_655, %add3A_657 : vector<16xi32>
      %bitcast_convert_type3A_659 = tpu.bitcast %add3A_658 : vector<16xi32> -> vector<16xf32>
      %div3A_660 = arith.divf %add3A_638, %bitcast_convert_type3A_659 : vector<16xf32>
      %add3A_661 = arith.addf %bitcast_convert_type3A_659, %div3A_660 : vector<16xf32>
      %mul3A_662 = arith.constant 5.000000e-01 : f32
      %mul3A_663 = vector.broadcast %mul3A_662 : f32 to vector<16xf32>
      %mul3A_664 = arith.mulf %mul3A_663, %add3A_661 : vector<16xf32>
      %div3A_665 = arith.divf %add3A_638, %mul3A_664 : vector<16xf32>
      %add3A_666 = arith.addf %mul3A_664, %div3A_665 : vector<16xf32>
      %mul3A_667 = arith.constant 5.000000e-01 : f32
      %mul3A_668 = vector.broadcast %mul3A_667 : f32 to vector<16xf32>
      %mul3A_669 = arith.mulf %mul3A_668, %add3A_666 : vector<16xf32>
      %bitcast_convert_type3A_670 = tpu.bitcast %add3A_649 : vector<16xf32> -> vector<16xi32>
      %shift_right_arithmetic3A_671 = arith.constant 1 : i32
      %shift_right_arithmetic3A_672 = vector.broadcast %shift_right_arithmetic3A_671 : i32 to vector<16xi32>
      %shift_right_arithmetic3A_673 = arith.shrsi %bitcast_convert_type3A_670, %shift_right_arithmetic3A_672 : vector<16xi32>
      %add3A_674 = arith.constant 532487670 : i32
      %add3A_675 = vector.broadcast %add3A_674 : i32 to vector<16xi32>
      %add3A_676 = arith.addi %shift_right_arithmetic3A_673, %add3A_675 : vector<16xi32>
      %bitcast_convert_type3A_677 = tpu.bitcast %add3A_676 : vector<16xi32> -> vector<16xf32>
      %div3A_678 = arith.divf %add3A_649, %bitcast_convert_type3A_677 : vector<16xf32>
      %add3A_679 = arith.addf %bitcast_convert_type3A_677, %div3A_678 : vector<16xf32>
      %mul3A_680 = arith.constant 5.000000e-01 : f32
      %mul3A_681 = vector.broadcast %mul3A_680 : f32 to vector<16xf32>
      %mul3A_682 = arith.mulf %mul3A_681, %add3A_679 : vector<16xf32>
      %div3A_683 = arith.divf %add3A_649, %mul3A_682 : vector<16xf32>
      %add3A_684 = arith.addf %mul3A_682, %div3A_683 : vector<16xf32>
      %mul3A_685 = arith.constant 5.000000e-01 : f32
      %mul3A_686 = vector.broadcast %mul3A_685 : f32 to vector<16xf32>
      %mul3A_687 = arith.mulf %mul3A_686, %add3A_684 : vector<16xf32>
      %sub3A_688 = arith.subf %mul3A_669, %mul3A_687 : vector<16xf32>
      %abs3A_689 = math.absf %sub3A_688 : vector<16xf32>
      %add3A_690 = arith.addf %get3A_651, %abs3A_689 : vector<16xf32>
      %swap3A_691 = arith.constant 0 : index
      %swap3A_692 = tpu.vector_load %arg18[%swap3A_691] {strides = array<i32>} : memref<16xf32, #tpu.memory_space<vmem>>, vector<16xf32>,
      tpu.vector_store %arg18[%swap3A_691], %add3A_690 {strides = array<i32>} : memref<16xf32, #tpu.memory_space<vmem>>, vector<16xf32>,
      %get3A_693 = arith.constant 9 : i32
      %get3A_694 = arith.index_cast %get3A_693 : i32 to index
      %get3A_695 = arith.index_cast %mul3A_57 : i32 to index
      %get3A_696 = tpu.vector_load %arg16[%get3A_694, %get3A_695] {strides = array<i32>} : memref<16x512xi32, #tpu.memory_space<vmem>>, vector<16xi32>,
      %gather3A_697 = tpu.vector_load_idx %arg10[%get3A_696] : memref<4096xf32, #tpu.memory_space<vmem>>[vector<16xi32>], vector<16xf32>,
      %gather3A_698 = tpu.vector_load_idx %arg11[%get3A_696] : memref<4096xf32, #tpu.memory_space<vmem>>[vector<16xi32>], vector<16xf32>,
      %gather3A_699 = tpu.vector_load_idx %arg12[%get3A_696] : memref<4096xf32, #tpu.memory_space<vmem>>[vector<16xi32>], vector<16xf32>,
      %sub3A_700 = arith.subf %gather3A_697, %get3A_60 : vector<16xf32>
      %sub3A_701 = arith.subf %gather3A_698, %get3A_63 : vector<16xf32>
      %sub3A_702 = arith.subf %gather3A_699, %get3A_66 : vector<16xf32>
      %mul3A_703 = arith.mulf %sub3A_700, %sub3A_700 : vector<16xf32>
      %mul3A_704 = arith.mulf %sub3A_701, %sub3A_701 : vector<16xf32>
      %add3A_705 = arith.addf %mul3A_703, %mul3A_704 : vector<16xf32>
      %mul3A_706 = arith.mulf %sub3A_702, %sub3A_702 : vector<16xf32>
      %add3A_707 = arith.addf %add3A_705, %mul3A_706 : vector<16xf32>
      %gather3A_708 = tpu.vector_load_idx %arg13[%get3A_696] : memref<4096xf32, #tpu.memory_space<vmem>>[vector<16xi32>], vector<16xf32>,
      %gather3A_709 = tpu.vector_load_idx %arg14[%get3A_696] : memref<4096xf32, #tpu.memory_space<vmem>>[vector<16xi32>], vector<16xf32>,
      %gather3A_710 = tpu.vector_load_idx %arg15[%get3A_696] : memref<4096xf32, #tpu.memory_space<vmem>>[vector<16xi32>], vector<16xf32>,
      %sub3A_711 = arith.subf %gather3A_708, %get3A_69 : vector<16xf32>
      %sub3A_712 = arith.subf %gather3A_709, %get3A_72 : vector<16xf32>
      %sub3A_713 = arith.subf %gather3A_710, %get3A_75 : vector<16xf32>
      %mul3A_714 = arith.mulf %sub3A_711, %sub3A_711 : vector<16xf32>
      %mul3A_715 = arith.mulf %sub3A_712, %sub3A_712 : vector<16xf32>
      %add3A_716 = arith.addf %mul3A_714, %mul3A_715 : vector<16xf32>
      %mul3A_717 = arith.mulf %sub3A_713, %sub3A_713 : vector<16xf32>
      %add3A_718 = arith.addf %add3A_716, %mul3A_717 : vector<16xf32>
      %get3A_719 = arith.constant 0 : index
      %get3A_720 = tpu.vector_load %arg18[%get3A_719] {strides = array<i32>} : memref<16xf32, #tpu.memory_space<vmem>>, vector<16xf32>,
      %bitcast_convert_type3A_721 = tpu.bitcast %add3A_707 : vector<16xf32> -> vector<16xi32>
      %shift_right_arithmetic3A_722 = arith.constant 1 : i32
      %shift_right_arithmetic3A_723 = vector.broadcast %shift_right_arithmetic3A_722 : i32 to vector<16xi32>
      %shift_right_arithmetic3A_724 = arith.shrsi %bitcast_convert_type3A_721, %shift_right_arithmetic3A_723 : vector<16xi32>
      %add3A_725 = arith.constant 532487670 : i32
      %add3A_726 = vector.broadcast %add3A_725 : i32 to vector<16xi32>
      %add3A_727 = arith.addi %shift_right_arithmetic3A_724, %add3A_726 : vector<16xi32>
      %bitcast_convert_type3A_728 = tpu.bitcast %add3A_727 : vector<16xi32> -> vector<16xf32>
      %div3A_729 = arith.divf %add3A_707, %bitcast_convert_type3A_728 : vector<16xf32>
      %add3A_730 = arith.addf %bitcast_convert_type3A_728, %div3A_729 : vector<16xf32>
      %mul3A_731 = arith.constant 5.000000e-01 : f32
      %mul3A_732 = vector.broadcast %mul3A_731 : f32 to vector<16xf32>
      %mul3A_733 = arith.mulf %mul3A_732, %add3A_730 : vector<16xf32>
      %div3A_734 = arith.divf %add3A_707, %mul3A_733 : vector<16xf32>
      %add3A_735 = arith.addf %mul3A_733, %div3A_734 : vector<16xf32>
      %mul3A_736 = arith.constant 5.000000e-01 : f32
      %mul3A_737 = vector.broadcast %mul3A_736 : f32 to vector<16xf32>
      %mul3A_738 = arith.mulf %mul3A_737, %add3A_735 : vector<16xf32>
      %bitcast_convert_type3A_739 = tpu.bitcast %add3A_718 : vector<16xf32> -> vector<16xi32>
      %shift_right_arithmetic3A_740 = arith.constant 1 : i32
      %shift_right_arithmetic3A_741 = vector.broadcast %shift_right_arithmetic3A_740 : i32 to vector<16xi32>
      %shift_right_arithmetic3A_742 = arith.shrsi %bitcast_convert_type3A_739, %shift_right_arithmetic3A_741 : vector<16xi32>
      %add3A_743 = arith.constant 532487670 : i32
      %add3A_744 = vector.broadcast %add3A_743 : i32 to vector<16xi32>
      %add3A_745 = arith.addi %shift_right_arithmetic3A_742, %add3A_744 : vector<16xi32>
      %bitcast_convert_type3A_746 = tpu.bitcast %add3A_745 : vector<16xi32> -> vector<16xf32>
      %div3A_747 = arith.divf %add3A_718, %bitcast_convert_type3A_746 : vector<16xf32>
      %add3A_748 = arith.addf %bitcast_convert_type3A_746, %div3A_747 : vector<16xf32>
      %mul3A_749 = arith.constant 5.000000e-01 : f32
      %mul3A_750 = vector.broadcast %mul3A_749 : f32 to vector<16xf32>
      %mul3A_751 = arith.mulf %mul3A_750, %add3A_748 : vector<16xf32>
      %div3A_752 = arith.divf %add3A_718, %mul3A_751 : vector<16xf32>
      %add3A_753 = arith.addf %mul3A_751, %div3A_752 : vector<16xf32>
      %mul3A_754 = arith.constant 5.000000e-01 : f32
      %mul3A_755 = vector.broadcast %mul3A_754 : f32 to vector<16xf32>
      %mul3A_756 = arith.mulf %mul3A_755, %add3A_753 : vector<16xf32>
      %sub3A_757 = arith.subf %mul3A_738, %mul3A_756 : vector<16xf32>
      %abs3A_758 = math.absf %sub3A_757 : vector<16xf32>
      %add3A_759 = arith.addf %get3A_720, %abs3A_758 : vector<16xf32>
      %swap3A_760 = arith.constant 0 : index
      %swap3A_761 = tpu.vector_load %arg18[%swap3A_760] {strides = array<i32>} : memref<16xf32, #tpu.memory_space<vmem>>, vector<16xf32>,
      tpu.vector_store %arg18[%swap3A_760], %add3A_759 {strides = array<i32>} : memref<16xf32, #tpu.memory_space<vmem>>, vector<16xf32>,
      %get3A_762 = arith.constant 10 : i32
      %get3A_763 = arith.index_cast %get3A_762 : i32 to index
      %get3A_764 = arith.index_cast %mul3A_57 : i32 to index
      %get3A_765 = tpu.vector_load %arg16[%get3A_763, %get3A_764] {strides = array<i32>} : memref<16x512xi32, #tpu.memory_space<vmem>>, vector<16xi32>,
      %gather3A_766 = tpu.vector_load_idx %arg10[%get3A_765] : memref<4096xf32, #tpu.memory_space<vmem>>[vector<16xi32>], vector<16xf32>,
      %gather3A_767 = tpu.vector_load_idx %arg11[%get3A_765] : memref<4096xf32, #tpu.memory_space<vmem>>[vector<16xi32>], vector<16xf32>,
      %gather3A_768 = tpu.vector_load_idx %arg12[%get3A_765] : memref<4096xf32, #tpu.memory_space<vmem>>[vector<16xi32>], vector<16xf32>,
      %sub3A_769 = arith.subf %gather3A_766, %get3A_60 : vector<16xf32>
      %sub3A_770 = arith.subf %gather3A_767, %get3A_63 : vector<16xf32>
      %sub3A_771 = arith.subf %gather3A_768, %get3A_66 : vector<16xf32>
      %mul3A_772 = arith.mulf %sub3A_769, %sub3A_769 : vector<16xf32>
      %mul3A_773 = arith.mulf %sub3A_770, %sub3A_770 : vector<16xf32>
      %add3A_774 = arith.addf %mul3A_772, %mul3A_773 : vector<16xf32>
      %mul3A_775 = arith.mulf %sub3A_771, %sub3A_771 : vector<16xf32>
      %add3A_776 = arith.addf %add3A_774, %mul3A_775 : vector<16xf32>
      %gather3A_777 = tpu.vector_load_idx %arg13[%get3A_765] : memref<4096xf32, #tpu.memory_space<vmem>>[vector<16xi32>], vector<16xf32>,
      %gather3A_778 = tpu.vector_load_idx %arg14[%get3A_765] : memref<4096xf32, #tpu.memory_space<vmem>>[vector<16xi32>], vector<16xf32>,
      %gather3A_779 = tpu.vector_load_idx %arg15[%get3A_765] : memref<4096xf32, #tpu.memory_space<vmem>>[vector<16xi32>], vector<16xf32>,
      %sub3A_780 = arith.subf %gather3A_777, %get3A_69 : vector<16xf32>
      %sub3A_781 = arith.subf %gather3A_778, %get3A_72 : vector<16xf32>
      %sub3A_782 = arith.subf %gather3A_779, %get3A_75 : vector<16xf32>
      %mul3A_783 = arith.mulf %sub3A_780, %sub3A_780 : vector<16xf32>
      %mul3A_784 = arith.mulf %sub3A_781, %sub3A_781 : vector<16xf32>
      %add3A_785 = arith.addf %mul3A_783, %mul3A_784 : vector<16xf32>
      %mul3A_786 = arith.mulf %sub3A_782, %sub3A_782 : vector<16xf32>
      %add3A_787 = arith.addf %add3A_785, %mul3A_786 : vector<16xf32>
      %get3A_788 = arith.constant 0 : index
      %get3A_789 = tpu.vector_load %arg18[%get3A_788] {strides = array<i32>} : memref<16xf32, #tpu.memory_space<vmem>>, vector<16xf32>,
      %bitcast_convert_type3A_790 = tpu.bitcast %add3A_776 : vector<16xf32> -> vector<16xi32>
      %shift_right_arithmetic3A_791 = arith.constant 1 : i32
      %shift_right_arithmetic3A_792 = vector.broadcast %shift_right_arithmetic3A_791 : i32 to vector<16xi32>
      %shift_right_arithmetic3A_793 = arith.shrsi %bitcast_convert_type3A_790, %shift_right_arithmetic3A_792 : vector<16xi32>
      %add3A_794 = arith.constant 532487670 : i32
      %add3A_795 = vector.broadcast %add3A_794 : i32 to vector<16xi32>
      %add3A_796 = arith.addi %shift_right_arithmetic3A_793, %add3A_795 : vector<16xi32>
      %bitcast_convert_type3A_797 = tpu.bitcast %add3A_796 : vector<16xi32> -> vector<16xf32>
      %div3A_798 = arith.divf %add3A_776, %bitcast_convert_type3A_797 : vector<16xf32>
      %add3A_799 = arith.addf %bitcast_convert_type3A_797, %div3A_798 : vector<16xf32>
      %mul3A_800 = arith.constant 5.000000e-01 : f32
      %mul3A_801 = vector.broadcast %mul3A_800 : f32 to vector<16xf32>
      %mul3A_802 = arith.mulf %mul3A_801, %add3A_799 : vector<16xf32>
      %div3A_803 = arith.divf %add3A_776, %mul3A_802 : vector<16xf32>
      %add3A_804 = arith.addf %mul3A_802, %div3A_803 : vector<16xf32>
      %mul3A_805 = arith.constant 5.000000e-01 : f32
      %mul3A_806 = vector.broadcast %mul3A_805 : f32 to vector<16xf32>
      %mul3A_807 = arith.mulf %mul3A_806, %add3A_804 : vector<16xf32>
      %bitcast_convert_type3A_808 = tpu.bitcast %add3A_787 : vector<16xf32> -> vector<16xi32>
      %shift_right_arithmetic3A_809 = arith.constant 1 : i32
      %shift_right_arithmetic3A_810 = vector.broadcast %shift_right_arithmetic3A_809 : i32 to vector<16xi32>
      %shift_right_arithmetic3A_811 = arith.shrsi %bitcast_convert_type3A_808, %shift_right_arithmetic3A_810 : vector<16xi32>
      %add3A_812 = arith.constant 532487670 : i32
      %add3A_813 = vector.broadcast %add3A_812 : i32 to vector<16xi32>
      %add3A_814 = arith.addi %shift_right_arithmetic3A_811, %add3A_813 : vector<16xi32>
      %bitcast_convert_type3A_815 = tpu.bitcast %add3A_814 : vector<16xi32> -> vector<16xf32>
      %div3A_816 = arith.divf %add3A_787, %bitcast_convert_type3A_815 : vector<16xf32>
      %add3A_817 = arith.addf %bitcast_convert_type3A_815, %div3A_816 : vector<16xf32>
      %mul3A_818 = arith.constant 5.000000e-01 : f32
      %mul3A_819 = vector.broadcast %mul3A_818 : f32 to vector<16xf32>
      %mul3A_820 = arith.mulf %mul3A_819, %add3A_817 : vector<16xf32>
      %div3A_821 = arith.divf %add3A_787, %mul3A_820 : vector<16xf32>
      %add3A_822 = arith.addf %mul3A_820, %div3A_821 : vector<16xf32>
      %mul3A_823 = arith.constant 5.000000e-01 : f32
      %mul3A_824 = vector.broadcast %mul3A_823 : f32 to vector<16xf32>
      %mul3A_825 = arith.mulf %mul3A_824, %add3A_822 : vector<16xf32>
      %sub3A_826 = arith.subf %mul3A_807, %mul3A_825 : vector<16xf32>
      %abs3A_827 = math.absf %sub3A_826 : vector<16xf32>
      %add3A_828 = arith.addf %get3A_789, %abs3A_827 : vector<16xf32>
      %swap3A_829 = arith.constant 0 : index
      %swap3A_830 = tpu.vector_load %arg18[%swap3A_829] {strides = array<i32>} : memref<16xf32, #tpu.memory_space<vmem>>, vector<16xf32>,
      tpu.vector_store %arg18[%swap3A_829], %add3A_828 {strides = array<i32>} : memref<16xf32, #tpu.memory_space<vmem>>, vector<16xf32>,
      %get3A_831 = arith.constant 11 : i32
      %get3A_832 = arith.index_cast %get3A_831 : i32 to index
      %get3A_833 = arith.index_cast %mul3A_57 : i32 to index
      %get3A_834 = tpu.vector_load %arg16[%get3A_832, %get3A_833] {strides = array<i32>} : memref<16x512xi32, #tpu.memory_space<vmem>>, vector<16xi32>,
      %gather3A_835 = tpu.vector_load_idx %arg10[%get3A_834] : memref<4096xf32, #tpu.memory_space<vmem>>[vector<16xi32>], vector<16xf32>,
      %gather3A_836 = tpu.vector_load_idx %arg11[%get3A_834] : memref<4096xf32, #tpu.memory_space<vmem>>[vector<16xi32>], vector<16xf32>,
      %gather3A_837 = tpu.vector_load_idx %arg12[%get3A_834] : memref<4096xf32, #tpu.memory_space<vmem>>[vector<16xi32>], vector<16xf32>,
      %sub3A_838 = arith.subf %gather3A_835, %get3A_60 : vector<16xf32>
      %sub3A_839 = arith.subf %gather3A_836, %get3A_63 : vector<16xf32>
      %sub3A_840 = arith.subf %gather3A_837, %get3A_66 : vector<16xf32>
      %mul3A_841 = arith.mulf %sub3A_838, %sub3A_838 : vector<16xf32>
      %mul3A_842 = arith.mulf %sub3A_839, %sub3A_839 : vector<16xf32>
      %add3A_843 = arith.addf %mul3A_841, %mul3A_842 : vector<16xf32>
      %mul3A_844 = arith.mulf %sub3A_840, %sub3A_840 : vector<16xf32>
      %add3A_845 = arith.addf %add3A_843, %mul3A_844 : vector<16xf32>
      %gather3A_846 = tpu.vector_load_idx %arg13[%get3A_834] : memref<4096xf32, #tpu.memory_space<vmem>>[vector<16xi32>], vector<16xf32>,
      %gather3A_847 = tpu.vector_load_idx %arg14[%get3A_834] : memref<4096xf32, #tpu.memory_space<vmem>>[vector<16xi32>], vector<16xf32>,
      %gather3A_848 = tpu.vector_load_idx %arg15[%get3A_834] : memref<4096xf32, #tpu.memory_space<vmem>>[vector<16xi32>], vector<16xf32>,
      %sub3A_849 = arith.subf %gather3A_846, %get3A_69 : vector<16xf32>
      %sub3A_850 = arith.subf %gather3A_847, %get3A_72 : vector<16xf32>
      %sub3A_851 = arith.subf %gather3A_848, %get3A_75 : vector<16xf32>
      %mul3A_852 = arith.mulf %sub3A_849, %sub3A_849 : vector<16xf32>
      %mul3A_853 = arith.mulf %sub3A_850, %sub3A_850 : vector<16xf32>
      %add3A_854 = arith.addf %mul3A_852, %mul3A_853 : vector<16xf32>
      %mul3A_855 = arith.mulf %sub3A_851, %sub3A_851 : vector<16xf32>
      %add3A_856 = arith.addf %add3A_854, %mul3A_855 : vector<16xf32>
      %get3A_857 = arith.constant 0 : index
      %get3A_858 = tpu.vector_load %arg18[%get3A_857] {strides = array<i32>} : memref<16xf32, #tpu.memory_space<vmem>>, vector<16xf32>,
      %bitcast_convert_type3A_859 = tpu.bitcast %add3A_845 : vector<16xf32> -> vector<16xi32>
      %shift_right_arithmetic3A_860 = arith.constant 1 : i32
      %shift_right_arithmetic3A_861 = vector.broadcast %shift_right_arithmetic3A_860 : i32 to vector<16xi32>
      %shift_right_arithmetic3A_862 = arith.shrsi %bitcast_convert_type3A_859, %shift_right_arithmetic3A_861 : vector<16xi32>
      %add3A_863 = arith.constant 532487670 : i32
      %add3A_864 = vector.broadcast %add3A_863 : i32 to vector<16xi32>
      %add3A_865 = arith.addi %shift_right_arithmetic3A_862, %add3A_864 : vector<16xi32>
      %bitcast_convert_type3A_866 = tpu.bitcast %add3A_865 : vector<16xi32> -> vector<16xf32>
      %div3A_867 = arith.divf %add3A_845, %bitcast_convert_type3A_866 : vector<16xf32>
      %add3A_868 = arith.addf %bitcast_convert_type3A_866, %div3A_867 : vector<16xf32>
      %mul3A_869 = arith.constant 5.000000e-01 : f32
      %mul3A_870 = vector.broadcast %mul3A_869 : f32 to vector<16xf32>
      %mul3A_871 = arith.mulf %mul3A_870, %add3A_868 : vector<16xf32>
      %div3A_872 = arith.divf %add3A_845, %mul3A_871 : vector<16xf32>
      %add3A_873 = arith.addf %mul3A_871, %div3A_872 : vector<16xf32>
      %mul3A_874 = arith.constant 5.000000e-01 : f32
      %mul3A_875 = vector.broadcast %mul3A_874 : f32 to vector<16xf32>
      %mul3A_876 = arith.mulf %mul3A_875, %add3A_873 : vector<16xf32>
      %bitcast_convert_type3A_877 = tpu.bitcast %add3A_856 : vector<16xf32> -> vector<16xi32>
      %shift_right_arithmetic3A_878 = arith.constant 1 : i32
      %shift_right_arithmetic3A_879 = vector.broadcast %shift_right_arithmetic3A_878 : i32 to vector<16xi32>
      %shift_right_arithmetic3A_880 = arith.shrsi %bitcast_convert_type3A_877, %shift_right_arithmetic3A_879 : vector<16xi32>
      %add3A_881 = arith.constant 532487670 : i32
      %add3A_882 = vector.broadcast %add3A_881 : i32 to vector<16xi32>
      %add3A_883 = arith.addi %shift_right_arithmetic3A_880, %add3A_882 : vector<16xi32>
      %bitcast_convert_type3A_884 = tpu.bitcast %add3A_883 : vector<16xi32> -> vector<16xf32>
      %div3A_885 = arith.divf %add3A_856, %bitcast_convert_type3A_884 : vector<16xf32>
      %add3A_886 = arith.addf %bitcast_convert_type3A_884, %div3A_885 : vector<16xf32>
      %mul3A_887 = arith.constant 5.000000e-01 : f32
      %mul3A_888 = vector.broadcast %mul3A_887 : f32 to vector<16xf32>
      %mul3A_889 = arith.mulf %mul3A_888, %add3A_886 : vector<16xf32>
      %div3A_890 = arith.divf %add3A_856, %mul3A_889 : vector<16xf32>
      %add3A_891 = arith.addf %mul3A_889, %div3A_890 : vector<16xf32>
      %mul3A_892 = arith.constant 5.000000e-01 : f32
      %mul3A_893 = vector.broadcast %mul3A_892 : f32 to vector<16xf32>
      %mul3A_894 = arith.mulf %mul3A_893, %add3A_891 : vector<16xf32>
      %sub3A_895 = arith.subf %mul3A_876, %mul3A_894 : vector<16xf32>
      %abs3A_896 = math.absf %sub3A_895 : vector<16xf32>
      %add3A_897 = arith.addf %get3A_858, %abs3A_896 : vector<16xf32>
      %swap3A_898 = arith.constant 0 : index
      %swap3A_899 = tpu.vector_load %arg18[%swap3A_898] {strides = array<i32>} : memref<16xf32, #tpu.memory_space<vmem>>, vector<16xf32>,
      tpu.vector_store %arg18[%swap3A_898], %add3A_897 {strides = array<i32>} : memref<16xf32, #tpu.memory_space<vmem>>, vector<16xf32>,
      %get3A_900 = arith.constant 12 : i32
      %get3A_901 = arith.index_cast %get3A_900 : i32 to index
      %get3A_902 = arith.index_cast %mul3A_57 : i32 to index
      %get3A_903 = tpu.vector_load %arg16[%get3A_901, %get3A_902] {strides = array<i32>} : memref<16x512xi32, #tpu.memory_space<vmem>>, vector<16xi32>,
      %gather3A_904 = tpu.vector_load_idx %arg10[%get3A_903] : memref<4096xf32, #tpu.memory_space<vmem>>[vector<16xi32>], vector<16xf32>,
      %gather3A_905 = tpu.vector_load_idx %arg11[%get3A_903] : memref<4096xf32, #tpu.memory_space<vmem>>[vector<16xi32>], vector<16xf32>,
      %gather3A_906 = tpu.vector_load_idx %arg12[%get3A_903] : memref<4096xf32, #tpu.memory_space<vmem>>[vector<16xi32>], vector<16xf32>,
      %sub3A_907 = arith.subf %gather3A_904, %get3A_60 : vector<16xf32>
      %sub3A_908 = arith.subf %gather3A_905, %get3A_63 : vector<16xf32>
      %sub3A_909 = arith.subf %gather3A_906, %get3A_66 : vector<16xf32>
      %mul3A_910 = arith.mulf %sub3A_907, %sub3A_907 : vector<16xf32>
      %mul3A_911 = arith.mulf %sub3A_908, %sub3A_908 : vector<16xf32>
      %add3A_912 = arith.addf %mul3A_910, %mul3A_911 : vector<16xf32>
      %mul3A_913 = arith.mulf %sub3A_909, %sub3A_909 : vector<16xf32>
      %add3A_914 = arith.addf %add3A_912, %mul3A_913 : vector<16xf32>
      %gather3A_915 = tpu.vector_load_idx %arg13[%get3A_903] : memref<4096xf32, #tpu.memory_space<vmem>>[vector<16xi32>], vector<16xf32>,
      %gather3A_916 = tpu.vector_load_idx %arg14[%get3A_903] : memref<4096xf32, #tpu.memory_space<vmem>>[vector<16xi32>], vector<16xf32>,
      %gather3A_917 = tpu.vector_load_idx %arg15[%get3A_903] : memref<4096xf32, #tpu.memory_space<vmem>>[vector<16xi32>], vector<16xf32>,
      %sub3A_918 = arith.subf %gather3A_915, %get3A_69 : vector<16xf32>
      %sub3A_919 = arith.subf %gather3A_916, %get3A_72 : vector<16xf32>
      %sub3A_920 = arith.subf %gather3A_917, %get3A_75 : vector<16xf32>
      %mul3A_921 = arith.mulf %sub3A_918, %sub3A_918 : vector<16xf32>
      %mul3A_922 = arith.mulf %sub3A_919, %sub3A_919 : vector<16xf32>
      %add3A_923 = arith.addf %mul3A_921, %mul3A_922 : vector<16xf32>
      %mul3A_924 = arith.mulf %sub3A_920, %sub3A_920 : vector<16xf32>
      %add3A_925 = arith.addf %add3A_923, %mul3A_924 : vector<16xf32>
      %get3A_926 = arith.constant 0 : index
      %get3A_927 = tpu.vector_load %arg18[%get3A_926] {strides = array<i32>} : memref<16xf32, #tpu.memory_space<vmem>>, vector<16xf32>,
      %bitcast_convert_type3A_928 = tpu.bitcast %add3A_914 : vector<16xf32> -> vector<16xi32>
      %shift_right_arithmetic3A_929 = arith.constant 1 : i32
      %shift_right_arithmetic3A_930 = vector.broadcast %shift_right_arithmetic3A_929 : i32 to vector<16xi32>
      %shift_right_arithmetic3A_931 = arith.shrsi %bitcast_convert_type3A_928, %shift_right_arithmetic3A_930 : vector<16xi32>
      %add3A_932 = arith.constant 532487670 : i32
      %add3A_933 = vector.broadcast %add3A_932 : i32 to vector<16xi32>
      %add3A_934 = arith.addi %shift_right_arithmetic3A_931, %add3A_933 : vector<16xi32>
      %bitcast_convert_type3A_935 = tpu.bitcast %add3A_934 : vector<16xi32> -> vector<16xf32>
      %div3A_936 = arith.divf %add3A_914, %bitcast_convert_type3A_935 : vector<16xf32>
      %add3A_937 = arith.addf %bitcast_convert_type3A_935, %div3A_936 : vector<16xf32>
      %mul3A_938 = arith.constant 5.000000e-01 : f32
      %mul3A_939 = vector.broadcast %mul3A_938 : f32 to vector<16xf32>
      %mul3A_940 = arith.mulf %mul3A_939, %add3A_937 : vector<16xf32>
      %div3A_941 = arith.divf %add3A_914, %mul3A_940 : vector<16xf32>
      %add3A_942 = arith.addf %mul3A_940, %div3A_941 : vector<16xf32>
      %mul3A_943 = arith.constant 5.000000e-01 : f32
      %mul3A_944 = vector.broadcast %mul3A_943 : f32 to vector<16xf32>
      %mul3A_945 = arith.mulf %mul3A_944, %add3A_942 : vector<16xf32>
      %bitcast_convert_type3A_946 = tpu.bitcast %add3A_925 : vector<16xf32> -> vector<16xi32>
      %shift_right_arithmetic3A_947 = arith.constant 1 : i32
      %shift_right_arithmetic3A_948 = vector.broadcast %shift_right_arithmetic3A_947 : i32 to vector<16xi32>
      %shift_right_arithmetic3A_949 = arith.shrsi %bitcast_convert_type3A_946, %shift_right_arithmetic3A_948 : vector<16xi32>
      %add3A_950 = arith.constant 532487670 : i32
      %add3A_951 = vector.broadcast %add3A_950 : i32 to vector<16xi32>
      %add3A_952 = arith.addi %shift_right_arithmetic3A_949, %add3A_951 : vector<16xi32>
      %bitcast_convert_type3A_953 = tpu.bitcast %add3A_952 : vector<16xi32> -> vector<16xf32>
      %div3A_954 = arith.divf %add3A_925, %bitcast_convert_type3A_953 : vector<16xf32>
      %add3A_955 = arith.addf %bitcast_convert_type3A_953, %div3A_954 : vector<16xf32>
      %mul3A_956 = arith.constant 5.000000e-01 : f32
      %mul3A_957 = vector.broadcast %mul3A_956 : f32 to vector<16xf32>
      %mul3A_958 = arith.mulf %mul3A_957, %add3A_955 : vector<16xf32>
      %div3A_959 = arith.divf %add3A_925, %mul3A_958 : vector<16xf32>
      %add3A_960 = arith.addf %mul3A_958, %div3A_959 : vector<16xf32>
      %mul3A_961 = arith.constant 5.000000e-01 : f32
      %mul3A_962 = vector.broadcast %mul3A_961 : f32 to vector<16xf32>
      %mul3A_963 = arith.mulf %mul3A_962, %add3A_960 : vector<16xf32>
      %sub3A_964 = arith.subf %mul3A_945, %mul3A_963 : vector<16xf32>
      %abs3A_965 = math.absf %sub3A_964 : vector<16xf32>
      %add3A_966 = arith.addf %get3A_927, %abs3A_965 : vector<16xf32>
      %swap3A_967 = arith.constant 0 : index
      %swap3A_968 = tpu.vector_load %arg18[%swap3A_967] {strides = array<i32>} : memref<16xf32, #tpu.memory_space<vmem>>, vector<16xf32>,
      tpu.vector_store %arg18[%swap3A_967], %add3A_966 {strides = array<i32>} : memref<16xf32, #tpu.memory_space<vmem>>, vector<16xf32>,
      %get3A_969 = arith.constant 13 : i32
      %get3A_970 = arith.index_cast %get3A_969 : i32 to index
      %get3A_971 = arith.index_cast %mul3A_57 : i32 to index
      %get3A_972 = tpu.vector_load %arg16[%get3A_970, %get3A_971] {strides = array<i32>} : memref<16x512xi32, #tpu.memory_space<vmem>>, vector<16xi32>,
      %gather3A_973 = tpu.vector_load_idx %arg10[%get3A_972] : memref<4096xf32, #tpu.memory_space<vmem>>[vector<16xi32>], vector<16xf32>,
      %gather3A_974 = tpu.vector_load_idx %arg11[%get3A_972] : memref<4096xf32, #tpu.memory_space<vmem>>[vector<16xi32>], vector<16xf32>,
      %gather3A_975 = tpu.vector_load_idx %arg12[%get3A_972] : memref<4096xf32, #tpu.memory_space<vmem>>[vector<16xi32>], vector<16xf32>,
      %sub3A_976 = arith.subf %gather3A_973, %get3A_60 : vector<16xf32>
      %sub3A_977 = arith.subf %gather3A_974, %get3A_63 : vector<16xf32>
      %sub3A_978 = arith.subf %gather3A_975, %get3A_66 : vector<16xf32>
      %mul3A_979 = arith.mulf %sub3A_976, %sub3A_976 : vector<16xf32>
      %mul3A_980 = arith.mulf %sub3A_977, %sub3A_977 : vector<16xf32>
      %add3A_981 = arith.addf %mul3A_979, %mul3A_980 : vector<16xf32>
      %mul3A_982 = arith.mulf %sub3A_978, %sub3A_978 : vector<16xf32>
      %add3A_983 = arith.addf %add3A_981, %mul3A_982 : vector<16xf32>
      %gather3A_984 = tpu.vector_load_idx %arg13[%get3A_972] : memref<4096xf32, #tpu.memory_space<vmem>>[vector<16xi32>], vector<16xf32>,
      %gather3A_985 = tpu.vector_load_idx %arg14[%get3A_972] : memref<4096xf32, #tpu.memory_space<vmem>>[vector<16xi32>], vector<16xf32>,
      %gather3A_986 = tpu.vector_load_idx %arg15[%get3A_972] : memref<4096xf32, #tpu.memory_space<vmem>>[vector<16xi32>], vector<16xf32>,
      %sub3A_987 = arith.subf %gather3A_984, %get3A_69 : vector<16xf32>
      %sub3A_988 = arith.subf %gather3A_985, %get3A_72 : vector<16xf32>
      %sub3A_989 = arith.subf %gather3A_986, %get3A_75 : vector<16xf32>
      %mul3A_990 = arith.mulf %sub3A_987, %sub3A_987 : vector<16xf32>
      %mul3A_991 = arith.mulf %sub3A_988, %sub3A_988 : vector<16xf32>
      %add3A_992 = arith.addf %mul3A_990, %mul3A_991 : vector<16xf32>
      %mul3A_993 = arith.mulf %sub3A_989, %sub3A_989 : vector<16xf32>
      %add3A_994 = arith.addf %add3A_992, %mul3A_993 : vector<16xf32>
      %get3A_995 = arith.constant 0 : index
      %get3A_996 = tpu.vector_load %arg18[%get3A_995] {strides = array<i32>} : memref<16xf32, #tpu.memory_space<vmem>>, vector<16xf32>,
      %bitcast_convert_type3A_997 = tpu.bitcast %add3A_983 : vector<16xf32> -> vector<16xi32>
      %shift_right_arithmetic3A_998 = arith.constant 1 : i32
      %shift_right_arithmetic3A_999 = vector.broadcast %shift_right_arithmetic3A_998 : i32 to vector<16xi32>
      %shift_right_arithmetic3A_1000 = arith.shrsi %bitcast_convert_type3A_997, %shift_right_arithmetic3A_999 : vector<16xi32>
      %add3A_1001 = arith.constant 532487670 : i32
      %add3A_1002 = vector.broadcast %add3A_1001 : i32 to vector<16xi32>
      %add3A_1003 = arith.addi %shift_right_arithmetic3A_1000, %add3A_1002 : vector<16xi32>
      %bitcast_convert_type3A_1004 = tpu.bitcast %add3A_1003 : vector<16xi32> -> vector<16xf32>
      %div3A_1005 = arith.divf %add3A_983, %bitcast_convert_type3A_1004 : vector<16xf32>
      %add3A_1006 = arith.addf %bitcast_convert_type3A_1004, %div3A_1005 : vector<16xf32>
      %mul3A_1007 = arith.constant 5.000000e-01 : f32
      %mul3A_1008 = vector.broadcast %mul3A_1007 : f32 to vector<16xf32>
      %mul3A_1009 = arith.mulf %mul3A_1008, %add3A_1006 : vector<16xf32>
      %div3A_1010 = arith.divf %add3A_983, %mul3A_1009 : vector<16xf32>
      %add3A_1011 = arith.addf %mul3A_1009, %div3A_1010 : vector<16xf32>
      %mul3A_1012 = arith.constant 5.000000e-01 : f32
      %mul3A_1013 = vector.broadcast %mul3A_1012 : f32 to vector<16xf32>
      %mul3A_1014 = arith.mulf %mul3A_1013, %add3A_1011 : vector<16xf32>
      %bitcast_convert_type3A_1015 = tpu.bitcast %add3A_994 : vector<16xf32> -> vector<16xi32>
      %shift_right_arithmetic3A_1016 = arith.constant 1 : i32
      %shift_right_arithmetic3A_1017 = vector.broadcast %shift_right_arithmetic3A_1016 : i32 to vector<16xi32>
      %shift_right_arithmetic3A_1018 = arith.shrsi %bitcast_convert_type3A_1015, %shift_right_arithmetic3A_1017 : vector<16xi32>
      %add3A_1019 = arith.constant 532487670 : i32
      %add3A_1020 = vector.broadcast %add3A_1019 : i32 to vector<16xi32>
      %add3A_1021 = arith.addi %shift_right_arithmetic3A_1018, %add3A_1020 : vector<16xi32>
      %bitcast_convert_type3A_1022 = tpu.bitcast %add3A_1021 : vector<16xi32> -> vector<16xf32>
      %div3A_1023 = arith.divf %add3A_994, %bitcast_convert_type3A_1022 : vector<16xf32>
      %add3A_1024 = arith.addf %bitcast_convert_type3A_1022, %div3A_1023 : vector<16xf32>
      %mul3A_1025 = arith.constant 5.000000e-01 : f32
      %mul3A_1026 = vector.broadcast %mul3A_1025 : f32 to vector<16xf32>
      %mul3A_1027 = arith.mulf %mul3A_1026, %add3A_1024 : vector<16xf32>
      %div3A_1028 = arith.divf %add3A_994, %mul3A_1027 : vector<16xf32>
      %add3A_1029 = arith.addf %mul3A_1027, %div3A_1028 : vector<16xf32>
      %mul3A_1030 = arith.constant 5.000000e-01 : f32
      %mul3A_1031 = vector.broadcast %mul3A_1030 : f32 to vector<16xf32>
      %mul3A_1032 = arith.mulf %mul3A_1031, %add3A_1029 : vector<16xf32>
      %sub3A_1033 = arith.subf %mul3A_1014, %mul3A_1032 : vector<16xf32>
      %abs3A_1034 = math.absf %sub3A_1033 : vector<16xf32>
      %add3A_1035 = arith.addf %get3A_996, %abs3A_1034 : vector<16xf32>
      %swap3A_1036 = arith.constant 0 : index
      %swap3A_1037 = tpu.vector_load %arg18[%swap3A_1036] {strides = array<i32>} : memref<16xf32, #tpu.memory_space<vmem>>, vector<16xf32>,
      tpu.vector_store %arg18[%swap3A_1036], %add3A_1035 {strides = array<i32>} : memref<16xf32, #tpu.memory_space<vmem>>, vector<16xf32>,
      %get3A_1038 = arith.constant 14 : i32
      %get3A_1039 = arith.index_cast %get3A_1038 : i32 to index
      %get3A_1040 = arith.index_cast %mul3A_57 : i32 to index
      %get3A_1041 = tpu.vector_load %arg16[%get3A_1039, %get3A_1040] {strides = array<i32>} : memref<16x512xi32, #tpu.memory_space<vmem>>, vector<16xi32>,
      %gather3A_1042 = tpu.vector_load_idx %arg10[%get3A_1041] : memref<4096xf32, #tpu.memory_space<vmem>>[vector<16xi32>], vector<16xf32>,
      %gather3A_1043 = tpu.vector_load_idx %arg11[%get3A_1041] : memref<4096xf32, #tpu.memory_space<vmem>>[vector<16xi32>], vector<16xf32>,
      %gather3A_1044 = tpu.vector_load_idx %arg12[%get3A_1041] : memref<4096xf32, #tpu.memory_space<vmem>>[vector<16xi32>], vector<16xf32>,
      %sub3A_1045 = arith.subf %gather3A_1042, %get3A_60 : vector<16xf32>
      %sub3A_1046 = arith.subf %gather3A_1043, %get3A_63 : vector<16xf32>
      %sub3A_1047 = arith.subf %gather3A_1044, %get3A_66 : vector<16xf32>
      %mul3A_1048 = arith.mulf %sub3A_1045, %sub3A_1045 : vector<16xf32>
      %mul3A_1049 = arith.mulf %sub3A_1046, %sub3A_1046 : vector<16xf32>
      %add3A_1050 = arith.addf %mul3A_1048, %mul3A_1049 : vector<16xf32>
      %mul3A_1051 = arith.mulf %sub3A_1047, %sub3A_1047 : vector<16xf32>
      %add3A_1052 = arith.addf %add3A_1050, %mul3A_1051 : vector<16xf32>
      %gather3A_1053 = tpu.vector_load_idx %arg13[%get3A_1041] : memref<4096xf32, #tpu.memory_space<vmem>>[vector<16xi32>], vector<16xf32>,
      %gather3A_1054 = tpu.vector_load_idx %arg14[%get3A_1041] : memref<4096xf32, #tpu.memory_space<vmem>>[vector<16xi32>], vector<16xf32>,
      %gather3A_1055 = tpu.vector_load_idx %arg15[%get3A_1041] : memref<4096xf32, #tpu.memory_space<vmem>>[vector<16xi32>], vector<16xf32>,
      %sub3A_1056 = arith.subf %gather3A_1053, %get3A_69 : vector<16xf32>
      %sub3A_1057 = arith.subf %gather3A_1054, %get3A_72 : vector<16xf32>
      %sub3A_1058 = arith.subf %gather3A_1055, %get3A_75 : vector<16xf32>
      %mul3A_1059 = arith.mulf %sub3A_1056, %sub3A_1056 : vector<16xf32>
      %mul3A_1060 = arith.mulf %sub3A_1057, %sub3A_1057 : vector<16xf32>
      %add3A_1061 = arith.addf %mul3A_1059, %mul3A_1060 : vector<16xf32>
      %mul3A_1062 = arith.mulf %sub3A_1058, %sub3A_1058 : vector<16xf32>
      %add3A_1063 = arith.addf %add3A_1061, %mul3A_1062 : vector<16xf32>
      %get3A_1064 = arith.constant 0 : index
      %get3A_1065 = tpu.vector_load %arg18[%get3A_1064] {strides = array<i32>} : memref<16xf32, #tpu.memory_space<vmem>>, vector<16xf32>,
      %bitcast_convert_type3A_1066 = tpu.bitcast %add3A_1052 : vector<16xf32> -> vector<16xi32>
      %shift_right_arithmetic3A_1067 = arith.constant 1 : i32
      %shift_right_arithmetic3A_1068 = vector.broadcast %shift_right_arithmetic3A_1067 : i32 to vector<16xi32>
      %shift_right_arithmetic3A_1069 = arith.shrsi %bitcast_convert_type3A_1066, %shift_right_arithmetic3A_1068 : vector<16xi32>
      %add3A_1070 = arith.constant 532487670 : i32
      %add3A_1071 = vector.broadcast %add3A_1070 : i32 to vector<16xi32>
      %add3A_1072 = arith.addi %shift_right_arithmetic3A_1069, %add3A_1071 : vector<16xi32>
      %bitcast_convert_type3A_1073 = tpu.bitcast %add3A_1072 : vector<16xi32> -> vector<16xf32>
      %div3A_1074 = arith.divf %add3A_1052, %bitcast_convert_type3A_1073 : vector<16xf32>
      %add3A_1075 = arith.addf %bitcast_convert_type3A_1073, %div3A_1074 : vector<16xf32>
      %mul3A_1076 = arith.constant 5.000000e-01 : f32
      %mul3A_1077 = vector.broadcast %mul3A_1076 : f32 to vector<16xf32>
      %mul3A_1078 = arith.mulf %mul3A_1077, %add3A_1075 : vector<16xf32>
      %div3A_1079 = arith.divf %add3A_1052, %mul3A_1078 : vector<16xf32>
      %add3A_1080 = arith.addf %mul3A_1078, %div3A_1079 : vector<16xf32>
      %mul3A_1081 = arith.constant 5.000000e-01 : f32
      %mul3A_1082 = vector.broadcast %mul3A_1081 : f32 to vector<16xf32>
      %mul3A_1083 = arith.mulf %mul3A_1082, %add3A_1080 : vector<16xf32>
      %bitcast_convert_type3A_1084 = tpu.bitcast %add3A_1063 : vector<16xf32> -> vector<16xi32>
      %shift_right_arithmetic3A_1085 = arith.constant 1 : i32
      %shift_right_arithmetic3A_1086 = vector.broadcast %shift_right_arithmetic3A_1085 : i32 to vector<16xi32>
      %shift_right_arithmetic3A_1087 = arith.shrsi %bitcast_convert_type3A_1084, %shift_right_arithmetic3A_1086 : vector<16xi32>
      %add3A_1088 = arith.constant 532487670 : i32
      %add3A_1089 = vector.broadcast %add3A_1088 : i32 to vector<16xi32>
      %add3A_1090 = arith.addi %shift_right_arithmetic3A_1087, %add3A_1089 : vector<16xi32>
      %bitcast_convert_type3A_1091 = tpu.bitcast %add3A_1090 : vector<16xi32> -> vector<16xf32>
      %div3A_1092 = arith.divf %add3A_1063, %bitcast_convert_type3A_1091 : vector<16xf32>
      %add3A_1093 = arith.addf %bitcast_convert_type3A_1091, %div3A_1092 : vector<16xf32>
      %mul3A_1094 = arith.constant 5.000000e-01 : f32
      %mul3A_1095 = vector.broadcast %mul3A_1094 : f32 to vector<16xf32>
      %mul3A_1096 = arith.mulf %mul3A_1095, %add3A_1093 : vector<16xf32>
      %div3A_1097 = arith.divf %add3A_1063, %mul3A_1096 : vector<16xf32>
      %add3A_1098 = arith.addf %mul3A_1096, %div3A_1097 : vector<16xf32>
      %mul3A_1099 = arith.constant 5.000000e-01 : f32
      %mul3A_1100 = vector.broadcast %mul3A_1099 : f32 to vector<16xf32>
      %mul3A_1101 = arith.mulf %mul3A_1100, %add3A_1098 : vector<16xf32>
      %sub3A_1102 = arith.subf %mul3A_1083, %mul3A_1101 : vector<16xf32>
      %abs3A_1103 = math.absf %sub3A_1102 : vector<16xf32>
      %add3A_1104 = arith.addf %get3A_1065, %abs3A_1103 : vector<16xf32>
      %swap3A_1105 = arith.constant 0 : index
      %swap3A_1106 = tpu.vector_load %arg18[%swap3A_1105] {strides = array<i32>} : memref<16xf32, #tpu.memory_space<vmem>>, vector<16xf32>,
      tpu.vector_store %arg18[%swap3A_1105], %add3A_1104 {strides = array<i32>} : memref<16xf32, #tpu.memory_space<vmem>>, vector<16xf32>,
      %get3A_1107 = arith.constant 15 : i32
      %get3A_1108 = arith.index_cast %get3A_1107 : i32 to index
      %get3A_1109 = arith.index_cast %mul3A_57 : i32 to index
      %get3A_1110 = tpu.vector_load %arg16[%get3A_1108, %get3A_1109] {strides = array<i32>} : memref<16x512xi32, #tpu.memory_space<vmem>>, vector<16xi32>,
      %gather3A_1111 = tpu.vector_load_idx %arg10[%get3A_1110] : memref<4096xf32, #tpu.memory_space<vmem>>[vector<16xi32>], vector<16xf32>,
      %gather3A_1112 = tpu.vector_load_idx %arg11[%get3A_1110] : memref<4096xf32, #tpu.memory_space<vmem>>[vector<16xi32>], vector<16xf32>,
      %gather3A_1113 = tpu.vector_load_idx %arg12[%get3A_1110] : memref<4096xf32, #tpu.memory_space<vmem>>[vector<16xi32>], vector<16xf32>,
      %sub3A_1114 = arith.subf %gather3A_1111, %get3A_60 : vector<16xf32>
      %sub3A_1115 = arith.subf %gather3A_1112, %get3A_63 : vector<16xf32>
      %sub3A_1116 = arith.subf %gather3A_1113, %get3A_66 : vector<16xf32>
      %mul3A_1117 = arith.mulf %sub3A_1114, %sub3A_1114 : vector<16xf32>
      %mul3A_1118 = arith.mulf %sub3A_1115, %sub3A_1115 : vector<16xf32>
      %add3A_1119 = arith.addf %mul3A_1117, %mul3A_1118 : vector<16xf32>
      %mul3A_1120 = arith.mulf %sub3A_1116, %sub3A_1116 : vector<16xf32>
      %add3A_1121 = arith.addf %add3A_1119, %mul3A_1120 : vector<16xf32>
      %gather3A_1122 = tpu.vector_load_idx %arg13[%get3A_1110] : memref<4096xf32, #tpu.memory_space<vmem>>[vector<16xi32>], vector<16xf32>,
      %gather3A_1123 = tpu.vector_load_idx %arg14[%get3A_1110] : memref<4096xf32, #tpu.memory_space<vmem>>[vector<16xi32>], vector<16xf32>,
      %gather3A_1124 = tpu.vector_load_idx %arg15[%get3A_1110] : memref<4096xf32, #tpu.memory_space<vmem>>[vector<16xi32>], vector<16xf32>,
      %sub3A_1125 = arith.subf %gather3A_1122, %get3A_69 : vector<16xf32>
      %sub3A_1126 = arith.subf %gather3A_1123, %get3A_72 : vector<16xf32>
      %sub3A_1127 = arith.subf %gather3A_1124, %get3A_75 : vector<16xf32>
      %mul3A_1128 = arith.mulf %sub3A_1125, %sub3A_1125 : vector<16xf32>
      %mul3A_1129 = arith.mulf %sub3A_1126, %sub3A_1126 : vector<16xf32>
      %add3A_1130 = arith.addf %mul3A_1128, %mul3A_1129 : vector<16xf32>
      %mul3A_1131 = arith.mulf %sub3A_1127, %sub3A_1127 : vector<16xf32>
      %add3A_1132 = arith.addf %add3A_1130, %mul3A_1131 : vector<16xf32>
      %get3A_1133 = arith.constant 0 : index
      %get3A_1134 = tpu.vector_load %arg18[%get3A_1133] {strides = array<i32>} : memref<16xf32, #tpu.memory_space<vmem>>, vector<16xf32>,
      %bitcast_convert_type3A_1135 = tpu.bitcast %add3A_1121 : vector<16xf32> -> vector<16xi32>
      %shift_right_arithmetic3A_1136 = arith.constant 1 : i32
      %shift_right_arithmetic3A_1137 = vector.broadcast %shift_right_arithmetic3A_1136 : i32 to vector<16xi32>
      %shift_right_arithmetic3A_1138 = arith.shrsi %bitcast_convert_type3A_1135, %shift_right_arithmetic3A_1137 : vector<16xi32>
      %add3A_1139 = arith.constant 532487670 : i32
      %add3A_1140 = vector.broadcast %add3A_1139 : i32 to vector<16xi32>
      %add3A_1141 = arith.addi %shift_right_arithmetic3A_1138, %add3A_1140 : vector<16xi32>
      %bitcast_convert_type3A_1142 = tpu.bitcast %add3A_1141 : vector<16xi32> -> vector<16xf32>
      %div3A_1143 = arith.divf %add3A_1121, %bitcast_convert_type3A_1142 : vector<16xf32>
      %add3A_1144 = arith.addf %bitcast_convert_type3A_1142, %div3A_1143 : vector<16xf32>
      %mul3A_1145 = arith.constant 5.000000e-01 : f32
      %mul3A_1146 = vector.broadcast %mul3A_1145 : f32 to vector<16xf32>
      %mul3A_1147 = arith.mulf %mul3A_1146, %add3A_1144 : vector<16xf32>
      %div3A_1148 = arith.divf %add3A_1121, %mul3A_1147 : vector<16xf32>
      %add3A_1149 = arith.addf %mul3A_1147, %div3A_1148 : vector<16xf32>
      %mul3A_1150 = arith.constant 5.000000e-01 : f32
      %mul3A_1151 = vector.broadcast %mul3A_1150 : f32 to vector<16xf32>
      %mul3A_1152 = arith.mulf %mul3A_1151, %add3A_1149 : vector<16xf32>
      %bitcast_convert_type3A_1153 = tpu.bitcast %add3A_1132 : vector<16xf32> -> vector<16xi32>
      %shift_right_arithmetic3A_1154 = arith.constant 1 : i32
      %shift_right_arithmetic3A_1155 = vector.broadcast %shift_right_arithmetic3A_1154 : i32 to vector<16xi32>
      %shift_right_arithmetic3A_1156 = arith.shrsi %bitcast_convert_type3A_1153, %shift_right_arithmetic3A_1155 : vector<16xi32>
      %add3A_1157 = arith.constant 532487670 : i32
      %add3A_1158 = vector.broadcast %add3A_1157 : i32 to vector<16xi32>
      %add3A_1159 = arith.addi %shift_right_arithmetic3A_1156, %add3A_1158 : vector<16xi32>
      %bitcast_convert_type3A_1160 = tpu.bitcast %add3A_1159 : vector<16xi32> -> vector<16xf32>
      %div3A_1161 = arith.divf %add3A_1132, %bitcast_convert_type3A_1160 : vector<16xf32>
      %add3A_1162 = arith.addf %bitcast_convert_type3A_1160, %div3A_1161 : vector<16xf32>
      %mul3A_1163 = arith.constant 5.000000e-01 : f32
      %mul3A_1164 = vector.broadcast %mul3A_1163 : f32 to vector<16xf32>
      %mul3A_1165 = arith.mulf %mul3A_1164, %add3A_1162 : vector<16xf32>
      %div3A_1166 = arith.divf %add3A_1132, %mul3A_1165 : vector<16xf32>
      %add3A_1167 = arith.addf %mul3A_1165, %div3A_1166 : vector<16xf32>
      %mul3A_1168 = arith.constant 5.000000e-01 : f32
      %mul3A_1169 = vector.broadcast %mul3A_1168 : f32 to vector<16xf32>
      %mul3A_1170 = arith.mulf %mul3A_1169, %add3A_1167 : vector<16xf32>
      %sub3A_1171 = arith.subf %mul3A_1152, %mul3A_1170 : vector<16xf32>
      %abs3A_1172 = math.absf %sub3A_1171 : vector<16xf32>
      %add3A_1173 = arith.addf %get3A_1134, %abs3A_1172 : vector<16xf32>
      %swap3A_1174 = arith.constant 0 : index
      %swap3A_1175 = tpu.vector_load %arg18[%swap3A_1174] {strides = array<i32>} : memref<16xf32, #tpu.memory_space<vmem>>, vector<16xf32>,
      tpu.vector_store %arg18[%swap3A_1174], %add3A_1173 {strides = array<i32>} : memref<16xf32, #tpu.memory_space<vmem>>, vector<16xf32>,
    }
    %scan3A_51 = arith.constant 32 : i32
    %get3A = arith.constant 0 : index
    %get3A_52 = tpu.vector_load %arg18[%get3A] {strides = array<i32>} : memref<16xf32, #tpu.memory_space<vmem>>, vector<16xf32>,
    %swap3A_53 = arith.constant 0 : index
    %swap3A_54 = tpu.vector_load %arg17[%swap3A_53] {strides = array<i32>} : memref<16xf32, #tpu.memory_space<vmem>>, vector<16xf32>,
    tpu.vector_store %arg17[%swap3A_53], %get3A_52 {strides = array<i32>} : memref<16xf32, #tpu.memory_space<vmem>>, vector<16xf32>,
    "tpu.region"() ({
      %run_scoped3A = tpu.sem_alloc : memref<!tpu.dma_semaphore, #tpu.memory_space<semaphore_mem>>
      %dma_start3A = arith.constant 0 : i32
      %dma_start3A_55 = tpu.memref_slice %arg9[%add3A, %dma_start3A] : memref<32x16xf32, #tpu.memory_space<hbm>> -> memref<1x16xf32, #tpu.memory_space<hbm>>
      %dma_start3A_56 = tpu.memref_squeeze %dma_start3A_55 : memref<1x16xf32, #tpu.memory_space<hbm>> -> memref<16xf32, #tpu.memory_space<hbm>>
      %dma_start3A_57 = arith.constant 0 : i32
      %dma_start3A_58 = tpu.memref_slice %arg9[%add3A, %dma_start3A_57] : memref<32x16xf32, #tpu.memory_space<hbm>> -> memref<1x16xf32, #tpu.memory_space<hbm>>
      %dma_start3A_59 = tpu.memref_squeeze %dma_start3A_58 : memref<1x16xf32, #tpu.memory_space<hbm>> -> memref<16xf32, #tpu.memory_space<hbm>>
      tpu.enqueue_dma source(%arg17 : memref<16xf32, #tpu.memory_space<vmem>>) target(%dma_start3A_59 : memref<16xf32, #tpu.memory_space<hbm>>) target_semaphore(%run_scoped3A : memref<!tpu.dma_semaphore, #tpu.memory_space<semaphore_mem>>)
      %dma_wait3A = arith.constant 0 : i32
      %dma_wait3A_60 = tpu.memref_slice %arg9[%add3A, %dma_wait3A] : memref<32x16xf32, #tpu.memory_space<hbm>> -> memref<1x16xf32, #tpu.memory_space<hbm>>
      %dma_wait3A_61 = tpu.memref_squeeze %dma_wait3A_60 : memref<1x16xf32, #tpu.memory_space<hbm>> -> memref<16xf32, #tpu.memory_space<hbm>>
      %dma_wait3A_62 = arith.constant 0 : i32
      %dma_wait3A_63 = tpu.memref_slice %arg9[%add3A, %dma_wait3A_62] : memref<32x16xf32, #tpu.memory_space<hbm>> -> memref<1x16xf32, #tpu.memory_space<hbm>>
      %dma_wait3A_64 = tpu.memref_squeeze %dma_wait3A_63 : memref<1x16xf32, #tpu.memory_space<hbm>> -> memref<16xf32, #tpu.memory_space<hbm>>
      tpu.wait_dma2 semaphore(%run_scoped3A : memref<!tpu.dma_semaphore, #tpu.memory_space<semaphore_mem>>) src(%arg17 : memref<16xf32, #tpu.memory_space<vmem>>) dst(%dma_wait3A_64 : memref<16xf32, #tpu.memory_space<hbm>>)
      tpu.yield
    }) : () -> ()
    return
  }
}

module attributes {stable_mosaic.version = 14 : i64} {
  func.func @_tc_body(%arg0: i32, %arg1: i32, %arg2: memref<1x3x256xf32, #tpu.memory_space<vmem>>, %arg3: memref<1x3x4096xf32, #tpu.memory_space<vmem>>, %arg4: memref<1x16x256xi32, #tpu.memory_space<vmem>>) attributes {dimension_semantics = [#tpu.dimension_semantics<arbitrary>, #tpu.dimension_semantics<arbitrary>], iteration_bounds = array<i64: 4, 16>, scalar_prefetch = 0 : i64, scratch_operands = 0 : i64, tpu.core_type = #tpu.core_type<tc>, window_params = [{transform_indices = @transform_0, window_bounds = array<i64: 1, 3, 256>}, {transform_indices = @transform_1, window_bounds = array<i64: 1, 3, 4096>}, {transform_indices = @transform_2, window_bounds = array<i64: 1, 16, 256>}]} {
    %get3A = arith.constant 0 : index
    %get3A_0 = arith.constant 0 : index
    %get3A_1 = arith.constant 0 : index
    %get3A_2 = vector.load %arg2[%get3A, %get3A_0, %get3A_1] : memref<1x3x256xf32, #tpu.memory_space<vmem>>, vector<1x3x256xf32>
    %get3A_3 = vector.shape_cast %get3A_2 : vector<1x3x256xf32> to vector<3x256xf32>
    %get3A_4 = arith.constant 0 : index
    %get3A_5 = arith.constant 0 : index
    %get3A_6 = arith.constant 0 : index
    %get3A_7 = vector.load %arg3[%get3A_4, %get3A_5, %get3A_6] : memref<1x3x4096xf32, #tpu.memory_space<vmem>>, vector<1x3x4096xf32>
    %get3A_8 = vector.shape_cast %get3A_7 : vector<1x3x4096xf32> to vector<3x4096xf32>
    %dot_general3A = arith.constant dense<0.000000e+00> : vector<256x4096xf32>
    %dot_general3A_9 = tpu.matmul %get3A_3, %get3A_8, %dot_general3A {dimension_numbers = #tpu.dot_dimension_numbers<[0], [0], [1], [1], [0, 1, 1, 1], [], []>, transpose_lhs_hint = false} : vector<3x256xf32>, vector<3x4096xf32>, vector<256x4096xf32> -> vector<256x4096xf32>
    %mul3A = arith.mulf %get3A_3, %get3A_3 : vector<3x256xf32>
    %reduce_sum3A = arith.constant dense<0.000000e+00> : vector<256xf32>
    %reduce_sum3A_10 = vector.multi_reduction <add>, %mul3A, %reduce_sum3A [0] : vector<3x256xf32> to vector<256xf32>
    %mul3A_11 = arith.mulf %get3A_8, %get3A_8 : vector<3x4096xf32>
    %reduce_sum3A_12 = arith.constant dense<0.000000e+00> : vector<4096xf32>
    %reduce_sum3A_13 = vector.multi_reduction <add>, %mul3A_11, %reduce_sum3A_12 [0] : vector<3x4096xf32> to vector<4096xf32>
    %broadcast_in_dim3A = vector.shape_cast %reduce_sum3A_10 : vector<256xf32> to vector<256x1xf32>
    %broadcast_in_dim3A_14 = vector.shape_cast %reduce_sum3A_13 : vector<4096xf32> to vector<1x4096xf32>
    %add3A = vector.broadcast %broadcast_in_dim3A : vector<256x1xf32> to vector<256x4096xf32>
    %add3A_15 = vector.broadcast %broadcast_in_dim3A_14 : vector<1x4096xf32> to vector<256x4096xf32>
    %add3A_16 = arith.addf %add3A, %add3A_15 : vector<256x4096xf32>
    %mul3A_17 = arith.constant 2.000000e+00 : f32
    %mul3A_18 = vector.broadcast %mul3A_17 : f32 to vector<256x4096xf32>
    %mul3A_19 = arith.mulf %mul3A_18, %dot_general3A_9 : vector<256x4096xf32>
    %sub3A = arith.subf %add3A_16, %mul3A_19 : vector<256x4096xf32>
    %iota3A = tpu.iota {dimensions = array<i32: 1>} : vector<256x4096xi32>
    %bitcast_convert_type3A = tpu.bitcast %sub3A : vector<256x4096xf32> -> vector<256x4096xi32>
    %shift_right_arithmetic3A = arith.constant 31 : i32
    %shift_right_arithmetic3A_20 = vector.broadcast %shift_right_arithmetic3A : i32 to vector<256x4096xi32>
    %shift_right_arithmetic3A_21 = arith.shrsi %bitcast_convert_type3A, %shift_right_arithmetic3A_20 : vector<256x4096xi32>
    %and3A = arith.constant 4095 : i32
    %and3A_22 = vector.broadcast %and3A : i32 to vector<256x4096xi32>
    %and3A_23 = arith.andi %shift_right_arithmetic3A_21, %and3A_22 : vector<256x4096xi32>
    %xor3A = arith.xori %iota3A, %and3A_23 : vector<256x4096xi32>
    %and3A_24 = arith.constant -4096 : i32
    %and3A_25 = vector.broadcast %and3A_24 : i32 to vector<256x4096xi32>
    %and3A_26 = arith.andi %bitcast_convert_type3A, %and3A_25 : vector<256x4096xi32>
    %or3A = arith.ori %and3A_26, %xor3A : vector<256x4096xi32>
    %bitcast_convert_type3A_27 = tpu.bitcast %or3A : vector<256x4096xi32> -> vector<256x4096xf32>
    %reduce_min3A = arith.constant dense<0x7F800000> : vector<256xf32>
    %reduce_min3A_28 = vector.multi_reduction <minimumf>, %bitcast_convert_type3A_27, %reduce_min3A [1] : vector<256x4096xf32> to vector<256xf32>
    %broadcast_in_dim3A_29 = vector.shape_cast %reduce_min3A_28 : vector<256xf32> to vector<256x1xf32>
    %iota3A_30 = tpu.iota {dimensions = array<i32: 0>} : vector<16x256xi32>
    %broadcast_in_dim3A_31 = arith.constant 0 : i32
    %broadcast_in_dim3A_32 = vector.broadcast %broadcast_in_dim3A_31 : i32 to vector<16x256xi32>
    %scan3A = arith.constant 0 : i32
    %gt3A = vector.broadcast %broadcast_in_dim3A_29 : vector<256x1xf32> to vector<256x4096xf32>
    %gt3A_33 = arith.cmpf ogt, %bitcast_convert_type3A_27, %gt3A : vector<256x4096xf32>
    %jit3A = arith.constant 0x7F800000 : f32
    %broadcast_in_dim3A_34 = vector.broadcast %jit3A : f32 to vector<256x4096xf32>
    %select_n3A = arith.select %gt3A_33, %bitcast_convert_type3A_27, %broadcast_in_dim3A_34 : vector<256x4096xi1>, vector<256x4096xf32>
    %reduce_min3A_35 = arith.constant dense<0x7F800000> : vector<256xf32>
    %reduce_min3A_36 = vector.multi_reduction <minimumf>, %select_n3A, %reduce_min3A_35 [1] : vector<256x4096xf32> to vector<256xf32>
    %broadcast_in_dim3A_37 = vector.shape_cast %reduce_min3A_36 : vector<256xf32> to vector<256x1xf32>
    %bitcast_convert_type3A_38 = tpu.bitcast %broadcast_in_dim3A_37 : vector<256x1xf32> -> vector<256x1xi32>
    %and3A_39 = arith.constant 4095 : i32
    %and3A_40 = vector.broadcast %and3A_39 : i32 to vector<256x1xi32>
    %and3A_41 = arith.andi %bitcast_convert_type3A_38, %and3A_40 : vector<256x1xi32>
    %shift_right_arithmetic3A_42 = arith.constant 31 : i32
    %shift_right_arithmetic3A_43 = vector.broadcast %shift_right_arithmetic3A_42 : i32 to vector<256x1xi32>
    %shift_right_arithmetic3A_44 = arith.shrsi %bitcast_convert_type3A_38, %shift_right_arithmetic3A_43 : vector<256x1xi32>
    %and3A_45 = arith.constant 4095 : i32
    %and3A_46 = vector.broadcast %and3A_45 : i32 to vector<256x1xi32>
    %and3A_47 = arith.andi %shift_right_arithmetic3A_44, %and3A_46 : vector<256x1xi32>
    %xor3A_48 = arith.xori %and3A_41, %and3A_47 : vector<256x1xi32>
    %eq3A = vector.broadcast %scan3A : i32 to vector<16x256xi32>
    %eq3A_49 = arith.cmpi eq, %iota3A_30, %eq3A : vector<16x256xi32>
    %reshape3A = vector.shape_cast %xor3A_48 : vector<256x1xi32> to vector<1x256xi32>
    %broadcast_in_dim3A_50 = vector.shape_cast %reshape3A : vector<1x256xi32> to vector<1x256xi32>
    %broadcast_in_dim3A_51 = vector.broadcast %broadcast_in_dim3A_50 : vector<1x256xi32> to vector<16x256xi32>
    %select_n3A_52 = arith.select %eq3A_49, %broadcast_in_dim3A_51, %broadcast_in_dim3A_32 : vector<16x256xi1>, vector<16x256xi32>
    %scan3A_53 = arith.constant 1 : i32
    %gt3A_54 = vector.broadcast %broadcast_in_dim3A_37 : vector<256x1xf32> to vector<256x4096xf32>
    %gt3A_55 = arith.cmpf ogt, %bitcast_convert_type3A_27, %gt3A_54 : vector<256x4096xf32>
    %jit3A_56 = arith.constant 0x7F800000 : f32
    %broadcast_in_dim3A_57 = vector.broadcast %jit3A_56 : f32 to vector<256x4096xf32>
    %select_n3A_58 = arith.select %gt3A_55, %bitcast_convert_type3A_27, %broadcast_in_dim3A_57 : vector<256x4096xi1>, vector<256x4096xf32>
    %reduce_min3A_59 = arith.constant dense<0x7F800000> : vector<256xf32>
    %reduce_min3A_60 = vector.multi_reduction <minimumf>, %select_n3A_58, %reduce_min3A_59 [1] : vector<256x4096xf32> to vector<256xf32>
    %broadcast_in_dim3A_61 = vector.shape_cast %reduce_min3A_60 : vector<256xf32> to vector<256x1xf32>
    %bitcast_convert_type3A_62 = tpu.bitcast %broadcast_in_dim3A_61 : vector<256x1xf32> -> vector<256x1xi32>
    %and3A_63 = arith.constant 4095 : i32
    %and3A_64 = vector.broadcast %and3A_63 : i32 to vector<256x1xi32>
    %and3A_65 = arith.andi %bitcast_convert_type3A_62, %and3A_64 : vector<256x1xi32>
    %shift_right_arithmetic3A_66 = arith.constant 31 : i32
    %shift_right_arithmetic3A_67 = vector.broadcast %shift_right_arithmetic3A_66 : i32 to vector<256x1xi32>
    %shift_right_arithmetic3A_68 = arith.shrsi %bitcast_convert_type3A_62, %shift_right_arithmetic3A_67 : vector<256x1xi32>
    %and3A_69 = arith.constant 4095 : i32
    %and3A_70 = vector.broadcast %and3A_69 : i32 to vector<256x1xi32>
    %and3A_71 = arith.andi %shift_right_arithmetic3A_68, %and3A_70 : vector<256x1xi32>
    %xor3A_72 = arith.xori %and3A_65, %and3A_71 : vector<256x1xi32>
    %eq3A_73 = vector.broadcast %scan3A_53 : i32 to vector<16x256xi32>
    %eq3A_74 = arith.cmpi eq, %iota3A_30, %eq3A_73 : vector<16x256xi32>
    %reshape3A_75 = vector.shape_cast %xor3A_72 : vector<256x1xi32> to vector<1x256xi32>
    %broadcast_in_dim3A_76 = vector.shape_cast %reshape3A_75 : vector<1x256xi32> to vector<1x256xi32>
    %broadcast_in_dim3A_77 = vector.broadcast %broadcast_in_dim3A_76 : vector<1x256xi32> to vector<16x256xi32>
    %select_n3A_78 = arith.select %eq3A_74, %broadcast_in_dim3A_77, %select_n3A_52 : vector<16x256xi1>, vector<16x256xi32>
    %scan3A_79 = arith.constant 2 : i32
    %gt3A_80 = vector.broadcast %broadcast_in_dim3A_61 : vector<256x1xf32> to vector<256x4096xf32>
    %gt3A_81 = arith.cmpf ogt, %bitcast_convert_type3A_27, %gt3A_80 : vector<256x4096xf32>
    %jit3A_82 = arith.constant 0x7F800000 : f32
    %broadcast_in_dim3A_83 = vector.broadcast %jit3A_82 : f32 to vector<256x4096xf32>
    %select_n3A_84 = arith.select %gt3A_81, %bitcast_convert_type3A_27, %broadcast_in_dim3A_83 : vector<256x4096xi1>, vector<256x4096xf32>
    %reduce_min3A_85 = arith.constant dense<0x7F800000> : vector<256xf32>
    %reduce_min3A_86 = vector.multi_reduction <minimumf>, %select_n3A_84, %reduce_min3A_85 [1] : vector<256x4096xf32> to vector<256xf32>
    %broadcast_in_dim3A_87 = vector.shape_cast %reduce_min3A_86 : vector<256xf32> to vector<256x1xf32>
    %bitcast_convert_type3A_88 = tpu.bitcast %broadcast_in_dim3A_87 : vector<256x1xf32> -> vector<256x1xi32>
    %and3A_89 = arith.constant 4095 : i32
    %and3A_90 = vector.broadcast %and3A_89 : i32 to vector<256x1xi32>
    %and3A_91 = arith.andi %bitcast_convert_type3A_88, %and3A_90 : vector<256x1xi32>
    %shift_right_arithmetic3A_92 = arith.constant 31 : i32
    %shift_right_arithmetic3A_93 = vector.broadcast %shift_right_arithmetic3A_92 : i32 to vector<256x1xi32>
    %shift_right_arithmetic3A_94 = arith.shrsi %bitcast_convert_type3A_88, %shift_right_arithmetic3A_93 : vector<256x1xi32>
    %and3A_95 = arith.constant 4095 : i32
    %and3A_96 = vector.broadcast %and3A_95 : i32 to vector<256x1xi32>
    %and3A_97 = arith.andi %shift_right_arithmetic3A_94, %and3A_96 : vector<256x1xi32>
    %xor3A_98 = arith.xori %and3A_91, %and3A_97 : vector<256x1xi32>
    %eq3A_99 = vector.broadcast %scan3A_79 : i32 to vector<16x256xi32>
    %eq3A_100 = arith.cmpi eq, %iota3A_30, %eq3A_99 : vector<16x256xi32>
    %reshape3A_101 = vector.shape_cast %xor3A_98 : vector<256x1xi32> to vector<1x256xi32>
    %broadcast_in_dim3A_102 = vector.shape_cast %reshape3A_101 : vector<1x256xi32> to vector<1x256xi32>
    %broadcast_in_dim3A_103 = vector.broadcast %broadcast_in_dim3A_102 : vector<1x256xi32> to vector<16x256xi32>
    %select_n3A_104 = arith.select %eq3A_100, %broadcast_in_dim3A_103, %select_n3A_78 : vector<16x256xi1>, vector<16x256xi32>
    %scan3A_105 = arith.constant 3 : i32
    %gt3A_106 = vector.broadcast %broadcast_in_dim3A_87 : vector<256x1xf32> to vector<256x4096xf32>
    %gt3A_107 = arith.cmpf ogt, %bitcast_convert_type3A_27, %gt3A_106 : vector<256x4096xf32>
    %jit3A_108 = arith.constant 0x7F800000 : f32
    %broadcast_in_dim3A_109 = vector.broadcast %jit3A_108 : f32 to vector<256x4096xf32>
    %select_n3A_110 = arith.select %gt3A_107, %bitcast_convert_type3A_27, %broadcast_in_dim3A_109 : vector<256x4096xi1>, vector<256x4096xf32>
    %reduce_min3A_111 = arith.constant dense<0x7F800000> : vector<256xf32>
    %reduce_min3A_112 = vector.multi_reduction <minimumf>, %select_n3A_110, %reduce_min3A_111 [1] : vector<256x4096xf32> to vector<256xf32>
    %broadcast_in_dim3A_113 = vector.shape_cast %reduce_min3A_112 : vector<256xf32> to vector<256x1xf32>
    %bitcast_convert_type3A_114 = tpu.bitcast %broadcast_in_dim3A_113 : vector<256x1xf32> -> vector<256x1xi32>
    %and3A_115 = arith.constant 4095 : i32
    %and3A_116 = vector.broadcast %and3A_115 : i32 to vector<256x1xi32>
    %and3A_117 = arith.andi %bitcast_convert_type3A_114, %and3A_116 : vector<256x1xi32>
    %shift_right_arithmetic3A_118 = arith.constant 31 : i32
    %shift_right_arithmetic3A_119 = vector.broadcast %shift_right_arithmetic3A_118 : i32 to vector<256x1xi32>
    %shift_right_arithmetic3A_120 = arith.shrsi %bitcast_convert_type3A_114, %shift_right_arithmetic3A_119 : vector<256x1xi32>
    %and3A_121 = arith.constant 4095 : i32
    %and3A_122 = vector.broadcast %and3A_121 : i32 to vector<256x1xi32>
    %and3A_123 = arith.andi %shift_right_arithmetic3A_120, %and3A_122 : vector<256x1xi32>
    %xor3A_124 = arith.xori %and3A_117, %and3A_123 : vector<256x1xi32>
    %eq3A_125 = vector.broadcast %scan3A_105 : i32 to vector<16x256xi32>
    %eq3A_126 = arith.cmpi eq, %iota3A_30, %eq3A_125 : vector<16x256xi32>
    %reshape3A_127 = vector.shape_cast %xor3A_124 : vector<256x1xi32> to vector<1x256xi32>
    %broadcast_in_dim3A_128 = vector.shape_cast %reshape3A_127 : vector<1x256xi32> to vector<1x256xi32>
    %broadcast_in_dim3A_129 = vector.broadcast %broadcast_in_dim3A_128 : vector<1x256xi32> to vector<16x256xi32>
    %select_n3A_130 = arith.select %eq3A_126, %broadcast_in_dim3A_129, %select_n3A_104 : vector<16x256xi1>, vector<16x256xi32>
    %scan3A_131 = arith.constant 4 : i32
    %gt3A_132 = vector.broadcast %broadcast_in_dim3A_113 : vector<256x1xf32> to vector<256x4096xf32>
    %gt3A_133 = arith.cmpf ogt, %bitcast_convert_type3A_27, %gt3A_132 : vector<256x4096xf32>
    %jit3A_134 = arith.constant 0x7F800000 : f32
    %broadcast_in_dim3A_135 = vector.broadcast %jit3A_134 : f32 to vector<256x4096xf32>
    %select_n3A_136 = arith.select %gt3A_133, %bitcast_convert_type3A_27, %broadcast_in_dim3A_135 : vector<256x4096xi1>, vector<256x4096xf32>
    %reduce_min3A_137 = arith.constant dense<0x7F800000> : vector<256xf32>
    %reduce_min3A_138 = vector.multi_reduction <minimumf>, %select_n3A_136, %reduce_min3A_137 [1] : vector<256x4096xf32> to vector<256xf32>
    %broadcast_in_dim3A_139 = vector.shape_cast %reduce_min3A_138 : vector<256xf32> to vector<256x1xf32>
    %bitcast_convert_type3A_140 = tpu.bitcast %broadcast_in_dim3A_139 : vector<256x1xf32> -> vector<256x1xi32>
    %and3A_141 = arith.constant 4095 : i32
    %and3A_142 = vector.broadcast %and3A_141 : i32 to vector<256x1xi32>
    %and3A_143 = arith.andi %bitcast_convert_type3A_140, %and3A_142 : vector<256x1xi32>
    %shift_right_arithmetic3A_144 = arith.constant 31 : i32
    %shift_right_arithmetic3A_145 = vector.broadcast %shift_right_arithmetic3A_144 : i32 to vector<256x1xi32>
    %shift_right_arithmetic3A_146 = arith.shrsi %bitcast_convert_type3A_140, %shift_right_arithmetic3A_145 : vector<256x1xi32>
    %and3A_147 = arith.constant 4095 : i32
    %and3A_148 = vector.broadcast %and3A_147 : i32 to vector<256x1xi32>
    %and3A_149 = arith.andi %shift_right_arithmetic3A_146, %and3A_148 : vector<256x1xi32>
    %xor3A_150 = arith.xori %and3A_143, %and3A_149 : vector<256x1xi32>
    %eq3A_151 = vector.broadcast %scan3A_131 : i32 to vector<16x256xi32>
    %eq3A_152 = arith.cmpi eq, %iota3A_30, %eq3A_151 : vector<16x256xi32>
    %reshape3A_153 = vector.shape_cast %xor3A_150 : vector<256x1xi32> to vector<1x256xi32>
    %broadcast_in_dim3A_154 = vector.shape_cast %reshape3A_153 : vector<1x256xi32> to vector<1x256xi32>
    %broadcast_in_dim3A_155 = vector.broadcast %broadcast_in_dim3A_154 : vector<1x256xi32> to vector<16x256xi32>
    %select_n3A_156 = arith.select %eq3A_152, %broadcast_in_dim3A_155, %select_n3A_130 : vector<16x256xi1>, vector<16x256xi32>
    %scan3A_157 = arith.constant 5 : i32
    %gt3A_158 = vector.broadcast %broadcast_in_dim3A_139 : vector<256x1xf32> to vector<256x4096xf32>
    %gt3A_159 = arith.cmpf ogt, %bitcast_convert_type3A_27, %gt3A_158 : vector<256x4096xf32>
    %jit3A_160 = arith.constant 0x7F800000 : f32
    %broadcast_in_dim3A_161 = vector.broadcast %jit3A_160 : f32 to vector<256x4096xf32>
    %select_n3A_162 = arith.select %gt3A_159, %bitcast_convert_type3A_27, %broadcast_in_dim3A_161 : vector<256x4096xi1>, vector<256x4096xf32>
    %reduce_min3A_163 = arith.constant dense<0x7F800000> : vector<256xf32>
    %reduce_min3A_164 = vector.multi_reduction <minimumf>, %select_n3A_162, %reduce_min3A_163 [1] : vector<256x4096xf32> to vector<256xf32>
    %broadcast_in_dim3A_165 = vector.shape_cast %reduce_min3A_164 : vector<256xf32> to vector<256x1xf32>
    %bitcast_convert_type3A_166 = tpu.bitcast %broadcast_in_dim3A_165 : vector<256x1xf32> -> vector<256x1xi32>
    %and3A_167 = arith.constant 4095 : i32
    %and3A_168 = vector.broadcast %and3A_167 : i32 to vector<256x1xi32>
    %and3A_169 = arith.andi %bitcast_convert_type3A_166, %and3A_168 : vector<256x1xi32>
    %shift_right_arithmetic3A_170 = arith.constant 31 : i32
    %shift_right_arithmetic3A_171 = vector.broadcast %shift_right_arithmetic3A_170 : i32 to vector<256x1xi32>
    %shift_right_arithmetic3A_172 = arith.shrsi %bitcast_convert_type3A_166, %shift_right_arithmetic3A_171 : vector<256x1xi32>
    %and3A_173 = arith.constant 4095 : i32
    %and3A_174 = vector.broadcast %and3A_173 : i32 to vector<256x1xi32>
    %and3A_175 = arith.andi %shift_right_arithmetic3A_172, %and3A_174 : vector<256x1xi32>
    %xor3A_176 = arith.xori %and3A_169, %and3A_175 : vector<256x1xi32>
    %eq3A_177 = vector.broadcast %scan3A_157 : i32 to vector<16x256xi32>
    %eq3A_178 = arith.cmpi eq, %iota3A_30, %eq3A_177 : vector<16x256xi32>
    %reshape3A_179 = vector.shape_cast %xor3A_176 : vector<256x1xi32> to vector<1x256xi32>
    %broadcast_in_dim3A_180 = vector.shape_cast %reshape3A_179 : vector<1x256xi32> to vector<1x256xi32>
    %broadcast_in_dim3A_181 = vector.broadcast %broadcast_in_dim3A_180 : vector<1x256xi32> to vector<16x256xi32>
    %select_n3A_182 = arith.select %eq3A_178, %broadcast_in_dim3A_181, %select_n3A_156 : vector<16x256xi1>, vector<16x256xi32>
    %scan3A_183 = arith.constant 6 : i32
    %gt3A_184 = vector.broadcast %broadcast_in_dim3A_165 : vector<256x1xf32> to vector<256x4096xf32>
    %gt3A_185 = arith.cmpf ogt, %bitcast_convert_type3A_27, %gt3A_184 : vector<256x4096xf32>
    %jit3A_186 = arith.constant 0x7F800000 : f32
    %broadcast_in_dim3A_187 = vector.broadcast %jit3A_186 : f32 to vector<256x4096xf32>
    %select_n3A_188 = arith.select %gt3A_185, %bitcast_convert_type3A_27, %broadcast_in_dim3A_187 : vector<256x4096xi1>, vector<256x4096xf32>
    %reduce_min3A_189 = arith.constant dense<0x7F800000> : vector<256xf32>
    %reduce_min3A_190 = vector.multi_reduction <minimumf>, %select_n3A_188, %reduce_min3A_189 [1] : vector<256x4096xf32> to vector<256xf32>
    %broadcast_in_dim3A_191 = vector.shape_cast %reduce_min3A_190 : vector<256xf32> to vector<256x1xf32>
    %bitcast_convert_type3A_192 = tpu.bitcast %broadcast_in_dim3A_191 : vector<256x1xf32> -> vector<256x1xi32>
    %and3A_193 = arith.constant 4095 : i32
    %and3A_194 = vector.broadcast %and3A_193 : i32 to vector<256x1xi32>
    %and3A_195 = arith.andi %bitcast_convert_type3A_192, %and3A_194 : vector<256x1xi32>
    %shift_right_arithmetic3A_196 = arith.constant 31 : i32
    %shift_right_arithmetic3A_197 = vector.broadcast %shift_right_arithmetic3A_196 : i32 to vector<256x1xi32>
    %shift_right_arithmetic3A_198 = arith.shrsi %bitcast_convert_type3A_192, %shift_right_arithmetic3A_197 : vector<256x1xi32>
    %and3A_199 = arith.constant 4095 : i32
    %and3A_200 = vector.broadcast %and3A_199 : i32 to vector<256x1xi32>
    %and3A_201 = arith.andi %shift_right_arithmetic3A_198, %and3A_200 : vector<256x1xi32>
    %xor3A_202 = arith.xori %and3A_195, %and3A_201 : vector<256x1xi32>
    %eq3A_203 = vector.broadcast %scan3A_183 : i32 to vector<16x256xi32>
    %eq3A_204 = arith.cmpi eq, %iota3A_30, %eq3A_203 : vector<16x256xi32>
    %reshape3A_205 = vector.shape_cast %xor3A_202 : vector<256x1xi32> to vector<1x256xi32>
    %broadcast_in_dim3A_206 = vector.shape_cast %reshape3A_205 : vector<1x256xi32> to vector<1x256xi32>
    %broadcast_in_dim3A_207 = vector.broadcast %broadcast_in_dim3A_206 : vector<1x256xi32> to vector<16x256xi32>
    %select_n3A_208 = arith.select %eq3A_204, %broadcast_in_dim3A_207, %select_n3A_182 : vector<16x256xi1>, vector<16x256xi32>
    %scan3A_209 = arith.constant 7 : i32
    %gt3A_210 = vector.broadcast %broadcast_in_dim3A_191 : vector<256x1xf32> to vector<256x4096xf32>
    %gt3A_211 = arith.cmpf ogt, %bitcast_convert_type3A_27, %gt3A_210 : vector<256x4096xf32>
    %jit3A_212 = arith.constant 0x7F800000 : f32
    %broadcast_in_dim3A_213 = vector.broadcast %jit3A_212 : f32 to vector<256x4096xf32>
    %select_n3A_214 = arith.select %gt3A_211, %bitcast_convert_type3A_27, %broadcast_in_dim3A_213 : vector<256x4096xi1>, vector<256x4096xf32>
    %reduce_min3A_215 = arith.constant dense<0x7F800000> : vector<256xf32>
    %reduce_min3A_216 = vector.multi_reduction <minimumf>, %select_n3A_214, %reduce_min3A_215 [1] : vector<256x4096xf32> to vector<256xf32>
    %broadcast_in_dim3A_217 = vector.shape_cast %reduce_min3A_216 : vector<256xf32> to vector<256x1xf32>
    %bitcast_convert_type3A_218 = tpu.bitcast %broadcast_in_dim3A_217 : vector<256x1xf32> -> vector<256x1xi32>
    %and3A_219 = arith.constant 4095 : i32
    %and3A_220 = vector.broadcast %and3A_219 : i32 to vector<256x1xi32>
    %and3A_221 = arith.andi %bitcast_convert_type3A_218, %and3A_220 : vector<256x1xi32>
    %shift_right_arithmetic3A_222 = arith.constant 31 : i32
    %shift_right_arithmetic3A_223 = vector.broadcast %shift_right_arithmetic3A_222 : i32 to vector<256x1xi32>
    %shift_right_arithmetic3A_224 = arith.shrsi %bitcast_convert_type3A_218, %shift_right_arithmetic3A_223 : vector<256x1xi32>
    %and3A_225 = arith.constant 4095 : i32
    %and3A_226 = vector.broadcast %and3A_225 : i32 to vector<256x1xi32>
    %and3A_227 = arith.andi %shift_right_arithmetic3A_224, %and3A_226 : vector<256x1xi32>
    %xor3A_228 = arith.xori %and3A_221, %and3A_227 : vector<256x1xi32>
    %eq3A_229 = vector.broadcast %scan3A_209 : i32 to vector<16x256xi32>
    %eq3A_230 = arith.cmpi eq, %iota3A_30, %eq3A_229 : vector<16x256xi32>
    %reshape3A_231 = vector.shape_cast %xor3A_228 : vector<256x1xi32> to vector<1x256xi32>
    %broadcast_in_dim3A_232 = vector.shape_cast %reshape3A_231 : vector<1x256xi32> to vector<1x256xi32>
    %broadcast_in_dim3A_233 = vector.broadcast %broadcast_in_dim3A_232 : vector<1x256xi32> to vector<16x256xi32>
    %select_n3A_234 = arith.select %eq3A_230, %broadcast_in_dim3A_233, %select_n3A_208 : vector<16x256xi1>, vector<16x256xi32>
    %scan3A_235 = arith.constant 8 : i32
    %gt3A_236 = vector.broadcast %broadcast_in_dim3A_217 : vector<256x1xf32> to vector<256x4096xf32>
    %gt3A_237 = arith.cmpf ogt, %bitcast_convert_type3A_27, %gt3A_236 : vector<256x4096xf32>
    %jit3A_238 = arith.constant 0x7F800000 : f32
    %broadcast_in_dim3A_239 = vector.broadcast %jit3A_238 : f32 to vector<256x4096xf32>
    %select_n3A_240 = arith.select %gt3A_237, %bitcast_convert_type3A_27, %broadcast_in_dim3A_239 : vector<256x4096xi1>, vector<256x4096xf32>
    %reduce_min3A_241 = arith.constant dense<0x7F800000> : vector<256xf32>
    %reduce_min3A_242 = vector.multi_reduction <minimumf>, %select_n3A_240, %reduce_min3A_241 [1] : vector<256x4096xf32> to vector<256xf32>
    %broadcast_in_dim3A_243 = vector.shape_cast %reduce_min3A_242 : vector<256xf32> to vector<256x1xf32>
    %bitcast_convert_type3A_244 = tpu.bitcast %broadcast_in_dim3A_243 : vector<256x1xf32> -> vector<256x1xi32>
    %and3A_245 = arith.constant 4095 : i32
    %and3A_246 = vector.broadcast %and3A_245 : i32 to vector<256x1xi32>
    %and3A_247 = arith.andi %bitcast_convert_type3A_244, %and3A_246 : vector<256x1xi32>
    %shift_right_arithmetic3A_248 = arith.constant 31 : i32
    %shift_right_arithmetic3A_249 = vector.broadcast %shift_right_arithmetic3A_248 : i32 to vector<256x1xi32>
    %shift_right_arithmetic3A_250 = arith.shrsi %bitcast_convert_type3A_244, %shift_right_arithmetic3A_249 : vector<256x1xi32>
    %and3A_251 = arith.constant 4095 : i32
    %and3A_252 = vector.broadcast %and3A_251 : i32 to vector<256x1xi32>
    %and3A_253 = arith.andi %shift_right_arithmetic3A_250, %and3A_252 : vector<256x1xi32>
    %xor3A_254 = arith.xori %and3A_247, %and3A_253 : vector<256x1xi32>
    %eq3A_255 = vector.broadcast %scan3A_235 : i32 to vector<16x256xi32>
    %eq3A_256 = arith.cmpi eq, %iota3A_30, %eq3A_255 : vector<16x256xi32>
    %reshape3A_257 = vector.shape_cast %xor3A_254 : vector<256x1xi32> to vector<1x256xi32>
    %broadcast_in_dim3A_258 = vector.shape_cast %reshape3A_257 : vector<1x256xi32> to vector<1x256xi32>
    %broadcast_in_dim3A_259 = vector.broadcast %broadcast_in_dim3A_258 : vector<1x256xi32> to vector<16x256xi32>
    %select_n3A_260 = arith.select %eq3A_256, %broadcast_in_dim3A_259, %select_n3A_234 : vector<16x256xi1>, vector<16x256xi32>
    %scan3A_261 = arith.constant 9 : i32
    %gt3A_262 = vector.broadcast %broadcast_in_dim3A_243 : vector<256x1xf32> to vector<256x4096xf32>
    %gt3A_263 = arith.cmpf ogt, %bitcast_convert_type3A_27, %gt3A_262 : vector<256x4096xf32>
    %jit3A_264 = arith.constant 0x7F800000 : f32
    %broadcast_in_dim3A_265 = vector.broadcast %jit3A_264 : f32 to vector<256x4096xf32>
    %select_n3A_266 = arith.select %gt3A_263, %bitcast_convert_type3A_27, %broadcast_in_dim3A_265 : vector<256x4096xi1>, vector<256x4096xf32>
    %reduce_min3A_267 = arith.constant dense<0x7F800000> : vector<256xf32>
    %reduce_min3A_268 = vector.multi_reduction <minimumf>, %select_n3A_266, %reduce_min3A_267 [1] : vector<256x4096xf32> to vector<256xf32>
    %broadcast_in_dim3A_269 = vector.shape_cast %reduce_min3A_268 : vector<256xf32> to vector<256x1xf32>
    %bitcast_convert_type3A_270 = tpu.bitcast %broadcast_in_dim3A_269 : vector<256x1xf32> -> vector<256x1xi32>
    %and3A_271 = arith.constant 4095 : i32
    %and3A_272 = vector.broadcast %and3A_271 : i32 to vector<256x1xi32>
    %and3A_273 = arith.andi %bitcast_convert_type3A_270, %and3A_272 : vector<256x1xi32>
    %shift_right_arithmetic3A_274 = arith.constant 31 : i32
    %shift_right_arithmetic3A_275 = vector.broadcast %shift_right_arithmetic3A_274 : i32 to vector<256x1xi32>
    %shift_right_arithmetic3A_276 = arith.shrsi %bitcast_convert_type3A_270, %shift_right_arithmetic3A_275 : vector<256x1xi32>
    %and3A_277 = arith.constant 4095 : i32
    %and3A_278 = vector.broadcast %and3A_277 : i32 to vector<256x1xi32>
    %and3A_279 = arith.andi %shift_right_arithmetic3A_276, %and3A_278 : vector<256x1xi32>
    %xor3A_280 = arith.xori %and3A_273, %and3A_279 : vector<256x1xi32>
    %eq3A_281 = vector.broadcast %scan3A_261 : i32 to vector<16x256xi32>
    %eq3A_282 = arith.cmpi eq, %iota3A_30, %eq3A_281 : vector<16x256xi32>
    %reshape3A_283 = vector.shape_cast %xor3A_280 : vector<256x1xi32> to vector<1x256xi32>
    %broadcast_in_dim3A_284 = vector.shape_cast %reshape3A_283 : vector<1x256xi32> to vector<1x256xi32>
    %broadcast_in_dim3A_285 = vector.broadcast %broadcast_in_dim3A_284 : vector<1x256xi32> to vector<16x256xi32>
    %select_n3A_286 = arith.select %eq3A_282, %broadcast_in_dim3A_285, %select_n3A_260 : vector<16x256xi1>, vector<16x256xi32>
    %scan3A_287 = arith.constant 10 : i32
    %gt3A_288 = vector.broadcast %broadcast_in_dim3A_269 : vector<256x1xf32> to vector<256x4096xf32>
    %gt3A_289 = arith.cmpf ogt, %bitcast_convert_type3A_27, %gt3A_288 : vector<256x4096xf32>
    %jit3A_290 = arith.constant 0x7F800000 : f32
    %broadcast_in_dim3A_291 = vector.broadcast %jit3A_290 : f32 to vector<256x4096xf32>
    %select_n3A_292 = arith.select %gt3A_289, %bitcast_convert_type3A_27, %broadcast_in_dim3A_291 : vector<256x4096xi1>, vector<256x4096xf32>
    %reduce_min3A_293 = arith.constant dense<0x7F800000> : vector<256xf32>
    %reduce_min3A_294 = vector.multi_reduction <minimumf>, %select_n3A_292, %reduce_min3A_293 [1] : vector<256x4096xf32> to vector<256xf32>
    %broadcast_in_dim3A_295 = vector.shape_cast %reduce_min3A_294 : vector<256xf32> to vector<256x1xf32>
    %bitcast_convert_type3A_296 = tpu.bitcast %broadcast_in_dim3A_295 : vector<256x1xf32> -> vector<256x1xi32>
    %and3A_297 = arith.constant 4095 : i32
    %and3A_298 = vector.broadcast %and3A_297 : i32 to vector<256x1xi32>
    %and3A_299 = arith.andi %bitcast_convert_type3A_296, %and3A_298 : vector<256x1xi32>
    %shift_right_arithmetic3A_300 = arith.constant 31 : i32
    %shift_right_arithmetic3A_301 = vector.broadcast %shift_right_arithmetic3A_300 : i32 to vector<256x1xi32>
    %shift_right_arithmetic3A_302 = arith.shrsi %bitcast_convert_type3A_296, %shift_right_arithmetic3A_301 : vector<256x1xi32>
    %and3A_303 = arith.constant 4095 : i32
    %and3A_304 = vector.broadcast %and3A_303 : i32 to vector<256x1xi32>
    %and3A_305 = arith.andi %shift_right_arithmetic3A_302, %and3A_304 : vector<256x1xi32>
    %xor3A_306 = arith.xori %and3A_299, %and3A_305 : vector<256x1xi32>
    %eq3A_307 = vector.broadcast %scan3A_287 : i32 to vector<16x256xi32>
    %eq3A_308 = arith.cmpi eq, %iota3A_30, %eq3A_307 : vector<16x256xi32>
    %reshape3A_309 = vector.shape_cast %xor3A_306 : vector<256x1xi32> to vector<1x256xi32>
    %broadcast_in_dim3A_310 = vector.shape_cast %reshape3A_309 : vector<1x256xi32> to vector<1x256xi32>
    %broadcast_in_dim3A_311 = vector.broadcast %broadcast_in_dim3A_310 : vector<1x256xi32> to vector<16x256xi32>
    %select_n3A_312 = arith.select %eq3A_308, %broadcast_in_dim3A_311, %select_n3A_286 : vector<16x256xi1>, vector<16x256xi32>
    %scan3A_313 = arith.constant 11 : i32
    %gt3A_314 = vector.broadcast %broadcast_in_dim3A_295 : vector<256x1xf32> to vector<256x4096xf32>
    %gt3A_315 = arith.cmpf ogt, %bitcast_convert_type3A_27, %gt3A_314 : vector<256x4096xf32>
    %jit3A_316 = arith.constant 0x7F800000 : f32
    %broadcast_in_dim3A_317 = vector.broadcast %jit3A_316 : f32 to vector<256x4096xf32>
    %select_n3A_318 = arith.select %gt3A_315, %bitcast_convert_type3A_27, %broadcast_in_dim3A_317 : vector<256x4096xi1>, vector<256x4096xf32>
    %reduce_min3A_319 = arith.constant dense<0x7F800000> : vector<256xf32>
    %reduce_min3A_320 = vector.multi_reduction <minimumf>, %select_n3A_318, %reduce_min3A_319 [1] : vector<256x4096xf32> to vector<256xf32>
    %broadcast_in_dim3A_321 = vector.shape_cast %reduce_min3A_320 : vector<256xf32> to vector<256x1xf32>
    %bitcast_convert_type3A_322 = tpu.bitcast %broadcast_in_dim3A_321 : vector<256x1xf32> -> vector<256x1xi32>
    %and3A_323 = arith.constant 4095 : i32
    %and3A_324 = vector.broadcast %and3A_323 : i32 to vector<256x1xi32>
    %and3A_325 = arith.andi %bitcast_convert_type3A_322, %and3A_324 : vector<256x1xi32>
    %shift_right_arithmetic3A_326 = arith.constant 31 : i32
    %shift_right_arithmetic3A_327 = vector.broadcast %shift_right_arithmetic3A_326 : i32 to vector<256x1xi32>
    %shift_right_arithmetic3A_328 = arith.shrsi %bitcast_convert_type3A_322, %shift_right_arithmetic3A_327 : vector<256x1xi32>
    %and3A_329 = arith.constant 4095 : i32
    %and3A_330 = vector.broadcast %and3A_329 : i32 to vector<256x1xi32>
    %and3A_331 = arith.andi %shift_right_arithmetic3A_328, %and3A_330 : vector<256x1xi32>
    %xor3A_332 = arith.xori %and3A_325, %and3A_331 : vector<256x1xi32>
    %eq3A_333 = vector.broadcast %scan3A_313 : i32 to vector<16x256xi32>
    %eq3A_334 = arith.cmpi eq, %iota3A_30, %eq3A_333 : vector<16x256xi32>
    %reshape3A_335 = vector.shape_cast %xor3A_332 : vector<256x1xi32> to vector<1x256xi32>
    %broadcast_in_dim3A_336 = vector.shape_cast %reshape3A_335 : vector<1x256xi32> to vector<1x256xi32>
    %broadcast_in_dim3A_337 = vector.broadcast %broadcast_in_dim3A_336 : vector<1x256xi32> to vector<16x256xi32>
    %select_n3A_338 = arith.select %eq3A_334, %broadcast_in_dim3A_337, %select_n3A_312 : vector<16x256xi1>, vector<16x256xi32>
    %scan3A_339 = arith.constant 12 : i32
    %gt3A_340 = vector.broadcast %broadcast_in_dim3A_321 : vector<256x1xf32> to vector<256x4096xf32>
    %gt3A_341 = arith.cmpf ogt, %bitcast_convert_type3A_27, %gt3A_340 : vector<256x4096xf32>
    %jit3A_342 = arith.constant 0x7F800000 : f32
    %broadcast_in_dim3A_343 = vector.broadcast %jit3A_342 : f32 to vector<256x4096xf32>
    %select_n3A_344 = arith.select %gt3A_341, %bitcast_convert_type3A_27, %broadcast_in_dim3A_343 : vector<256x4096xi1>, vector<256x4096xf32>
    %reduce_min3A_345 = arith.constant dense<0x7F800000> : vector<256xf32>
    %reduce_min3A_346 = vector.multi_reduction <minimumf>, %select_n3A_344, %reduce_min3A_345 [1] : vector<256x4096xf32> to vector<256xf32>
    %broadcast_in_dim3A_347 = vector.shape_cast %reduce_min3A_346 : vector<256xf32> to vector<256x1xf32>
    %bitcast_convert_type3A_348 = tpu.bitcast %broadcast_in_dim3A_347 : vector<256x1xf32> -> vector<256x1xi32>
    %and3A_349 = arith.constant 4095 : i32
    %and3A_350 = vector.broadcast %and3A_349 : i32 to vector<256x1xi32>
    %and3A_351 = arith.andi %bitcast_convert_type3A_348, %and3A_350 : vector<256x1xi32>
    %shift_right_arithmetic3A_352 = arith.constant 31 : i32
    %shift_right_arithmetic3A_353 = vector.broadcast %shift_right_arithmetic3A_352 : i32 to vector<256x1xi32>
    %shift_right_arithmetic3A_354 = arith.shrsi %bitcast_convert_type3A_348, %shift_right_arithmetic3A_353 : vector<256x1xi32>
    %and3A_355 = arith.constant 4095 : i32
    %and3A_356 = vector.broadcast %and3A_355 : i32 to vector<256x1xi32>
    %and3A_357 = arith.andi %shift_right_arithmetic3A_354, %and3A_356 : vector<256x1xi32>
    %xor3A_358 = arith.xori %and3A_351, %and3A_357 : vector<256x1xi32>
    %eq3A_359 = vector.broadcast %scan3A_339 : i32 to vector<16x256xi32>
    %eq3A_360 = arith.cmpi eq, %iota3A_30, %eq3A_359 : vector<16x256xi32>
    %reshape3A_361 = vector.shape_cast %xor3A_358 : vector<256x1xi32> to vector<1x256xi32>
    %broadcast_in_dim3A_362 = vector.shape_cast %reshape3A_361 : vector<1x256xi32> to vector<1x256xi32>
    %broadcast_in_dim3A_363 = vector.broadcast %broadcast_in_dim3A_362 : vector<1x256xi32> to vector<16x256xi32>
    %select_n3A_364 = arith.select %eq3A_360, %broadcast_in_dim3A_363, %select_n3A_338 : vector<16x256xi1>, vector<16x256xi32>
    %scan3A_365 = arith.constant 13 : i32
    %gt3A_366 = vector.broadcast %broadcast_in_dim3A_347 : vector<256x1xf32> to vector<256x4096xf32>
    %gt3A_367 = arith.cmpf ogt, %bitcast_convert_type3A_27, %gt3A_366 : vector<256x4096xf32>
    %jit3A_368 = arith.constant 0x7F800000 : f32
    %broadcast_in_dim3A_369 = vector.broadcast %jit3A_368 : f32 to vector<256x4096xf32>
    %select_n3A_370 = arith.select %gt3A_367, %bitcast_convert_type3A_27, %broadcast_in_dim3A_369 : vector<256x4096xi1>, vector<256x4096xf32>
    %reduce_min3A_371 = arith.constant dense<0x7F800000> : vector<256xf32>
    %reduce_min3A_372 = vector.multi_reduction <minimumf>, %select_n3A_370, %reduce_min3A_371 [1] : vector<256x4096xf32> to vector<256xf32>
    %broadcast_in_dim3A_373 = vector.shape_cast %reduce_min3A_372 : vector<256xf32> to vector<256x1xf32>
    %bitcast_convert_type3A_374 = tpu.bitcast %broadcast_in_dim3A_373 : vector<256x1xf32> -> vector<256x1xi32>
    %and3A_375 = arith.constant 4095 : i32
    %and3A_376 = vector.broadcast %and3A_375 : i32 to vector<256x1xi32>
    %and3A_377 = arith.andi %bitcast_convert_type3A_374, %and3A_376 : vector<256x1xi32>
    %shift_right_arithmetic3A_378 = arith.constant 31 : i32
    %shift_right_arithmetic3A_379 = vector.broadcast %shift_right_arithmetic3A_378 : i32 to vector<256x1xi32>
    %shift_right_arithmetic3A_380 = arith.shrsi %bitcast_convert_type3A_374, %shift_right_arithmetic3A_379 : vector<256x1xi32>
    %and3A_381 = arith.constant 4095 : i32
    %and3A_382 = vector.broadcast %and3A_381 : i32 to vector<256x1xi32>
    %and3A_383 = arith.andi %shift_right_arithmetic3A_380, %and3A_382 : vector<256x1xi32>
    %xor3A_384 = arith.xori %and3A_377, %and3A_383 : vector<256x1xi32>
    %eq3A_385 = vector.broadcast %scan3A_365 : i32 to vector<16x256xi32>
    %eq3A_386 = arith.cmpi eq, %iota3A_30, %eq3A_385 : vector<16x256xi32>
    %reshape3A_387 = vector.shape_cast %xor3A_384 : vector<256x1xi32> to vector<1x256xi32>
    %broadcast_in_dim3A_388 = vector.shape_cast %reshape3A_387 : vector<1x256xi32> to vector<1x256xi32>
    %broadcast_in_dim3A_389 = vector.broadcast %broadcast_in_dim3A_388 : vector<1x256xi32> to vector<16x256xi32>
    %select_n3A_390 = arith.select %eq3A_386, %broadcast_in_dim3A_389, %select_n3A_364 : vector<16x256xi1>, vector<16x256xi32>
    %scan3A_391 = arith.constant 14 : i32
    %gt3A_392 = vector.broadcast %broadcast_in_dim3A_373 : vector<256x1xf32> to vector<256x4096xf32>
    %gt3A_393 = arith.cmpf ogt, %bitcast_convert_type3A_27, %gt3A_392 : vector<256x4096xf32>
    %jit3A_394 = arith.constant 0x7F800000 : f32
    %broadcast_in_dim3A_395 = vector.broadcast %jit3A_394 : f32 to vector<256x4096xf32>
    %select_n3A_396 = arith.select %gt3A_393, %bitcast_convert_type3A_27, %broadcast_in_dim3A_395 : vector<256x4096xi1>, vector<256x4096xf32>
    %reduce_min3A_397 = arith.constant dense<0x7F800000> : vector<256xf32>
    %reduce_min3A_398 = vector.multi_reduction <minimumf>, %select_n3A_396, %reduce_min3A_397 [1] : vector<256x4096xf32> to vector<256xf32>
    %broadcast_in_dim3A_399 = vector.shape_cast %reduce_min3A_398 : vector<256xf32> to vector<256x1xf32>
    %bitcast_convert_type3A_400 = tpu.bitcast %broadcast_in_dim3A_399 : vector<256x1xf32> -> vector<256x1xi32>
    %and3A_401 = arith.constant 4095 : i32
    %and3A_402 = vector.broadcast %and3A_401 : i32 to vector<256x1xi32>
    %and3A_403 = arith.andi %bitcast_convert_type3A_400, %and3A_402 : vector<256x1xi32>
    %shift_right_arithmetic3A_404 = arith.constant 31 : i32
    %shift_right_arithmetic3A_405 = vector.broadcast %shift_right_arithmetic3A_404 : i32 to vector<256x1xi32>
    %shift_right_arithmetic3A_406 = arith.shrsi %bitcast_convert_type3A_400, %shift_right_arithmetic3A_405 : vector<256x1xi32>
    %and3A_407 = arith.constant 4095 : i32
    %and3A_408 = vector.broadcast %and3A_407 : i32 to vector<256x1xi32>
    %and3A_409 = arith.andi %shift_right_arithmetic3A_406, %and3A_408 : vector<256x1xi32>
    %xor3A_410 = arith.xori %and3A_403, %and3A_409 : vector<256x1xi32>
    %eq3A_411 = vector.broadcast %scan3A_391 : i32 to vector<16x256xi32>
    %eq3A_412 = arith.cmpi eq, %iota3A_30, %eq3A_411 : vector<16x256xi32>
    %reshape3A_413 = vector.shape_cast %xor3A_410 : vector<256x1xi32> to vector<1x256xi32>
    %broadcast_in_dim3A_414 = vector.shape_cast %reshape3A_413 : vector<1x256xi32> to vector<1x256xi32>
    %broadcast_in_dim3A_415 = vector.broadcast %broadcast_in_dim3A_414 : vector<1x256xi32> to vector<16x256xi32>
    %select_n3A_416 = arith.select %eq3A_412, %broadcast_in_dim3A_415, %select_n3A_390 : vector<16x256xi1>, vector<16x256xi32>
    %scan3A_417 = arith.constant 15 : i32
    %gt3A_418 = vector.broadcast %broadcast_in_dim3A_399 : vector<256x1xf32> to vector<256x4096xf32>
    %gt3A_419 = arith.cmpf ogt, %bitcast_convert_type3A_27, %gt3A_418 : vector<256x4096xf32>
    %jit3A_420 = arith.constant 0x7F800000 : f32
    %broadcast_in_dim3A_421 = vector.broadcast %jit3A_420 : f32 to vector<256x4096xf32>
    %select_n3A_422 = arith.select %gt3A_419, %bitcast_convert_type3A_27, %broadcast_in_dim3A_421 : vector<256x4096xi1>, vector<256x4096xf32>
    %reduce_min3A_423 = arith.constant dense<0x7F800000> : vector<256xf32>
    %reduce_min3A_424 = vector.multi_reduction <minimumf>, %select_n3A_422, %reduce_min3A_423 [1] : vector<256x4096xf32> to vector<256xf32>
    %broadcast_in_dim3A_425 = vector.shape_cast %reduce_min3A_424 : vector<256xf32> to vector<256x1xf32>
    %bitcast_convert_type3A_426 = tpu.bitcast %broadcast_in_dim3A_425 : vector<256x1xf32> -> vector<256x1xi32>
    %and3A_427 = arith.constant 4095 : i32
    %and3A_428 = vector.broadcast %and3A_427 : i32 to vector<256x1xi32>
    %and3A_429 = arith.andi %bitcast_convert_type3A_426, %and3A_428 : vector<256x1xi32>
    %shift_right_arithmetic3A_430 = arith.constant 31 : i32
    %shift_right_arithmetic3A_431 = vector.broadcast %shift_right_arithmetic3A_430 : i32 to vector<256x1xi32>
    %shift_right_arithmetic3A_432 = arith.shrsi %bitcast_convert_type3A_426, %shift_right_arithmetic3A_431 : vector<256x1xi32>
    %and3A_433 = arith.constant 4095 : i32
    %and3A_434 = vector.broadcast %and3A_433 : i32 to vector<256x1xi32>
    %and3A_435 = arith.andi %shift_right_arithmetic3A_432, %and3A_434 : vector<256x1xi32>
    %xor3A_436 = arith.xori %and3A_429, %and3A_435 : vector<256x1xi32>
    %eq3A_437 = vector.broadcast %scan3A_417 : i32 to vector<16x256xi32>
    %eq3A_438 = arith.cmpi eq, %iota3A_30, %eq3A_437 : vector<16x256xi32>
    %reshape3A_439 = vector.shape_cast %xor3A_436 : vector<256x1xi32> to vector<1x256xi32>
    %broadcast_in_dim3A_440 = vector.shape_cast %reshape3A_439 : vector<1x256xi32> to vector<1x256xi32>
    %broadcast_in_dim3A_441 = vector.broadcast %broadcast_in_dim3A_440 : vector<1x256xi32> to vector<16x256xi32>
    %select_n3A_442 = arith.select %eq3A_438, %broadcast_in_dim3A_441, %select_n3A_416 : vector<16x256xi1>, vector<16x256xi32>
    %scan3A_443 = arith.constant 16 : i32
    %swap3A = arith.constant 0 : index
    %swap3A_444 = arith.constant 0 : index
    %swap3A_445 = arith.constant 0 : index
    %swap3A_446 = vector.load %arg4[%swap3A, %swap3A_444, %swap3A_445] : memref<1x16x256xi32, #tpu.memory_space<vmem>>, vector<1x16x256xi32>
    %swap3A_447 = vector.shape_cast %swap3A_446 : vector<1x16x256xi32> to vector<16x256xi32>
    %swap3A_448 = vector.shape_cast %select_n3A_442 : vector<16x256xi32> to vector<1x16x256xi32>
    tpu.vector_store %arg4[%swap3A, %swap3A_444, %swap3A_445], %swap3A_448 {strides = array<i32>} : memref<1x16x256xi32, #tpu.memory_space<vmem>>, vector<1x16x256xi32>,
    return
  }
  func.func @transform_0(%arg0: i32, %arg1: i32) -> (i32, i32, i32) {
    %c0_i32 = arith.constant 0 : i32
    %c0_i32_0 = arith.constant 0 : i32
    return %arg0, %c0_i32, %arg1 : i32, i32, i32
  }
  func.func @transform_1(%arg0: i32, %arg1: i32) -> (i32, i32, i32) {
    %c0_i32 = arith.constant 0 : i32
    %c0_i32_0 = arith.constant 0 : i32
    %c0_i32_1 = arith.constant 0 : i32
    return %arg0, %c0_i32, %c0_i32_0 : i32, i32, i32
  }
  func.func @transform_2(%arg0: i32, %arg1: i32) -> (i32, i32, i32) {
    %c0_i32 = arith.constant 0 : i32
    %c0_i32_0 = arith.constant 0 : i32
    return %arg0, %c0_i32, %arg1 : i32, i32, i32
  }
}

</mosaic_0001>

<sc_bundles>
// kernel: kernel.4.cloned.1.call-start
scs
__scs_entry_jumppad:
0x0: {  	(pc) =	sbr.rel $0x88, $3  }
0x1: {  	(tag) =	ssettag $0x0;
	lr =	simm.s32 $0x1  }
0x2: {  	[smem:$0x3F9F] =	sst lr;
	_ =	strace $0xD0000000  }
0x3: {  	_ = 	snop  }
0x4: {  	_ = 	snop  }
0x5: {  	_ = 	snop  }
0x6: {  	_ = 	snop  }
0x7: {  	_ = 	snop  }
__scs_overlays_trampoline_lowered:
0x8: {  	[smem:$0x3FAE] =	sst s0  }
0x9: {  	[smem:$0x3FAF] =	sst s1  }
0xa: {  	[smem:$0x3FB0] =	sst s2  }
0xb: {  	[smem:$0x3FB1] =	sst s3  }
0xc: {  	[smem:$0x3FB2] =	sst s4  }
0xd: {  	[smem:$0x3FB3] =	sst s5  }
0xe: {  	[smem:$0x3FB4] =	sst s6  }
0xf: {  	[smem:$0x3FB5] =	sst s7  }
0x10: {  	[smem:$0x3FB6] =	sst s8  }
0x11: {  	[smem:$0x3FB7] =	sst s9;
	s0 =	simm.s32 @!p0 $0x0  }
0x12: {  	s1 =	sld [smem:$0x3F9D];
	s0 =	simm.s32 @p0 $0x1  }
0x13: {  	[smem:$0x3FB8] =	sst s0;
	s0 =	simm.s32 @!p1 $0x0  }
0x14: {  	s2 =	sld [smem:$0x3F9C];
	s0 =	simm.s32 @p1 $0x1  }
0x15: {  	[smem:$0x3FB9] =	sst s0;
	s0 =	simm.s32 @!p2 $0x0  }
0x16: {  	s3 =	sld [smem:$0x3FDB];
	s0 =	simm.s32 @p2 $0x1  }
0x17: {  	s4 =	simm.s32 $0x1BF5;
	[smem:$0x3FBB] =	sst s0  }
0x18: {  	s0 =	sld [smem:$0x3F9E];
	_ =	swait.ge [sflag:s4], $0x0  }
0x19: {  	s7 =	sld [smem:$0x3F9F]  }
0x1a: {  	s8 =	sadd.s32 $0xFFFFE003, lr  }
0x1b: {  	s9 =	sadd.s32 $0xFFFFFEF7, lr;
	s5 =	simm.s32 $0xFFFFFFFF;
	p2 =	slt.u32 s8, $0xFFFFF086  }
0x1c: {  	p1 =	slt.u32 s9, $0xF7A;
	s5 =	simm.s32 @!p2 $0x0  }
0x1d: {  	s5 =	simm.s32 @p1 $0x1;
	p0 =	seq.s32 s7, s2  }
0x1e: {  	s7 =	smul.u32 @!p0 $0xF7A, s2;
	p2 =	seq.s32 @!p0 s5, $0x0  }
0x1f: {  	s9 =	smul.u32 $0xF7A, s1;
	s8 =	simm.s32 @!p0 $0x1BF5;
	p2 =	por !p2, p0  }
0x20: {  	[sflag:s8] =	ssyncset.s32 @!p0 $0xFFFFF086;
	s6 =	sadd.s32 @!p0 s3, s7;
	s7 =	simm.s32 @!p0 $0x108  }
0x21: {  	s3 =	sadd.s32 s3, s9;
	s6 =	sadd.s32 @!p0 $0x88, s6;
	s7 =	simm.s32 @p2 $0x1082  }
0x22: {  	[simem:s7], [sflag:s8] =	dma.local @!p0 [hbm:s6], $0xF7A  }
0x23: {  	s9 =	sor.u32 $0xD0000000, s2;
	s6 =	simm.s32 $0x108;
	_ =	swait.ge @!p0 [sflag:s8], $0x0  }
0x24: {  	s3 =	sadd.s32 $0x88, s3;
	s6 =	simm.s32 @!p1 $0x1082;
	[sflag:s4] =	ssyncset.s32 $0xFFFFF086  }
0x25: {  	[simem:s6], [sflag:s4] =	dma.local [hbm:s3], $0xF7A  }
0x26: {  	[smem:$0x3F9F] =	sst s1;
	(tag) =	ssettag s2;
	_ =	strace s9  }
0x27: {  	s1 =	sld [smem:$0x3FAF]  }
0x28: {  	s2 =	sld [smem:$0x3FB0]  }
0x29: {  	s4 =	sld [smem:$0x3FB2]  }
0x2a: {  	p0 =	seq.s32 s5, $0x0;
	s5 =	sld [smem:$0x3FB3]  }
0x2b: {  	s6 =	sld [smem:$0x3FB4]  }
0x2c: {  	s7 =	sld [smem:$0x3FB5]  }
0x2d: {  	s3 =	simm.s32 $0x108;
	s8 =	sld [smem:$0x3FB6]  }
0x2e: {  	s3 =	simm.s32 @!p0 $0x1082;
	s9 =	sld [smem:$0x3FB7]  }
0x2f: {  	lr =	sadd.s32 s0, s3;
	s0 =	sld [smem:$0x3FAE]  }
0x30: {  	s3 =	sld [smem:$0x3FB1]  }
0x31: {  	[smem:$0x3FBA] =	sst s10  }
0x32: {  	s10 =	sld [smem:$0x3FB8];
	_ =	sdelay $0x3  }
0x33: {  	p0 =	seq.s32 s10, $0x1;
	s10 =	sld [smem:$0x3FBA];
	_ =	sdelay $0x3  }
0x34: {  	[smem:$0x3FBA] =	sst s10  }
0x35: {  	s10 =	sld [smem:$0x3FB9];
	_ =	sdelay $0x3  }
0x36: {  	p1 =	seq.s32 s10, $0x1;
	s10 =	sld [smem:$0x3FBA];
	_ =	sdelay $0x3  }
0x37: {  	[smem:$0x3FBA] =	sst s10  }
0x38: {  	s10 =	sld [smem:$0x3FBB]  }
0x39: {  	_ = 	snop;
	(pc) =	sbr.ind lr, $3  }
0x3a: {  	_ = 	snop  }
0x3b: {  	_ = 	snop  }
0x3c: {  	p2 =	seq.s32 s10, $0x1;
	s10 =	sld [smem:$0x3FBA]  }
0x3d: {  	_ =	shalt  }
0x3e: {  	_ =	shalt  }
0x3f: {  	_ =	shalt  }
0x40: {  	_ =	shalt  }
0x41: {  	_ =	shalt  }
0x42: {  	_ =	shalt  }
0x43: {  	_ =	shalt  }
0x44: {  	_ =	shalt  }
0x45: {  	_ =	shalt  }
0x46: {  	_ =	shalt  }
0x47: {  	_ =	shalt  }
0x48: {  	_ =	shalt  }
0x49: {  	_ =	shalt  }
0x4a: {  	_ =	shalt  }
0x4b: {  	_ =	shalt  }
0x4c: {  	_ =	shalt  }
0x4d: {  	_ =	shalt  }
0x4e: {  	_ =	shalt  }
0x4f: {  	_ =	shalt  }
0x50: {  	_ =	shalt  }
0x51: {  	_ =	shalt  }
0x52: {  	_ =	shalt  }
0x53: {  	_ =	shalt  }
0x54: {  	_ =	shalt  }
0x55: {  	_ =	shalt  }
0x56: {  	_ =	shalt  }
0x57: {  	_ =	shalt  }
0x58: {  	_ =	shalt  }
0x59: {  	_ =	shalt  }
0x5a: {  	_ =	shalt  }
0x5b: {  	_ =	shalt  }
0x5c: {  	_ =	shalt  }
0x5d: {  	_ =	shalt  }
0x5e: {  	_ =	shalt  }
0x5f: {  	_ =	shalt  }
0x60: {  	_ =	shalt  }
0x61: {  	_ =	shalt  }
0x62: {  	_ =	shalt  }
0x63: {  	_ =	shalt  }
0x64: {  	_ =	shalt  }
0x65: {  	_ =	shalt  }
0x66: {  	_ =	shalt  }
0x67: {  	_ =	shalt  }
0x68: {  	_ =	shalt  }
0x69: {  	_ =	shalt  }
0x6a: {  	_ =	shalt  }
0x6b: {  	_ =	shalt  }
0x6c: {  	_ =	shalt  }
0x6d: {  	_ =	shalt  }
0x6e: {  	_ =	shalt  }
0x6f: {  	_ =	shalt  }
0x70: {  	_ =	shalt  }
0x71: {  	_ =	shalt  }
0x72: {  	_ =	shalt  }
0x73: {  	_ =	shalt  }
0x74: {  	_ =	shalt  }
0x75: {  	_ =	shalt  }
0x76: {  	_ =	shalt  }
0x77: {  	_ =	shalt  }
0x78: {  	_ =	shalt  }
0x79: {  	_ =	shalt  }
0x7a: {  	_ =	shalt  }
0x7b: {  	_ =	shalt  }
0x7c: {  	_ =	shalt  }
0x7d: {  	_ =	shalt  }
0x7e: {  	_ =	shalt  }
0x7f: {  	_ =	shalt  }
0x80: {  	_ =	shalt  }
0x81: {  	_ =	shalt  }
0x82: {  	_ =	shalt  }
0x83: {  	_ =	shalt  }
0x84: {  	_ =	shalt  }
0x85: {  	_ =	shalt  }
0x86: {  	_ =	shalt  }
0x87: {  	_ =	shalt  }
.Lfunc_end0:
.L_simem_size_0:
called_computation_lowered:
.L_overlay_start_0:
0x88: {  	s2 =	sld [smem:$0x3FD9]  }
0x89: {  	s3 =	sld [smem:$0x3FFE];
	_ =	sdelay $0x1  }
0x8a: {  	s1 =	srdreg.scid  }
0x8b: {  	s0 =	sand.u32 $0x1, s1  }
0x8c: {  	s16 =	sshll.u32 s0, $0xA;
	s2 =	sadd.s32 s3, s2  }
0x8d: {  	s2 =	sadd.s32 s2, s16  }
0x8e: {  	[smem:$0x3FC6] =	sst s2  }
0x8f: {  	_ = 	snop  }
0x90: {  	(tm) =	ssettm $0x1  }
0x91: {  	s17 =	sld [smem:$0x3FFB];
	_ =	sdelay $0x3  }
0x92: {  	_ =	strace s17  }
0x93: {  	s2 =	sld [smem:$0x3FFC];
	_ =	sdelay $0x3  }
0x94: {  	_ =	strace s2  }
0x95: {  	s2 =	sld [smem:$0x3FFD];
	_ =	sdelay $0x3  }
0x96: {  	_ =	strace s2  }
0x97: {  	_ =	strace $0x8FFFFFFF  }
0x98: {  	s18 =	sld [smem:$0x3FDB];
	_ =	sdelay $0x1  }
0x99: {  	s19 =	simm.s32 $_scs_section_size  }
0x9a: {  	s4 =	simm.s32 $_size__tile_overlayer_lowered;
	s5 =	simm.s32 $_tile_overlayer_lowered  }
0x9b: {  	s22 =	simm.s32 $0x1BFF;
	s21 =	sshll.u32 s5, $0x1;
	s2 =	sadd.s32 s19, s18  }
0x9c: {  	s6 =	simm.s32 $0x0;
	s20 =	sshll.u32 s4, $0x1;
	s4 =	sadd.s32 s21, s2  }
0x9d: {  	[timem:s6], [sflag:s22] =	dma.local [hbm:s4], s20  }
0x9e: {  	_ =	swait.ge [sflag:s22], s20  }
0x9f: {  	s3 =	ssub.s32 $0x0, s20;
	[sflag:s22] =	ssyncset.done $0x0  }
0xa0: {  	[sflag:s22] =	ssyncadd.s32 s3;
	_ =	sdelay $0x1  }
0xa1: {  	s23 =	simm.s32 $0x1B8B  }
0xa2: {  	_ =	swait.ge [sflag:s23], $0x1  }
0xa3: {  	[sflag:s23] =	ssyncset.done $0x0  }
0xa4: {  	s25 =	simm.s32 $0x1B8E;
	s24 =	sld [smem:$0x3FFE];
	[sflag:s23] =	ssyncadd.s32 $0xFFFFFFFF  }
0xa5: {  	s26 =	simm.s32 $execute0_lowered;
	[smem:$0x3FD2] =	sst s25  }
0xa6: {  	s4 =	sshll.u32 s26, $0x1;
	_ =	strace $0x80000046;
	[dreg:$0x1] =	wrdreg $0xFFFFFFFF  }
0xa7: {  	s28 =	simm.s32 $_size_execute0_lowered;
	s2 =	sadd.s32 s2, s4;
	[dreg:$0x0] =	wrdreg $0x0  }
0xa8: {  	s4 =	sshll.u32 s28, $0x1;
	[dreg:$0x2] =	wrdreg s2  }
0xa9: {  	[dreg:$0x3] =	wrdreg s4  }
0xaa: {  	[dreg:$0x4] =	wrdreg $0xC0  }
0xab: {  	_ =	task [dreg:s6], $0x5FFFF  }
0xac: {  	[dreg:$0x1] =	wrdreg $0xFFFFFFFF  }
0xad: {  	[dreg:$0x0] =	wrdreg $0x60  }
0xae: {  	[dreg:$0x2] =	wrdreg s24  }
0xaf: {  	[dreg:$0x3] =	wrdreg $0x9  }
0xb0: {  	_ =	task.clear_ibuf [dreg:s6], $0x4FFFF;
	_ =	strace $0x90000046  }
0xb1: {  	s29 =	simm.s32 $0x9;
	_ =	strace $0x80000048  }
0xb2: {  	_ =	swait.ge [sflag:s29], $0x1  }
0xb3: {  	[sflag:s29] =	ssyncadd.s32 $0xFFFFFFFF  }
0xb4: {  	_ =	strace $0x90000048  }
0xb5: {  	_ =	sfence  }
0xb6: {  	s30 =	sld [smem:$0x0];
	_ =	sdelay $0x2  }
0xb7: {  	s31 =	sshll.u32 s1, $0xD;
	s1 =	sshrl.u32 s1, $0x2  }
0xb8: {  	s3 =	sand.u32 $0x4000, s31;
	s1 =	sadd.s32 s1, s30  }
0xb9: {  	s0 =	sor.u32 s3, s0;
	s1 =	sshll.u32 s1, $0x11  }
0xba: {  	s0 =	sor.u32 s1, s0  }
0xbb: {  	s0 =	sadd.s32 $0x8F2B, s0  }
0xbc: {  	[sflag:s0] =	ssyncadd.remote.s32 $0x1  }
0xbd: {  	_ =	sfence.sel $0xFFFF  }
0xbe: {  	[dreg:$0x0] =	wrdreg $0xFFFFFFFF;
	(pc) =	sbr.abs _section_cstart, $3  }
0xbf: {  	[dreg:$0x1] =	wrdreg $0xFFFFFFFF  }
0xc0: {  	_ =	task.clear_ibuf [dreg:s6], $0x2FFFF;
	_ =	strace $0x9FFFFFFF  }
0xc1: {  	(tm) =	ssettm $0x7FFFFFFF  }
tec
execute0_lowered:
.L_overlay_start_1:
0x0: {  	(tag) =	ssettag $0x1  }
0x1: {  	s3 =	rddreg [dreg:$0x0]  }
0x2: {  	s0 =	rddreg [dreg:$0x1]  }
0x3: {  	s2 =	simm.s32 $0x0;
	s1 =	stileid.u32;
	s5 =	srdreg.scid  }
0x4: {  	s15 =	simm.s32 $0x2000;
	s16 =	simm.s32 $0x3000;
	s17 =	simm.s32 $0x4000  }
0x5: {  	s18 =	simm.s32 $0x5000;
	s19 =	simm.s32 $0x8000;
	s20 =	simm.s32 $0x6000  }
0x6: {  	s21 =	simm.s32 $0x0;
	[smem:$0x7FF] =	sst s2;
	s4 =	sshrl.u32 s1, $0x2  }
0x7: {  	s10 =	sand.u32 $0x1, s5;
	s25 =	sshll.u32 s1, $0x1;
	s31 =	sshll.u32 s1, $0xA  }
0x8: {  	_ =	strace $0x80000047;
	s6 =	sshll.u32 s4, $0x9;
	s4 =	sshll.u32 s4, $0xD  }
0x9: {  	s5 =	sor.u32 s10, s25;
	s28 =	ssub.s32 $0x2, s10;
	s14 =	sshll.u32 s10, $0x9  }
0xa: {  	s8 =	sadd.s32 s6, s3;
	s9 =	sadd.s32 s4, s3;
	s26 =	sshll.u32 s5, $0x4  }
0xb: {  	s29 =	sshrl.u32 s28, $0x1;
	s30 =	sshll.u32 s5, $0x9;
	s11 =	sadd.s32 s26, s3  }
0xc: {  	s12 =	ssub.s32 s28, s29;
	s13 =	sand.u32 $0xE00, s30;
	s3 =	sadd.s32 $0x1800, s8  }
0xd: {  	s4 =	sadd.s32 $0x1000, s8;
	s5 =	sadd.s32 $0x800, s8;
	s6 =	sadd.s32 $0xB000, s8  }
0xe: {  	s7 =	sadd.s32 $0xA800, s8;
	s8 =	sadd.s32 $0xA000, s8;
	s9 =	sadd.s32 s13, s9  }
0xf: {  	s10 =	sadd.s32 $0xB800, s11;
	s11 =	smax.u32 s12, $0x1;
	s12 =	sor.u32 s14, s31  }
0x10: {  	s13 =	simm.s32 $0x1;
	s14 =	simm.s32 $0x1000;
	s9 =	sadd.s32 $0x2000, s9  }
.LBB2_1:
0x11: {  	[tilespmem:s2], [sflag:$0x1] =	stream.linear.gather [hbm4b:s3+s2], $0x1000, $0x38;
	[tilespmem:$0x8100] =	vst v63  }
0x12: {  	_ =	swait.ge [sflag:s13], $0x1000  }
0x13: {  	[sflag:s13] =	ssyncset.done $0x0  }
0x14: {  	[sflag:s13] =	ssyncadd.s32 $0xFFFFF000  }
0x15: {  	[tilespmem:s14], [sflag:$0x1] =	stream.linear.gather [hbm4b:s4+s2], $0x1000, $0x38;
	[tilespmem:$0x8100] =	vst v63  }
0x16: {  	_ =	swait.ge [sflag:s13], $0x1000  }
0x17: {  	[sflag:s13] =	ssyncset.done $0x0  }
0x18: {  	[sflag:s13] =	ssyncadd.s32 $0xFFFFF000  }
0x19: {  	[tilespmem:s15], [sflag:$0x1] =	stream.linear.gather [hbm4b:s5+s2], $0x1000, $0x38;
	[tilespmem:$0x8100] =	vst v63  }
0x1a: {  	_ =	swait.ge [sflag:s13], $0x1000  }
0x1b: {  	[sflag:s13] =	ssyncset.done $0x0  }
0x1c: {  	[sflag:s13] =	ssyncadd.s32 $0xFFFFF000  }
0x1d: {  	[tilespmem:s16], [sflag:$0x1] =	stream.linear.gather [hbm4b:s6+s2], $0x1000, $0x38;
	[tilespmem:$0x8100] =	vst v63  }
0x1e: {  	_ =	swait.ge [sflag:s13], $0x1000  }
0x1f: {  	[sflag:s13] =	ssyncset.done $0x0  }
0x20: {  	[sflag:s13] =	ssyncadd.s32 $0xFFFFF000  }
0x21: {  	[tilespmem:s17], [sflag:$0x1] =	stream.linear.gather [hbm4b:s7+s2], $0x1000, $0x38;
	[tilespmem:$0x8100] =	vst v63  }
0x22: {  	_ =	swait.ge [sflag:s13], $0x1000  }
0x23: {  	[sflag:s13] =	ssyncset.done $0x0  }
0x24: {  	[sflag:s13] =	ssyncadd.s32 $0xFFFFF000  }
0x25: {  	[tilespmem:s18], [sflag:$0x1] =	stream.linear.gather [hbm4b:s8+s2], $0x1000, $0x38;
	[tilespmem:$0x8100] =	vst v63  }
0x26: {  	_ =	swait.ge [sflag:s13], $0x1000  }
0x27: {  	[sflag:s13] =	ssyncset.done $0x0  }
0x28: {  	[sflag:s13] =	ssyncadd.s32 $0xFFFFF000  }
0x29: {  	[tilespmem:s20], [sflag:$0x1] =	stream.strided.gather [hbm4b:s9+s14], $0x2000, s19, s14, $0x38;
	[tilespmem:$0x8100] =	vst v63  }
0x2a: {  	_ =	swait.ge [sflag:s13], $0x2000  }
0x2b: {  	[sflag:s13] =	ssyncset.done $0x0  }
0x2c: {  	v6 =	vimm.f32 $0.0e+00;
	[sflag:s13] =	ssyncadd.s32 $0xFFFFE000  }
0x2d: {  	s22 =	simm.s32 $0x0;
	s23 =	simm.s32 $0x0;
	[tilespmem:$0x8080] =	vst v6  }
.LBB2_2:
0x2e: {  	s25 =	sand.u32 $0x70, s23;
	s24 =	sand.u32 $0xC00, s22  }
0x2f: {  	s24 =	sor.u32 s25, s24  }
0x30: {  	v7 =	vld [tilespmem:s24+$0x6000];
	_ =	sdelay $0x2  }
0x31: {  	s26 =	sadd.s32 s23, s12  }
0x32: {  	s26 =	sand.u32 $0xF80, s26  }
0x33: {  	s25 =	sor.u32 s25, s26  }
0x34: {  	v0 =	vld [tilespmem:s25+$0x0]  }
0x35: {  	v1 =	vld [tilespmem:s25+$0x1000]  }
0x36: {  	v2 =	vld.idx.msk [tilespmem:v7+s2+$0x0], $0xffff  }
0x37: {  	v4 =	vld.idx.msk [tilespmem:v7+s14+$0x0], $0xffff  }
0x38: {  	v3 =	vld [tilespmem:s25+$0x2000]  }
0x39: {  	v5 =	vld.idx.msk [tilespmem:v7+s15+$0x0], $0xffff;
	_ =	sdelay $0x2  }
0x3a: {  	v2 =	vsub.f32 v2, v0;
	v4 =	vsub.f32 v4, v1;
	_ =	sdelay $0x1  }
0x3b: {  	v5 =	vsub.f32 v5, v3;
	v2 =	vmul.f32 v2, v2;
	v4 =	vmul.f32 v4, v4;
	_ =	sdelay $0x1  }
0x3c: {  	v2 =	vadd.f32 v4, v2;
	v4 =	vmul.f32 v5, v5;
	_ =	sdelay $0x1  }
0x3d: {  	v8 =	vadd.f32 v4, v2;
	_ =	sdelay $0x1  }
0x3e: {  	v4 =	vshra.s32 v8, $0x1  }
0x3f: {  	v10 =	vld.idx.msk [tilespmem:v7+s16+$0x0], $0xffff;
	v9 =	vadd.s32 $0x1FBD1DF6, v4  }
0x40: {  	v11 =	vld.idx.msk [tilespmem:v7+s17+$0x0], $0xffff;
	(erf) = vrcp.f32 v9  }
0x41: {  	v2 =	vld [tilespmem:s25+$0x3000]  }
0x42: {  	v4 =	vld [tilespmem:s25+$0x4000]  }
0x43: {  	v7 =	vld.idx.msk [tilespmem:v7+s18+$0x0], $0xffff  }
0x44: {  	v5 =	vld [tilespmem:s25+$0x5000];
	_ =	sdelay $0x2  }
0x45: {  	v10 =	vsub.f32 v10, v2;
	v11 =	vsub.f32 v11, v4;
	_ =	sdelay $0x1  }
0x46: {  	v7 =	vsub.f32 v7, v5;
	v10 =	vmul.f32 v10, v10;
	v11 =	vmul.f32 v11, v11;
	v12 =	vpop (erf)  }
0x47: {  	v12 =	vmul.f32 v12, v8  }
0x48: {  	v7 =	vmul.f32 v7, v7;
	v10 =	vadd.f32 v11, v10  }
0x49: {  	v9 =	vadd.f32 v9, v12  }
0x4a: {  	v7 =	vadd.f32 v7, v10  }
0x4b: {  	v9 =	vmul.f32 $5.000000000e-01, v9  }
0x4c: {  	v10 =	vshra.s32 v7, $0x1  }
0x4d: {  	v10 =	vadd.s32 $0x1FBD1DF6, v10;
	(erf) = vrcp.f32 v9  }
0x4e: {  	(erf) = vrcp.f32 v10;
	_ =	sdelay $0x7  }
0x4f: {  	v28 =	vpop (erf)  }
0x50: {  	v29 =	vpop (erf)  }
0x51: {  	v12 =	vmul.f32 v29, v7;
	_ =	sdelay $0x1  }
0x52: {  	v10 =	vadd.f32 v10, v12;
	_ =	sdelay $0x1  }
0x53: {  	v10 =	vmul.f32 $5.000000000e-01, v10;
	_ =	sdelay $0x1  }
0x54: {  	(erf) = vrcp.f32 v10;
	_ =	sdelay $0x8  }
0x55: {  	v30 =	vpop (erf)  }
0x56: {  	v8 =	vmul.f32 v28, v8;
	v7 =	vmul.f32 v30, v7;
	_ =	sdelay $0x1  }
0x57: {  	v8 =	vadd.f32 v8, v9;
	v7 =	vadd.f32 v7, v10;
	_ =	sdelay $0x1  }
0x58: {  	v8 =	vmul.f32 $5.000000000e-01, v8;
	v7 =	vmul.f32 $5.000000000e-01, v7;
	_ =	sdelay $0x1  }
0x59: {  	v7 =	vsub.f32 v8, v7;
	_ =	sdelay $0x1  }
0x5a: {  	v7 =	vand.u32 $0x7FFFFFFF, v7  }
0x5b: {  	v6 =	vadd.f32 v7, v6;
	_ =	sdelay $0x1  }
0x5c: {  	[tilespmem:$0x8080] =	vst v6  }
0x5d: {  	v7 =	vld [tilespmem:s24+$0x6080];
	_ =	sdelay $0x7  }
0x5e: {  	v8 =	vld.idx.msk [tilespmem:v7+s2+$0x0], $0xffff  }
0x5f: {  	v31 =	vld.idx.msk [tilespmem:v7+s14+$0x0], $0xffff;
	_ =	sdelay $0x1  }
0x60: {  	v32 =	vld.idx.msk [tilespmem:v7+s15+$0x0], $0xffff;
	_ =	sdelay $0x2  }
0x61: {  	v8 =	vsub.f32 v8, v0;
	v9 =	vsub.f32 v31, v1;
	_ =	sdelay $0x1  }
0x62: {  	v10 =	vsub.f32 v32, v3;
	v8 =	vmul.f32 v8, v8;
	v9 =	vmul.f32 v9, v9;
	_ =	sdelay $0x1  }
0x63: {  	v33 =	vmul.f32 v10, v10;
	v8 =	vadd.f32 v9, v8;
	_ =	sdelay $0x1  }
0x64: {  	v8 =	vadd.f32 v33, v8;
	_ =	sdelay $0x1  }
0x65: {  	v9 =	vshra.s32 v8, $0x1  }
0x66: {  	v9 =	vadd.s32 $0x1FBD1DF6, v9  }
0x67: {  	(erf) = vrcp.f32 v9  }
0x68: {  	v34 =	vld.idx.msk [tilespmem:v7+s16+$0x0], $0xffff  }
0x69: {  	v35 =	vld.idx.msk [tilespmem:v7+s17+$0x0], $0xffff;
	_ =	sdelay $0x1  }
0x6a: {  	v7 =	vld.idx.msk [tilespmem:v7+s18+$0x0], $0xffff;
	_ =	sdelay $0x2  }
0x6b: {  	v11 =	vsub.f32 v35, v4;
	v10 =	vsub.f32 v34, v2;
	_ =	sdelay $0x1  }
0x6c: {  	v7 =	vsub.f32 v7, v5;
	v11 =	vmul.f32 v11, v11;
	v10 =	vmul.f32 v10, v10;
	v36 =	vpop (erf)  }
0x6d: {  	v12 =	vmul.f32 v36, v8  }
0x6e: {  	v7 =	vmul.f32 v7, v7;
	v10 =	vadd.f32 v11, v10  }
0x6f: {  	v9 =	vadd.f32 v9, v12  }
0x70: {  	v7 =	vadd.f32 v7, v10  }
0x71: {  	v9 =	vmul.f32 $5.000000000e-01, v9  }
0x72: {  	v10 =	vshra.s32 v7, $0x1  }
0x73: {  	v10 =	vadd.s32 $0x1FBD1DF6, v10;
	(erf) = vrcp.f32 v9  }
0x74: {  	(erf) = vrcp.f32 v10;
	_ =	sdelay $0x7  }
0x75: {  	v37 =	vpop (erf)  }
0x76: {  	v38 =	vpop (erf)  }
0x77: {  	v12 =	vmul.f32 v38, v7;
	_ =	sdelay $0x1  }
0x78: {  	v10 =	vadd.f32 v10, v12;
	_ =	sdelay $0x1  }
0x79: {  	v10 =	vmul.f32 $5.000000000e-01, v10;
	_ =	sdelay $0x1  }
0x7a: {  	(erf) = vrcp.f32 v10;
	_ =	sdelay $0x8  }
0x7b: {  	v39 =	vpop (erf)  }
0x7c: {  	v8 =	vmul.f32 v37, v8;
	v7 =	vmul.f32 v39, v7;
	_ =	sdelay $0x1  }
0x7d: {  	v8 =	vadd.f32 v8, v9;
	v7 =	vadd.f32 v7, v10;
	_ =	sdelay $0x1  }
0x7e: {  	v8 =	vmul.f32 $5.000000000e-01, v8;
	v7 =	vmul.f32 $5.000000000e-01, v7;
	_ =	sdelay $0x1  }
0x7f: {  	v7 =	vsub.f32 v8, v7;
	_ =	sdelay $0x1  }
0x80: {  	v7 =	vand.u32 $0x7FFFFFFF, v7  }
0x81: {  	v6 =	vadd.f32 v7, v6;
	_ =	sdelay $0x1  }
0x82: {  	[tilespmem:$0x8080] =	vst v6  }
0x83: {  	v7 =	vld [tilespmem:s24+$0x6100];
	_ =	sdelay $0x7  }
0x84: {  	v8 =	vld.idx.msk [tilespmem:v7+s2+$0x0], $0xffff  }
0x85: {  	v40 =	vld.idx.msk [tilespmem:v7+s14+$0x0], $0xffff;
	_ =	sdelay $0x1  }
0x86: {  	v41 =	vld.idx.msk [tilespmem:v7+s15+$0x0], $0xffff;
	_ =	sdelay $0x2  }
0x87: {  	v8 =	vsub.f32 v8, v0;
	v9 =	vsub.f32 v40, v1;
	_ =	sdelay $0x1  }
0x88: {  	v10 =	vsub.f32 v41, v3;
	v8 =	vmul.f32 v8, v8;
	v9 =	vmul.f32 v9, v9;
	_ =	sdelay $0x1  }
0x89: {  	v42 =	vmul.f32 v10, v10;
	v8 =	vadd.f32 v9, v8;
	_ =	sdelay $0x1  }
0x8a: {  	v8 =	vadd.f32 v42, v8;
	_ =	sdelay $0x1  }
0x8b: {  	v9 =	vshra.s32 v8, $0x1  }
0x8c: {  	v9 =	vadd.s32 $0x1FBD1DF6, v9  }
0x8d: {  	(erf) = vrcp.f32 v9  }
0x8e: {  	v43 =	vld.idx.msk [tilespmem:v7+s16+$0x0], $0xffff  }
0x8f: {  	v44 =	vld.idx.msk [tilespmem:v7+s17+$0x0], $0xffff;
	_ =	sdelay $0x1  }
0x90: {  	v7 =	vld.idx.msk [tilespmem:v7+s18+$0x0], $0xffff;
	_ =	sdelay $0x2  }
0x91: {  	v11 =	vsub.f32 v44, v4;
	v10 =	vsub.f32 v43, v2;
	_ =	sdelay $0x1  }
0x92: {  	v7 =	vsub.f32 v7, v5;
	v11 =	vmul.f32 v11, v11;
	v10 =	vmul.f32 v10, v10;
	v45 =	vpop (erf)  }
0x93: {  	v12 =	vmul.f32 v45, v8  }
0x94: {  	v7 =	vmul.f32 v7, v7;
	v10 =	vadd.f32 v11, v10  }
0x95: {  	v9 =	vadd.f32 v9, v12  }
0x96: {  	v7 =	vadd.f32 v7, v10  }
0x97: {  	v9 =	vmul.f32 $5.000000000e-01, v9  }
0x98: {  	v10 =	vshra.s32 v7, $0x1  }
0x99: {  	v10 =	vadd.s32 $0x1FBD1DF6, v10;
	(erf) = vrcp.f32 v9  }
0x9a: {  	(erf) = vrcp.f32 v10;
	_ =	sdelay $0x7  }
0x9b: {  	v46 =	vpop (erf)  }
0x9c: {  	v47 =	vpop (erf)  }
0x9d: {  	v12 =	vmul.f32 v47, v7;
	_ =	sdelay $0x1  }
0x9e: {  	v10 =	vadd.f32 v10, v12;
	_ =	sdelay $0x1  }
0x9f: {  	v10 =	vmul.f32 $5.000000000e-01, v10;
	_ =	sdelay $0x1  }
0xa0: {  	(erf) = vrcp.f32 v10;
	_ =	sdelay $0x8  }
0xa1: {  	v48 =	vpop (erf)  }
0xa2: {  	v8 =	vmul.f32 v46, v8;
	v7 =	vmul.f32 v48, v7;
	_ =	sdelay $0x1  }
0xa3: {  	v8 =	vadd.f32 v8, v9;
	v7 =	vadd.f32 v7, v10;
	_ =	sdelay $0x1  }
0xa4: {  	v8 =	vmul.f32 $5.000000000e-01, v8;
	v7 =	vmul.f32 $5.000000000e-01, v7;
	_ =	sdelay $0x1  }
0xa5: {  	v7 =	vsub.f32 v8, v7;
	_ =	sdelay $0x1  }
0xa6: {  	v7 =	vand.u32 $0x7FFFFFFF, v7  }
0xa7: {  	v6 =	vadd.f32 v7, v6;
	_ =	sdelay $0x1  }
0xa8: {  	[tilespmem:$0x8080] =	vst v6  }
0xa9: {  	v7 =	vld [tilespmem:s24+$0x6180];
	_ =	sdelay $0x7  }
0xaa: {  	v8 =	vld.idx.msk [tilespmem:v7+s2+$0x0], $0xffff  }
0xab: {  	v49 =	vld.idx.msk [tilespmem:v7+s14+$0x0], $0xffff;
	_ =	sdelay $0x1  }
0xac: {  	v50 =	vld.idx.msk [tilespmem:v7+s15+$0x0], $0xffff;
	_ =	sdelay $0x2  }
0xad: {  	v8 =	vsub.f32 v8, v0;
	v9 =	vsub.f32 v49, v1;
	_ =	sdelay $0x1  }
0xae: {  	v10 =	vsub.f32 v50, v3;
	v8 =	vmul.f32 v8, v8;
	v9 =	vmul.f32 v9, v9;
	_ =	sdelay $0x1  }
0xaf: {  	v51 =	vmul.f32 v10, v10;
	v8 =	vadd.f32 v9, v8;
	_ =	sdelay $0x1  }
0xb0: {  	v8 =	vadd.f32 v51, v8;
	_ =	sdelay $0x1  }
0xb1: {  	v9 =	vshra.s32 v8, $0x1  }
0xb2: {  	v9 =	vadd.s32 $0x1FBD1DF6, v9  }
0xb3: {  	(erf) = vrcp.f32 v9  }
0xb4: {  	v52 =	vld.idx.msk [tilespmem:v7+s16+$0x0], $0xffff  }
0xb5: {  	v53 =	vld.idx.msk [tilespmem:v7+s17+$0x0], $0xffff;
	_ =	sdelay $0x1  }
0xb6: {  	v7 =	vld.idx.msk [tilespmem:v7+s18+$0x0], $0xffff;
	_ =	sdelay $0x2  }
0xb7: {  	v11 =	vsub.f32 v53, v4;
	v10 =	vsub.f32 v52, v2;
	_ =	sdelay $0x1  }
0xb8: {  	v7 =	vsub.f32 v7, v5;
	v11 =	vmul.f32 v11, v11;
	v10 =	vmul.f32 v10, v10;
	v54 =	vpop (erf)  }
0xb9: {  	v12 =	vmul.f32 v54, v8  }
0xba: {  	v7 =	vmul.f32 v7, v7;
	v10 =	vadd.f32 v11, v10  }
0xbb: {  	v9 =	vadd.f32 v9, v12  }
0xbc: {  	v7 =	vadd.f32 v7, v10  }
0xbd: {  	v9 =	vmul.f32 $5.000000000e-01, v9  }
0xbe: {  	v10 =	vshra.s32 v7, $0x1  }
0xbf: {  	v10 =	vadd.s32 $0x1FBD1DF6, v10;
	(erf) = vrcp.f32 v9  }
0xc0: {  	(erf) = vrcp.f32 v10;
	_ =	sdelay $0x7  }
0xc1: {  	v55 =	vpop (erf)  }
0xc2: {  	v56 =	vpop (erf)  }
0xc3: {  	v12 =	vmul.f32 v56, v7;
	_ =	sdelay $0x1  }
0xc4: {  	v10 =	vadd.f32 v10, v12;
	_ =	sdelay $0x1  }
0xc5: {  	v10 =	vmul.f32 $5.000000000e-01, v10;
	_ =	sdelay $0x1  }
0xc6: {  	(erf) = vrcp.f32 v10;
	_ =	sdelay $0x8  }
0xc7: {  	v57 =	vpop (erf)  }
0xc8: {  	v8 =	vmul.f32 v55, v8;
	v7 =	vmul.f32 v57, v7;
	_ =	sdelay $0x1  }
0xc9: {  	v8 =	vadd.f32 v8, v9;
	v7 =	vadd.f32 v7, v10;
	_ =	sdelay $0x1  }
0xca: {  	v8 =	vmul.f32 $5.000000000e-01, v8;
	v7 =	vmul.f32 $5.000000000e-01, v7;
	_ =	sdelay $0x1  }
0xcb: {  	v7 =	vsub.f32 v8, v7;
	_ =	sdelay $0x1  }
0xcc: {  	v7 =	vand.u32 $0x7FFFFFFF, v7  }
0xcd: {  	v6 =	vadd.f32 v7, v6;
	_ =	sdelay $0x1  }
0xce: {  	[tilespmem:$0x8080] =	vst v6  }
0xcf: {  	v7 =	vld [tilespmem:s24+$0x6200];
	_ =	sdelay $0x7  }
0xd0: {  	v8 =	vld.idx.msk [tilespmem:v7+s2+$0x0], $0xffff  }
0xd1: {  	v58 =	vld.idx.msk [tilespmem:v7+s14+$0x0], $0xffff;
	_ =	sdelay $0x1  }
0xd2: {  	v59 =	vld.idx.msk [tilespmem:v7+s15+$0x0], $0xffff;
	_ =	sdelay $0x2  }
0xd3: {  	v8 =	vsub.f32 v8, v0;
	v9 =	vsub.f32 v58, v1;
	_ =	sdelay $0x1  }
0xd4: {  	v10 =	vsub.f32 v59, v3;
	v8 =	vmul.f32 v8, v8;
	v9 =	vmul.f32 v9, v9;
	_ =	sdelay $0x1  }
0xd5: {  	v60 =	vmul.f32 v10, v10;
	v8 =	vadd.f32 v9, v8;
	_ =	sdelay $0x1  }
0xd6: {  	v8 =	vadd.f32 v60, v8;
	_ =	sdelay $0x1  }
0xd7: {  	v9 =	vshra.s32 v8, $0x1  }
0xd8: {  	v9 =	vadd.s32 $0x1FBD1DF6, v9  }
0xd9: {  	(erf) = vrcp.f32 v9  }
0xda: {  	v61 =	vld.idx.msk [tilespmem:v7+s16+$0x0], $0xffff  }
0xdb: {  	v62 =	vld.idx.msk [tilespmem:v7+s17+$0x0], $0xffff;
	_ =	sdelay $0x1  }
0xdc: {  	v7 =	vld.idx.msk [tilespmem:v7+s18+$0x0], $0xffff;
	_ =	sdelay $0x2  }
0xdd: {  	v11 =	vsub.f32 v62, v4;
	v10 =	vsub.f32 v61, v2;
	_ =	sdelay $0x1  }
0xde: {  	v7 =	vsub.f32 v7, v5;
	v11 =	vmul.f32 v11, v11;
	v10 =	vmul.f32 v10, v10;
	v63 =	vpop (erf)  }
0xdf: {  	v12 =	vmul.f32 v63, v8  }
0xe0: {  	v7 =	vmul.f32 v7, v7;
	v10 =	vadd.f32 v11, v10  }
0xe1: {  	v9 =	vadd.f32 v9, v12  }
0xe2: {  	v7 =	vadd.f32 v7, v10  }
0xe3: {  	v9 =	vmul.f32 $5.000000000e-01, v9  }
0xe4: {  	v10 =	vshra.s32 v7, $0x1  }
0xe5: {  	v10 =	vadd.s32 $0x1FBD1DF6, v10;
	(erf) = vrcp.f32 v9  }
0xe6: {  	(erf) = vrcp.f32 v10;
	_ =	sdelay $0x7  }
0xe7: {  	v16 =	vpop (erf)  }
0xe8: {  	v17 =	vpop (erf)  }
0xe9: {  	v12 =	vmul.f32 v17, v7;
	_ =	sdelay $0x1  }
0xea: {  	v10 =	vadd.f32 v10, v12;
	_ =	sdelay $0x1  }
0xeb: {  	v10 =	vmul.f32 $5.000000000e-01, v10;
	_ =	sdelay $0x1  }
0xec: {  	(erf) = vrcp.f32 v10;
	_ =	sdelay $0x8  }
0xed: {  	v18 =	vpop (erf)  }
0xee: {  	v8 =	vmul.f32 v16, v8;
	v7 =	vmul.f32 v18, v7;
	_ =	sdelay $0x1  }
0xef: {  	v8 =	vadd.f32 v8, v9;
	v7 =	vadd.f32 v7, v10;
	_ =	sdelay $0x1  }
0xf0: {  	v8 =	vmul.f32 $5.000000000e-01, v8;
	v7 =	vmul.f32 $5.000000000e-01, v7;
	_ =	sdelay $0x1  }
0xf1: {  	v7 =	vsub.f32 v8, v7;
	_ =	sdelay $0x1  }
0xf2: {  	v7 =	vand.u32 $0x7FFFFFFF, v7  }
0xf3: {  	v6 =	vadd.f32 v7, v6;
	_ =	sdelay $0x1  }
0xf4: {  	[tilespmem:$0x8080] =	vst v6  }
0xf5: {  	v7 =	vld [tilespmem:s24+$0x6280];
	_ =	sdelay $0x7  }
0xf6: {  	v8 =	vld.idx.msk [tilespmem:v7+s2+$0x0], $0xffff  }
0xf7: {  	v19 =	vld.idx.msk [tilespmem:v7+s14+$0x0], $0xffff;
	_ =	sdelay $0x1  }
0xf8: {  	v20 =	vld.idx.msk [tilespmem:v7+s15+$0x0], $0xffff;
	_ =	sdelay $0x2  }
0xf9: {  	v8 =	vsub.f32 v8, v0;
	v9 =	vsub.f32 v19, v1;
	_ =	sdelay $0x1  }
0xfa: {  	v10 =	vsub.f32 v20, v3;
	v8 =	vmul.f32 v8, v8;
	v9 =	vmul.f32 v9, v9;
	_ =	sdelay $0x1  }
0xfb: {  	v21 =	vmul.f32 v10, v10;
	v8 =	vadd.f32 v9, v8;
	_ =	sdelay $0x1  }
0xfc: {  	v8 =	vadd.f32 v21, v8;
	_ =	sdelay $0x1  }
0xfd: {  	v9 =	vshra.s32 v8, $0x1  }
0xfe: {  	v9 =	vadd.s32 $0x1FBD1DF6, v9  }
0xff: {  	(erf) = vrcp.f32 v9  }
0x100: {  	v22 =	vld.idx.msk [tilespmem:v7+s16+$0x0], $0xffff  }
0x101: {  	v23 =	vld.idx.msk [tilespmem:v7+s17+$0x0], $0xffff;
	_ =	sdelay $0x1  }
0x102: {  	v7 =	vld.idx.msk [tilespmem:v7+s18+$0x0], $0xffff;
	_ =	sdelay $0x2  }
0x103: {  	v11 =	vsub.f32 v23, v4;
	v10 =	vsub.f32 v22, v2;
	_ =	sdelay $0x1  }
0x104: {  	v7 =	vsub.f32 v7, v5;
	v11 =	vmul.f32 v11, v11;
	v10 =	vmul.f32 v10, v10;
	v24 =	vpop (erf)  }
0x105: {  	v12 =	vmul.f32 v24, v8  }
0x106: {  	v7 =	vmul.f32 v7, v7;
	v10 =	vadd.f32 v11, v10  }
0x107: {  	v9 =	vadd.f32 v9, v12  }
0x108: {  	v7 =	vadd.f32 v7, v10  }
0x109: {  	v9 =	vmul.f32 $5.000000000e-01, v9  }
0x10a: {  	v10 =	vshra.s32 v7, $0x1  }
0x10b: {  	v10 =	vadd.s32 $0x1FBD1DF6, v10;
	(erf) = vrcp.f32 v9  }
0x10c: {  	(erf) = vrcp.f32 v10;
	_ =	sdelay $0x7  }
0x10d: {  	v25 =	vpop (erf)  }
0x10e: {  	v26 =	vpop (erf)  }
0x10f: {  	v12 =	vmul.f32 v26, v7;
	_ =	sdelay $0x1  }
0x110: {  	v10 =	vadd.f32 v10, v12;
	_ =	sdelay $0x1  }
0x111: {  	v10 =	vmul.f32 $5.000000000e-01, v10;
	_ =	sdelay $0x1  }
0x112: {  	(erf) = vrcp.f32 v10;
	_ =	sdelay $0x8  }
0x113: {  	v27 =	vpop (erf)  }
0x114: {  	v8 =	vmul.f32 v25, v8;
	v7 =	vmul.f32 v27, v7;
	_ =	sdelay $0x1  }
0x115: {  	v8 =	vadd.f32 v8, v9;
	v7 =	vadd.f32 v7, v10;
	_ =	sdelay $0x1  }
0x116: {  	v8 =	vmul.f32 $5.000000000e-01, v8;
	v7 =	vmul.f32 $5.000000000e-01, v7;
	_ =	sdelay $0x1  }
0x117: {  	v7 =	vsub.f32 v8, v7;
	_ =	sdelay $0x1  }
0x118: {  	v7 =	vand.u32 $0x7FFFFFFF, v7  }
0x119: {  	v6 =	vadd.f32 v7, v6;
	_ =	sdelay $0x1  }
0x11a: {  	[tilespmem:$0x8080] =	vst v6  }
0x11b: {  	v7 =	vld [tilespmem:s24+$0x6300];
	_ =	sdelay $0x7  }
0x11c: {  	v8 =	vld.idx.msk [tilespmem:v7+s2+$0x0], $0xffff  }
0x11d: {  	v28 =	vld.idx.msk [tilespmem:v7+s14+$0x0], $0xffff;
	_ =	sdelay $0x1  }
0x11e: {  	v29 =	vld.idx.msk [tilespmem:v7+s15+$0x0], $0xffff;
	_ =	sdelay $0x2  }
0x11f: {  	v8 =	vsub.f32 v8, v0;
	v9 =	vsub.f32 v28, v1;
	_ =	sdelay $0x1  }
0x120: {  	v10 =	vsub.f32 v29, v3;
	v8 =	vmul.f32 v8, v8;
	v9 =	vmul.f32 v9, v9;
	_ =	sdelay $0x1  }
0x121: {  	v30 =	vmul.f32 v10, v10;
	v8 =	vadd.f32 v9, v8;
	_ =	sdelay $0x1  }
0x122: {  	v8 =	vadd.f32 v30, v8;
	_ =	sdelay $0x1  }
0x123: {  	v9 =	vshra.s32 v8, $0x1  }
0x124: {  	v9 =	vadd.s32 $0x1FBD1DF6, v9  }
0x125: {  	(erf) = vrcp.f32 v9  }
0x126: {  	v31 =	vld.idx.msk [tilespmem:v7+s16+$0x0], $0xffff  }
0x127: {  	v32 =	vld.idx.msk [tilespmem:v7+s17+$0x0], $0xffff;
	_ =	sdelay $0x1  }
0x128: {  	v7 =	vld.idx.msk [tilespmem:v7+s18+$0x0], $0xffff;
	_ =	sdelay $0x2  }
0x129: {  	v11 =	vsub.f32 v32, v4;
	v10 =	vsub.f32 v31, v2;
	_ =	sdelay $0x1  }
0x12a: {  	v7 =	vsub.f32 v7, v5;
	v11 =	vmul.f32 v11, v11;
	v10 =	vmul.f32 v10, v10;
	v33 =	vpop (erf)  }
0x12b: {  	v12 =	vmul.f32 v33, v8  }
0x12c: {  	v7 =	vmul.f32 v7, v7;
	v10 =	vadd.f32 v11, v10  }
0x12d: {  	v9 =	vadd.f32 v9, v12  }
0x12e: {  	v7 =	vadd.f32 v7, v10  }
0x12f: {  	v9 =	vmul.f32 $5.000000000e-01, v9  }
0x130: {  	v10 =	vshra.s32 v7, $0x1  }
0x131: {  	v10 =	vadd.s32 $0x1FBD1DF6, v10;
	(erf) = vrcp.f32 v9  }
0x132: {  	(erf) = vrcp.f32 v10;
	_ =	sdelay $0x7  }
0x133: {  	v34 =	vpop (erf)  }
0x134: {  	v35 =	vpop (erf)  }
0x135: {  	v12 =	vmul.f32 v35, v7;
	_ =	sdelay $0x1  }
0x136: {  	v10 =	vadd.f32 v10, v12;
	_ =	sdelay $0x1  }
0x137: {  	v10 =	vmul.f32 $5.000000000e-01, v10;
	_ =	sdelay $0x1  }
0x138: {  	(erf) = vrcp.f32 v10;
	_ =	sdelay $0x8  }
0x139: {  	v36 =	vpop (erf)  }
0x13a: {  	v8 =	vmul.f32 v34, v8;
	v7 =	vmul.f32 v36, v7;
	_ =	sdelay $0x1  }
0x13b: {  	v8 =	vadd.f32 v8, v9;
	v7 =	vadd.f32 v7, v10;
	_ =	sdelay $0x1  }
0x13c: {  	v8 =	vmul.f32 $5.000000000e-01, v8;
	v7 =	vmul.f32 $5.000000000e-01, v7;
	_ =	sdelay $0x1  }
0x13d: {  	v7 =	vsub.f32 v8, v7;
	_ =	sdelay $0x1  }
0x13e: {  	v7 =	vand.u32 $0x7FFFFFFF, v7  }
0x13f: {  	v6 =	vadd.f32 v7, v6  }
0x140: {  	s31 =	sor.u32 s22, s23  }
0x141: {  	s25 =	sor.u32 $0x380, s31;
	[tilespmem:$0x8080] =	vst v6  }
0x142: {  	v7 =	vld [tilespmem:s25+$0x6000];
	_ =	sdelay $0x7  }
0x143: {  	v8 =	vld.idx.msk [tilespmem:v7+s2+$0x0], $0xffff  }
0x144: {  	v37 =	vld.idx.msk [tilespmem:v7+s14+$0x0], $0xffff;
	_ =	sdelay $0x1  }
0x145: {  	v38 =	vld.idx.msk [tilespmem:v7+s15+$0x0], $0xffff;
	_ =	sdelay $0x2  }
0x146: {  	v8 =	vsub.f32 v8, v0;
	v9 =	vsub.f32 v37, v1;
	_ =	sdelay $0x1  }
0x147: {  	v10 =	vsub.f32 v38, v3;
	v8 =	vmul.f32 v8, v8;
	v9 =	vmul.f32 v9, v9;
	_ =	sdelay $0x1  }
0x148: {  	v39 =	vmul.f32 v10, v10;
	v8 =	vadd.f32 v9, v8;
	_ =	sdelay $0x1  }
0x149: {  	v8 =	vadd.f32 v39, v8;
	_ =	sdelay $0x1  }
0x14a: {  	v9 =	vshra.s32 v8, $0x1  }
0x14b: {  	v9 =	vadd.s32 $0x1FBD1DF6, v9  }
0x14c: {  	(erf) = vrcp.f32 v9  }
0x14d: {  	v40 =	vld.idx.msk [tilespmem:v7+s16+$0x0], $0xffff  }
0x14e: {  	v41 =	vld.idx.msk [tilespmem:v7+s17+$0x0], $0xffff;
	_ =	sdelay $0x1  }
0x14f: {  	v7 =	vld.idx.msk [tilespmem:v7+s18+$0x0], $0xffff;
	_ =	sdelay $0x2  }
0x150: {  	v11 =	vsub.f32 v41, v4;
	v10 =	vsub.f32 v40, v2;
	_ =	sdelay $0x1  }
0x151: {  	v7 =	vsub.f32 v7, v5;
	v11 =	vmul.f32 v11, v11;
	v10 =	vmul.f32 v10, v10;
	v42 =	vpop (erf)  }
0x152: {  	v12 =	vmul.f32 v42, v8  }
0x153: {  	v7 =	vmul.f32 v7, v7;
	v10 =	vadd.f32 v11, v10  }
0x154: {  	v9 =	vadd.f32 v9, v12  }
0x155: {  	v7 =	vadd.f32 v7, v10  }
0x156: {  	v9 =	vmul.f32 $5.000000000e-01, v9  }
0x157: {  	v10 =	vshra.s32 v7, $0x1  }
0x158: {  	v10 =	vadd.s32 $0x1FBD1DF6, v10;
	(erf) = vrcp.f32 v9  }
0x159: {  	(erf) = vrcp.f32 v10;
	_ =	sdelay $0x7  }
0x15a: {  	v43 =	vpop (erf)  }
0x15b: {  	v44 =	vpop (erf)  }
0x15c: {  	v12 =	vmul.f32 v44, v7;
	_ =	sdelay $0x1  }
0x15d: {  	v10 =	vadd.f32 v10, v12;
	_ =	sdelay $0x1  }
0x15e: {  	v10 =	vmul.f32 $5.000000000e-01, v10;
	_ =	sdelay $0x1  }
0x15f: {  	(erf) = vrcp.f32 v10;
	_ =	sdelay $0x8  }
0x160: {  	v45 =	vpop (erf)  }
0x161: {  	v8 =	vmul.f32 v43, v8;
	v7 =	vmul.f32 v45, v7;
	_ =	sdelay $0x1  }
0x162: {  	v8 =	vadd.f32 v8, v9;
	v7 =	vadd.f32 v7, v10;
	_ =	sdelay $0x1  }
0x163: {  	v8 =	vmul.f32 $5.000000000e-01, v8;
	v7 =	vmul.f32 $5.000000000e-01, v7;
	_ =	sdelay $0x1  }
0x164: {  	v7 =	vsub.f32 v8, v7;
	_ =	sdelay $0x1  }
0x165: {  	v7 =	vand.u32 $0x7FFFFFFF, v7  }
0x166: {  	v6 =	vadd.f32 v7, v6;
	_ =	sdelay $0x1  }
0x167: {  	[tilespmem:$0x8080] =	vst v6  }
0x168: {  	v7 =	vld [tilespmem:s24+$0x7000];
	_ =	sdelay $0x7  }
0x169: {  	v8 =	vld.idx.msk [tilespmem:v7+s2+$0x0], $0xffff  }
0x16a: {  	v46 =	vld.idx.msk [tilespmem:v7+s14+$0x0], $0xffff;
	_ =	sdelay $0x1  }
0x16b: {  	v47 =	vld.idx.msk [tilespmem:v7+s15+$0x0], $0xffff;
	_ =	sdelay $0x2  }
0x16c: {  	v8 =	vsub.f32 v8, v0;
	v9 =	vsub.f32 v46, v1;
	_ =	sdelay $0x1  }
0x16d: {  	v10 =	vsub.f32 v47, v3;
	v8 =	vmul.f32 v8, v8;
	v9 =	vmul.f32 v9, v9;
	_ =	sdelay $0x1  }
0x16e: {  	v48 =	vmul.f32 v10, v10;
	v8 =	vadd.f32 v9, v8;
	_ =	sdelay $0x1  }
0x16f: {  	v8 =	vadd.f32 v48, v8;
	_ =	sdelay $0x1  }
0x170: {  	v9 =	vshra.s32 v8, $0x1  }
0x171: {  	v9 =	vadd.s32 $0x1FBD1DF6, v9  }
0x172: {  	(erf) = vrcp.f32 v9  }
0x173: {  	v49 =	vld.idx.msk [tilespmem:v7+s16+$0x0], $0xffff  }
0x174: {  	v50 =	vld.idx.msk [tilespmem:v7+s17+$0x0], $0xffff;
	_ =	sdelay $0x1  }
0x175: {  	v7 =	vld.idx.msk [tilespmem:v7+s18+$0x0], $0xffff;
	_ =	sdelay $0x2  }
0x176: {  	v11 =	vsub.f32 v50, v4;
	v10 =	vsub.f32 v49, v2;
	_ =	sdelay $0x1  }
0x177: {  	v7 =	vsub.f32 v7, v5;
	v11 =	vmul.f32 v11, v11;
	v10 =	vmul.f32 v10, v10;
	v51 =	vpop (erf)  }
0x178: {  	v12 =	vmul.f32 v51, v8  }
0x179: {  	v7 =	vmul.f32 v7, v7;
	v10 =	vadd.f32 v11, v10  }
0x17a: {  	v9 =	vadd.f32 v9, v12  }
0x17b: {  	v7 =	vadd.f32 v7, v10  }
0x17c: {  	v9 =	vmul.f32 $5.000000000e-01, v9  }
0x17d: {  	v10 =	vshra.s32 v7, $0x1  }
0x17e: {  	v10 =	vadd.s32 $0x1FBD1DF6, v10;
	(erf) = vrcp.f32 v9  }
0x17f: {  	(erf) = vrcp.f32 v10;
	_ =	sdelay $0x7  }
0x180: {  	v52 =	vpop (erf)  }
0x181: {  	v53 =	vpop (erf)  }
0x182: {  	v12 =	vmul.f32 v53, v7;
	_ =	sdelay $0x1  }
0x183: {  	v10 =	vadd.f32 v10, v12;
	_ =	sdelay $0x1  }
0x184: {  	v10 =	vmul.f32 $5.000000000e-01, v10;
	_ =	sdelay $0x1  }
0x185: {  	(erf) = vrcp.f32 v10;
	_ =	sdelay $0x8  }
0x186: {  	v54 =	vpop (erf)  }
0x187: {  	v8 =	vmul.f32 v52, v8;
	v7 =	vmul.f32 v54, v7;
	_ =	sdelay $0x1  }
0x188: {  	v8 =	vadd.f32 v8, v9;
	v7 =	vadd.f32 v7, v10;
	_ =	sdelay $0x1  }
0x189: {  	v8 =	vmul.f32 $5.000000000e-01, v8;
	v7 =	vmul.f32 $5.000000000e-01, v7;
	_ =	sdelay $0x1  }
0x18a: {  	v7 =	vsub.f32 v8, v7;
	_ =	sdelay $0x1  }
0x18b: {  	v7 =	vand.u32 $0x7FFFFFFF, v7  }
0x18c: {  	v6 =	vadd.f32 v7, v6;
	_ =	sdelay $0x1  }
0x18d: {  	[tilespmem:$0x8080] =	vst v6  }
0x18e: {  	v7 =	vld [tilespmem:s24+$0x7080];
	_ =	sdelay $0x7  }
0x18f: {  	v8 =	vld.idx.msk [tilespmem:v7+s2+$0x0], $0xffff  }
0x190: {  	v55 =	vld.idx.msk [tilespmem:v7+s14+$0x0], $0xffff;
	_ =	sdelay $0x1  }
0x191: {  	v56 =	vld.idx.msk [tilespmem:v7+s15+$0x0], $0xffff;
	_ =	sdelay $0x2  }
0x192: {  	v8 =	vsub.f32 v8, v0;
	v9 =	vsub.f32 v55, v1;
	_ =	sdelay $0x1  }
0x193: {  	v10 =	vsub.f32 v56, v3;
	v8 =	vmul.f32 v8, v8;
	v9 =	vmul.f32 v9, v9;
	_ =	sdelay $0x1  }
0x194: {  	v57 =	vmul.f32 v10, v10;
	v8 =	vadd.f32 v9, v8;
	_ =	sdelay $0x1  }
0x195: {  	v8 =	vadd.f32 v57, v8;
	_ =	sdelay $0x1  }
0x196: {  	v9 =	vshra.s32 v8, $0x1  }
0x197: {  	v9 =	vadd.s32 $0x1FBD1DF6, v9  }
0x198: {  	(erf) = vrcp.f32 v9  }
0x199: {  	v58 =	vld.idx.msk [tilespmem:v7+s16+$0x0], $0xffff  }
0x19a: {  	v59 =	vld.idx.msk [tilespmem:v7+s17+$0x0], $0xffff;
	_ =	sdelay $0x1  }
0x19b: {  	v7 =	vld.idx.msk [tilespmem:v7+s18+$0x0], $0xffff;
	_ =	sdelay $0x2  }
0x19c: {  	v11 =	vsub.f32 v59, v4;
	v10 =	vsub.f32 v58, v2;
	_ =	sdelay $0x1  }
0x19d: {  	v7 =	vsub.f32 v7, v5;
	v11 =	vmul.f32 v11, v11;
	v10 =	vmul.f32 v10, v10;
	v60 =	vpop (erf)  }
0x19e: {  	v12 =	vmul.f32 v60, v8  }
0x19f: {  	v7 =	vmul.f32 v7, v7;
	v10 =	vadd.f32 v11, v10  }
0x1a0: {  	v9 =	vadd.f32 v9, v12  }
0x1a1: {  	v7 =	vadd.f32 v7, v10  }
0x1a2: {  	v9 =	vmul.f32 $5.000000000e-01, v9  }
0x1a3: {  	v10 =	vshra.s32 v7, $0x1  }
0x1a4: {  	v10 =	vadd.s32 $0x1FBD1DF6, v10;
	(erf) = vrcp.f32 v9  }
0x1a5: {  	(erf) = vrcp.f32 v10;
	_ =	sdelay $0x7  }
0x1a6: {  	v61 =	vpop (erf)  }
0x1a7: {  	v62 =	vpop (erf)  }
0x1a8: {  	v12 =	vmul.f32 v62, v7;
	_ =	sdelay $0x1  }
0x1a9: {  	v10 =	vadd.f32 v10, v12;
	_ =	sdelay $0x1  }
0x1aa: {  	v10 =	vmul.f32 $5.000000000e-01, v10;
	_ =	sdelay $0x1  }
0x1ab: {  	(erf) = vrcp.f32 v10;
	_ =	sdelay $0x8  }
0x1ac: {  	v63 =	vpop (erf)  }
0x1ad: {  	v8 =	vmul.f32 v61, v8;
	v7 =	vmul.f32 v63, v7;
	_ =	sdelay $0x1  }
0x1ae: {  	v8 =	vadd.f32 v8, v9;
	v7 =	vadd.f32 v7, v10;
	_ =	sdelay $0x1  }
0x1af: {  	v8 =	vmul.f32 $5.000000000e-01, v8;
	v7 =	vmul.f32 $5.000000000e-01, v7;
	_ =	sdelay $0x1  }
0x1b0: {  	v7 =	vsub.f32 v8, v7;
	_ =	sdelay $0x1  }
0x1b1: {  	v7 =	vand.u32 $0x7FFFFFFF, v7  }
0x1b2: {  	v6 =	vadd.f32 v7, v6;
	_ =	sdelay $0x1  }
0x1b3: {  	[tilespmem:$0x8080] =	vst v6  }
0x1b4: {  	v7 =	vld [tilespmem:s24+$0x7100];
	_ =	sdelay $0x7  }
0x1b5: {  	v8 =	vld.idx.msk [tilespmem:v7+s2+$0x0], $0xffff  }
0x1b6: {  	v12 =	vld.idx.msk [tilespmem:v7+s14+$0x0], $0xffff;
	_ =	sdelay $0x1  }
0x1b7: {  	v13 =	vld.idx.msk [tilespmem:v7+s15+$0x0], $0xffff;
	_ =	sdelay $0x2  }
0x1b8: {  	v8 =	vsub.f32 v8, v0;
	v9 =	vsub.f32 v12, v1;
	_ =	sdelay $0x1  }
0x1b9: {  	v10 =	vsub.f32 v13, v3;
	v8 =	vmul.f32 v8, v8;
	v9 =	vmul.f32 v9, v9;
	_ =	sdelay $0x1  }
0x1ba: {  	v14 =	vmul.f32 v10, v10;
	v8 =	vadd.f32 v9, v8;
	_ =	sdelay $0x1  }
0x1bb: {  	v8 =	vadd.f32 v14, v8;
	_ =	sdelay $0x1  }
0x1bc: {  	v9 =	vshra.s32 v8, $0x1  }
0x1bd: {  	v9 =	vadd.s32 $0x1FBD1DF6, v9  }
0x1be: {  	(erf) = vrcp.f32 v9  }
0x1bf: {  	v15 =	vld.idx.msk [tilespmem:v7+s16+$0x0], $0xffff  }
0x1c0: {  	v16 =	vld.idx.msk [tilespmem:v7+s17+$0x0], $0xffff;
	_ =	sdelay $0x1  }
0x1c1: {  	v7 =	vld.idx.msk [tilespmem:v7+s18+$0x0], $0xffff;
	_ =	sdelay $0x2  }
0x1c2: {  	v11 =	vsub.f32 v16, v4;
	v10 =	vsub.f32 v15, v2;
	_ =	sdelay $0x1  }
0x1c3: {  	v7 =	vsub.f32 v7, v5;
	v11 =	vmul.f32 v11, v11;
	v10 =	vmul.f32 v10, v10;
	v17 =	vpop (erf)  }
0x1c4: {  	v12 =	vmul.f32 v17, v8  }
0x1c5: {  	v7 =	vmul.f32 v7, v7;
	v10 =	vadd.f32 v11, v10  }
0x1c6: {  	v9 =	vadd.f32 v9, v12  }
0x1c7: {  	v7 =	vadd.f32 v7, v10  }
0x1c8: {  	v9 =	vmul.f32 $5.000000000e-01, v9  }
0x1c9: {  	v10 =	vshra.s32 v7, $0x1  }
0x1ca: {  	v10 =	vadd.s32 $0x1FBD1DF6, v10;
	(erf) = vrcp.f32 v9  }
0x1cb: {  	(erf) = vrcp.f32 v10;
	_ =	sdelay $0x7  }
0x1cc: {  	v18 =	vpop (erf)  }
0x1cd: {  	v19 =	vpop (erf)  }
0x1ce: {  	v12 =	vmul.f32 v19, v7;
	_ =	sdelay $0x1  }
0x1cf: {  	v10 =	vadd.f32 v10, v12;
	_ =	sdelay $0x1  }
0x1d0: {  	v10 =	vmul.f32 $5.000000000e-01, v10;
	_ =	sdelay $0x1  }
0x1d1: {  	(erf) = vrcp.f32 v10;
	_ =	sdelay $0x8  }
0x1d2: {  	v20 =	vpop (erf)  }
0x1d3: {  	v8 =	vmul.f32 v18, v8;
	v7 =	vmul.f32 v20, v7;
	_ =	sdelay $0x1  }
0x1d4: {  	v8 =	vadd.f32 v8, v9;
	v7 =	vadd.f32 v7, v10;
	_ =	sdelay $0x1  }
0x1d5: {  	v8 =	vmul.f32 $5.000000000e-01, v8;
	v7 =	vmul.f32 $5.000000000e-01, v7;
	_ =	sdelay $0x1  }
0x1d6: {  	v7 =	vsub.f32 v8, v7;
	_ =	sdelay $0x1  }
0x1d7: {  	v7 =	vand.u32 $0x7FFFFFFF, v7  }
0x1d8: {  	v6 =	vadd.f32 v7, v6;
	_ =	sdelay $0x1  }
0x1d9: {  	[tilespmem:$0x8080] =	vst v6  }
0x1da: {  	v7 =	vld [tilespmem:s24+$0x7180];
	_ =	sdelay $0x7  }
0x1db: {  	v8 =	vld.idx.msk [tilespmem:v7+s2+$0x0], $0xffff  }
0x1dc: {  	v21 =	vld.idx.msk [tilespmem:v7+s14+$0x0], $0xffff;
	_ =	sdelay $0x1  }
0x1dd: {  	v22 =	vld.idx.msk [tilespmem:v7+s15+$0x0], $0xffff;
	_ =	sdelay $0x2  }
0x1de: {  	v8 =	vsub.f32 v8, v0;
	v9 =	vsub.f32 v21, v1;
	_ =	sdelay $0x1  }
0x1df: {  	v10 =	vsub.f32 v22, v3;
	v8 =	vmul.f32 v8, v8;
	v9 =	vmul.f32 v9, v9;
	_ =	sdelay $0x1  }
0x1e0: {  	v23 =	vmul.f32 v10, v10;
	v8 =	vadd.f32 v9, v8;
	_ =	sdelay $0x1  }
0x1e1: {  	v8 =	vadd.f32 v23, v8;
	_ =	sdelay $0x1  }
0x1e2: {  	v9 =	vshra.s32 v8, $0x1  }
0x1e3: {  	v9 =	vadd.s32 $0x1FBD1DF6, v9  }
0x1e4: {  	(erf) = vrcp.f32 v9  }
0x1e5: {  	v24 =	vld.idx.msk [tilespmem:v7+s16+$0x0], $0xffff  }
0x1e6: {  	v25 =	vld.idx.msk [tilespmem:v7+s17+$0x0], $0xffff;
	_ =	sdelay $0x1  }
0x1e7: {  	v7 =	vld.idx.msk [tilespmem:v7+s18+$0x0], $0xffff;
	_ =	sdelay $0x2  }
0x1e8: {  	v11 =	vsub.f32 v25, v4;
	v10 =	vsub.f32 v24, v2;
	_ =	sdelay $0x1  }
0x1e9: {  	v7 =	vsub.f32 v7, v5;
	v11 =	vmul.f32 v11, v11;
	v10 =	vmul.f32 v10, v10;
	v26 =	vpop (erf)  }
0x1ea: {  	v12 =	vmul.f32 v26, v8  }
0x1eb: {  	v7 =	vmul.f32 v7, v7;
	v10 =	vadd.f32 v11, v10  }
0x1ec: {  	v9 =	vadd.f32 v9, v12  }
0x1ed: {  	v7 =	vadd.f32 v7, v10  }
0x1ee: {  	v9 =	vmul.f32 $5.000000000e-01, v9  }
0x1ef: {  	v10 =	vshra.s32 v7, $0x1  }
0x1f0: {  	v10 =	vadd.s32 $0x1FBD1DF6, v10;
	(erf) = vrcp.f32 v9  }
0x1f1: {  	(erf) = vrcp.f32 v10;
	_ =	sdelay $0x7  }
0x1f2: {  	v27 =	vpop (erf)  }
0x1f3: {  	v28 =	vpop (erf)  }
0x1f4: {  	v12 =	vmul.f32 v28, v7;
	_ =	sdelay $0x1  }
0x1f5: {  	v10 =	vadd.f32 v10, v12;
	_ =	sdelay $0x1  }
0x1f6: {  	v10 =	vmul.f32 $5.000000000e-01, v10;
	_ =	sdelay $0x1  }
0x1f7: {  	(erf) = vrcp.f32 v10;
	_ =	sdelay $0x8  }
0x1f8: {  	v29 =	vpop (erf)  }
0x1f9: {  	v8 =	vmul.f32 v27, v8;
	v7 =	vmul.f32 v29, v7;
	_ =	sdelay $0x1  }
0x1fa: {  	v8 =	vadd.f32 v8, v9;
	v7 =	vadd.f32 v7, v10;
	_ =	sdelay $0x1  }
0x1fb: {  	v8 =	vmul.f32 $5.000000000e-01, v8;
	v7 =	vmul.f32 $5.000000000e-01, v7;
	_ =	sdelay $0x1  }
0x1fc: {  	v7 =	vsub.f32 v8, v7;
	_ =	sdelay $0x1  }
0x1fd: {  	v7 =	vand.u32 $0x7FFFFFFF, v7  }
0x1fe: {  	v6 =	vadd.f32 v7, v6;
	_ =	sdelay $0x1  }
0x1ff: {  	[tilespmem:$0x8080] =	vst v6  }
0x200: {  	v7 =	vld [tilespmem:s24+$0x7200];
	_ =	sdelay $0x7  }
0x201: {  	v8 =	vld.idx.msk [tilespmem:v7+s2+$0x0], $0xffff  }
0x202: {  	v30 =	vld.idx.msk [tilespmem:v7+s14+$0x0], $0xffff;
	_ =	sdelay $0x1  }
0x203: {  	v31 =	vld.idx.msk [tilespmem:v7+s15+$0x0], $0xffff;
	_ =	sdelay $0x2  }
0x204: {  	v8 =	vsub.f32 v8, v0;
	v9 =	vsub.f32 v30, v1;
	_ =	sdelay $0x1  }
0x205: {  	v10 =	vsub.f32 v31, v3;
	v8 =	vmul.f32 v8, v8;
	v9 =	vmul.f32 v9, v9;
	_ =	sdelay $0x1  }
0x206: {  	v32 =	vmul.f32 v10, v10;
	v8 =	vadd.f32 v9, v8;
	_ =	sdelay $0x1  }
0x207: {  	v8 =	vadd.f32 v32, v8;
	_ =	sdelay $0x1  }
0x208: {  	v9 =	vshra.s32 v8, $0x1  }
0x209: {  	v9 =	vadd.s32 $0x1FBD1DF6, v9  }
0x20a: {  	(erf) = vrcp.f32 v9  }
0x20b: {  	v33 =	vld.idx.msk [tilespmem:v7+s16+$0x0], $0xffff  }
0x20c: {  	v34 =	vld.idx.msk [tilespmem:v7+s17+$0x0], $0xffff;
	_ =	sdelay $0x1  }
0x20d: {  	v7 =	vld.idx.msk [tilespmem:v7+s18+$0x0], $0xffff;
	_ =	sdelay $0x2  }
0x20e: {  	v11 =	vsub.f32 v34, v4;
	v10 =	vsub.f32 v33, v2;
	_ =	sdelay $0x1  }
0x20f: {  	v7 =	vsub.f32 v7, v5;
	v11 =	vmul.f32 v11, v11;
	v10 =	vmul.f32 v10, v10;
	v35 =	vpop (erf)  }
0x210: {  	v12 =	vmul.f32 v35, v8  }
0x211: {  	v7 =	vmul.f32 v7, v7;
	v10 =	vadd.f32 v11, v10  }
0x212: {  	v9 =	vadd.f32 v9, v12  }
0x213: {  	v7 =	vadd.f32 v7, v10  }
0x214: {  	v9 =	vmul.f32 $5.000000000e-01, v9  }
0x215: {  	v10 =	vshra.s32 v7, $0x1  }
0x216: {  	v10 =	vadd.s32 $0x1FBD1DF6, v10;
	(erf) = vrcp.f32 v9  }
0x217: {  	(erf) = vrcp.f32 v10;
	_ =	sdelay $0x7  }
0x218: {  	v36 =	vpop (erf)  }
0x219: {  	v37 =	vpop (erf)  }
0x21a: {  	v12 =	vmul.f32 v37, v7;
	_ =	sdelay $0x1  }
0x21b: {  	v10 =	vadd.f32 v10, v12;
	_ =	sdelay $0x1  }
0x21c: {  	v10 =	vmul.f32 $5.000000000e-01, v10;
	_ =	sdelay $0x1  }
0x21d: {  	(erf) = vrcp.f32 v10;
	_ =	sdelay $0x8  }
0x21e: {  	v38 =	vpop (erf)  }
0x21f: {  	v8 =	vmul.f32 v36, v8;
	v7 =	vmul.f32 v38, v7;
	_ =	sdelay $0x1  }
0x220: {  	v8 =	vadd.f32 v8, v9;
	v7 =	vadd.f32 v7, v10;
	_ =	sdelay $0x1  }
0x221: {  	v8 =	vmul.f32 $5.000000000e-01, v8;
	v7 =	vmul.f32 $5.000000000e-01, v7;
	_ =	sdelay $0x1  }
0x222: {  	v7 =	vsub.f32 v8, v7;
	_ =	sdelay $0x1  }
0x223: {  	v7 =	vand.u32 $0x7FFFFFFF, v7  }
0x224: {  	v6 =	vadd.f32 v7, v6;
	_ =	sdelay $0x1  }
0x225: {  	[tilespmem:$0x8080] =	vst v6  }
0x226: {  	v7 =	vld [tilespmem:s24+$0x7280];
	_ =	sdelay $0x7  }
0x227: {  	v8 =	vld.idx.msk [tilespmem:v7+s2+$0x0], $0xffff  }
0x228: {  	v39 =	vld.idx.msk [tilespmem:v7+s14+$0x0], $0xffff;
	_ =	sdelay $0x1  }
0x229: {  	v40 =	vld.idx.msk [tilespmem:v7+s15+$0x0], $0xffff;
	_ =	sdelay $0x2  }
0x22a: {  	v8 =	vsub.f32 v8, v0;
	v9 =	vsub.f32 v39, v1;
	_ =	sdelay $0x1  }
0x22b: {  	v10 =	vsub.f32 v40, v3;
	v8 =	vmul.f32 v8, v8;
	v9 =	vmul.f32 v9, v9;
	_ =	sdelay $0x1  }
0x22c: {  	v41 =	vmul.f32 v10, v10;
	v8 =	vadd.f32 v9, v8;
	_ =	sdelay $0x1  }
0x22d: {  	v8 =	vadd.f32 v41, v8;
	_ =	sdelay $0x1  }
0x22e: {  	v9 =	vshra.s32 v8, $0x1  }
0x22f: {  	v9 =	vadd.s32 $0x1FBD1DF6, v9  }
0x230: {  	(erf) = vrcp.f32 v9  }
0x231: {  	v42 =	vld.idx.msk [tilespmem:v7+s16+$0x0], $0xffff  }
0x232: {  	v43 =	vld.idx.msk [tilespmem:v7+s17+$0x0], $0xffff;
	_ =	sdelay $0x1  }
0x233: {  	v7 =	vld.idx.msk [tilespmem:v7+s18+$0x0], $0xffff;
	_ =	sdelay $0x2  }
0x234: {  	v11 =	vsub.f32 v43, v4;
	v10 =	vsub.f32 v42, v2;
	_ =	sdelay $0x1  }
0x235: {  	v7 =	vsub.f32 v7, v5;
	v11 =	vmul.f32 v11, v11;
	v10 =	vmul.f32 v10, v10;
	v44 =	vpop (erf)  }
0x236: {  	v12 =	vmul.f32 v44, v8  }
0x237: {  	v7 =	vmul.f32 v7, v7;
	v10 =	vadd.f32 v11, v10  }
0x238: {  	v9 =	vadd.f32 v9, v12  }
0x239: {  	v7 =	vadd.f32 v7, v10  }
0x23a: {  	v9 =	vmul.f32 $5.000000000e-01, v9  }
0x23b: {  	v10 =	vshra.s32 v7, $0x1  }
0x23c: {  	v10 =	vadd.s32 $0x1FBD1DF6, v10;
	(erf) = vrcp.f32 v9  }
0x23d: {  	(erf) = vrcp.f32 v10;
	_ =	sdelay $0x7  }
0x23e: {  	v45 =	vpop (erf)  }
0x23f: {  	v46 =	vpop (erf)  }
0x240: {  	v12 =	vmul.f32 v46, v7;
	_ =	sdelay $0x1  }
0x241: {  	v10 =	vadd.f32 v10, v12;
	_ =	sdelay $0x1  }
0x242: {  	v10 =	vmul.f32 $5.000000000e-01, v10;
	_ =	sdelay $0x1  }
0x243: {  	(erf) = vrcp.f32 v10;
	_ =	sdelay $0x8  }
0x244: {  	v47 =	vpop (erf)  }
0x245: {  	v8 =	vmul.f32 v45, v8;
	v7 =	vmul.f32 v47, v7;
	_ =	sdelay $0x1  }
0x246: {  	v8 =	vadd.f32 v8, v9;
	v7 =	vadd.f32 v7, v10;
	_ =	sdelay $0x1  }
0x247: {  	v8 =	vmul.f32 $5.000000000e-01, v8;
	v7 =	vmul.f32 $5.000000000e-01, v7;
	_ =	sdelay $0x1  }
0x248: {  	v7 =	vsub.f32 v8, v7;
	_ =	sdelay $0x1  }
0x249: {  	v7 =	vand.u32 $0x7FFFFFFF, v7  }
0x24a: {  	v6 =	vadd.f32 v7, v6;
	_ =	sdelay $0x1  }
0x24b: {  	[tilespmem:$0x8080] =	vst v6  }
0x24c: {  	v7 =	vld [tilespmem:s24+$0x7300];
	_ =	sdelay $0x7  }
0x24d: {  	v8 =	vld.idx.msk [tilespmem:v7+s2+$0x0], $0xffff  }
0x24e: {  	v48 =	vld.idx.msk [tilespmem:v7+s14+$0x0], $0xffff;
	_ =	sdelay $0x1  }
0x24f: {  	v49 =	vld.idx.msk [tilespmem:v7+s15+$0x0], $0xffff;
	_ =	sdelay $0x2  }
0x250: {  	v8 =	vsub.f32 v8, v0;
	v9 =	vsub.f32 v48, v1;
	_ =	sdelay $0x1  }
0x251: {  	v10 =	vsub.f32 v49, v3;
	v8 =	vmul.f32 v8, v8;
	v9 =	vmul.f32 v9, v9;
	_ =	sdelay $0x1  }
0x252: {  	v50 =	vmul.f32 v10, v10;
	v8 =	vadd.f32 v9, v8;
	_ =	sdelay $0x1  }
0x253: {  	v8 =	vadd.f32 v50, v8;
	_ =	sdelay $0x1  }
0x254: {  	v9 =	vshra.s32 v8, $0x1  }
0x255: {  	v9 =	vadd.s32 $0x1FBD1DF6, v9  }
0x256: {  	(erf) = vrcp.f32 v9  }
0x257: {  	v51 =	vld.idx.msk [tilespmem:v7+s16+$0x0], $0xffff  }
0x258: {  	v52 =	vld.idx.msk [tilespmem:v7+s17+$0x0], $0xffff;
	_ =	sdelay $0x1  }
0x259: {  	v7 =	vld.idx.msk [tilespmem:v7+s18+$0x0], $0xffff;
	_ =	sdelay $0x2  }
0x25a: {  	v11 =	vsub.f32 v52, v4;
	v10 =	vsub.f32 v51, v2;
	_ =	sdelay $0x1  }
0x25b: {  	v7 =	vsub.f32 v7, v5;
	v11 =	vmul.f32 v11, v11;
	v10 =	vmul.f32 v10, v10;
	v53 =	vpop (erf)  }
0x25c: {  	v12 =	vmul.f32 v53, v8  }
0x25d: {  	v7 =	vmul.f32 v7, v7;
	v10 =	vadd.f32 v11, v10  }
0x25e: {  	v9 =	vadd.f32 v9, v12  }
0x25f: {  	v7 =	vadd.f32 v7, v10  }
0x260: {  	v9 =	vmul.f32 $5.000000000e-01, v9  }
0x261: {  	v10 =	vshra.s32 v7, $0x1  }
0x262: {  	v10 =	vadd.s32 $0x1FBD1DF6, v10;
	(erf) = vrcp.f32 v9  }
0x263: {  	(erf) = vrcp.f32 v10;
	_ =	sdelay $0x7  }
0x264: {  	v54 =	vpop (erf)  }
0x265: {  	v55 =	vpop (erf)  }
0x266: {  	v12 =	vmul.f32 v55, v7;
	_ =	sdelay $0x1  }
0x267: {  	v10 =	vadd.f32 v10, v12;
	_ =	sdelay $0x1  }
0x268: {  	v10 =	vmul.f32 $5.000000000e-01, v10;
	_ =	sdelay $0x1  }
0x269: {  	(erf) = vrcp.f32 v10;
	_ =	sdelay $0x8  }
0x26a: {  	v56 =	vpop (erf)  }
0x26b: {  	v8 =	vmul.f32 v54, v8;
	v7 =	vmul.f32 v56, v7;
	_ =	sdelay $0x1  }
0x26c: {  	v8 =	vadd.f32 v8, v9;
	v7 =	vadd.f32 v7, v10;
	_ =	sdelay $0x1  }
0x26d: {  	v8 =	vmul.f32 $5.000000000e-01, v8;
	v7 =	vmul.f32 $5.000000000e-01, v7;
	_ =	sdelay $0x1  }
0x26e: {  	v7 =	vsub.f32 v8, v7;
	_ =	sdelay $0x1  }
0x26f: {  	v7 =	vand.u32 $0x7FFFFFFF, v7  }
0x270: {  	v6 =	vadd.f32 v7, v6;
	_ =	sdelay $0x1  }
0x271: {  	[tilespmem:$0x8080] =	vst v6  }
0x272: {  	v7 =	vld [tilespmem:s24+$0x7380];
	_ =	sdelay $0x7  }
0x273: {  	v8 =	vld.idx.msk [tilespmem:v7+s2+$0x0], $0xffff  }
0x274: {  	v57 =	vld.idx.msk [tilespmem:v7+s14+$0x0], $0xffff;
	_ =	sdelay $0x1  }
0x275: {  	v58 =	vld.idx.msk [tilespmem:v7+s15+$0x0], $0xffff;
	_ =	sdelay $0x2  }
0x276: {  	v0 =	vsub.f32 v8, v0;
	v1 =	vsub.f32 v57, v1;
	_ =	sdelay $0x1  }
0x277: {  	v3 =	vsub.f32 v58, v3;
	v0 =	vmul.f32 v0, v0;
	v1 =	vmul.f32 v1, v1;
	_ =	sdelay $0x1  }
0x278: {  	v59 =	vmul.f32 v3, v3;
	v0 =	vadd.f32 v1, v0;
	_ =	sdelay $0x1  }
0x279: {  	v0 =	vadd.f32 v59, v0;
	_ =	sdelay $0x1  }
0x27a: {  	v1 =	vshra.s32 v0, $0x1  }
0x27b: {  	v1 =	vadd.s32 $0x1FBD1DF6, v1  }
0x27c: {  	(erf) = vrcp.f32 v1  }
0x27d: {  	v60 =	vld.idx.msk [tilespmem:v7+s16+$0x0], $0xffff  }
0x27e: {  	v8 =	vld.idx.msk [tilespmem:v7+s17+$0x0], $0xffff;
	_ =	sdelay $0x1  }
0x27f: {  	v7 =	vld.idx.msk [tilespmem:v7+s18+$0x0], $0xffff;
	_ =	sdelay $0x2  }
0x280: {  	v2 =	vsub.f32 v60, v2;
	v61 =	vsub.f32 v8, v4;
	_ =	sdelay $0x1  }
0x281: {  	v2 =	vmul.f32 v2, v2;
	v4 =	vsub.f32 v7, v5;
	v3 =	vmul.f32 v61, v61;
	v5 =	vpop (erf)  }
0x282: {  	v5 =	vmul.f32 v5, v0  }
0x283: {  	v62 =	vmul.f32 v4, v4;
	v2 =	vadd.f32 v3, v2  }
0x284: {  	v1 =	vadd.f32 v1, v5  }
0x285: {  	v2 =	vadd.f32 v62, v2  }
0x286: {  	v1 =	vmul.f32 $5.000000000e-01, v1  }
0x287: {  	v3 =	vshra.s32 v2, $0x1  }
0x288: {  	v3 =	vadd.s32 $0x1FBD1DF6, v3;
	(erf) = vrcp.f32 v1  }
0x289: {  	(erf) = vrcp.f32 v3;
	_ =	sdelay $0x7  }
0x28a: {  	v4 =	vpop (erf)  }
0x28b: {  	v5 =	vpop (erf)  }
0x28c: {  	v5 =	vmul.f32 v5, v2;
	_ =	sdelay $0x1  }
0x28d: {  	v3 =	vadd.f32 v3, v5;
	_ =	sdelay $0x1  }
0x28e: {  	v3 =	vmul.f32 $5.000000000e-01, v3;
	_ =	sdelay $0x1  }
0x28f: {  	(erf) = vrcp.f32 v3;
	_ =	sdelay $0x8  }
0x290: {  	v5 =	vpop (erf)  }
0x291: {  	v0 =	vmul.f32 v4, v0;
	v2 =	vmul.f32 v5, v2;
	_ =	sdelay $0x1  }
0x292: {  	v0 =	vadd.f32 v0, v1;
	v63 =	vadd.f32 v2, v3;
	_ =	sdelay $0x1  }
0x293: {  	v0 =	vmul.f32 $5.000000000e-01, v0;
	v1 =	vmul.f32 $5.000000000e-01, v63;
	_ =	sdelay $0x1  }
0x294: {  	p0 =	sne.s32 s23, $0x1F0;
	v0 =	vsub.f32 v0, v1  }
.Ltmp0:
0x295: {  	_ = 	snop;
	(pc) =	sbr.rel @p0 .LBB2_2-.Ltmp0, $3  }
0x296: {  	v0 =	vand.u32 $0x7FFFFFFF, v0  }
0x297: {  	v6 =	vadd.f32 v0, v6;
	_ =	sdelay $0x1  }
0x298: {  	s22 =	sadd.s32 $0x80, s22;
	s23 =	sadd.s32 $0x10, s23;
	[tilespmem:$0x8080] =	vst v6  }
0x299: {  	s21 =	sadd.s32 $0x1, s21  }
0x29a: {  	p0 =	sne.s32 s21, s11  }
.Ltmp1:
0x29b: {  	[tilespmem:$0x8000] =	vst v6;
	(pc) =	sbr.rel @p0 .LBB2_1-.Ltmp1, $4  }
0x29c: {  	[hbm4b:s10+s2] =	stream.linear.scatter [tilespmem:s19], [sflag:$0x1], $0x80, $0x38;
	[tilespmem:$0x8100] =	vst v63  }
0x29d: {  	_ =	swait.ge [sflag:s13], $0x80  }
0x29e: {  	[sflag:s13] =	ssyncset.done $0x0  }
0x29f: {  	[sflag:s13] =	ssyncadd.s32 $0xFFFFFF80  }
0x2a0: {  	_ =	sfence.sel $0x180000  }
0x2a1: {  	[bflag:$0x0] =	sbarrier.arrive $0xFFFF  }
0x2a2: {  	p0 =	sne.s32 s1, $0x0;
	_ =	strace $0x90000047  }
0x2a3: {  	s0 =	sadd.s32 @!p0 $0x100000, s0;
	[bflag:$0x2] =	sbarrier.arrive $0xFFFF  }
0x2a4: {  	[sflag:s0] =	ssyncadd.tile.s32 @!p0 $0x1;
	_ =	shalt  }
.Lfunc_end2:
_tile_overlayer_lowered:
.L_overlay_start_2:
0x2a5: {  	(tag) =	ssettag $0x2  }
0x2a6: {  	s0 =	rddreg [dreg:$0x0];
	s2 =	stileid.u32  }
0x2a7: {  	s1 =	rddreg [dreg:$0x1];
	p0 =	sne.s32 s2, $0x0  }
0x2a8: {  	s3 =	rddreg [dreg:$0x2];
	[bflag:$0x3] =	sbarrier.arrive $0xFFFF;
	s2 =	simm.s32 @!p0 $0x1C01  }
0x2a9: {  	[timem:s3], [sflag:s2] =	dma.local @!p0 [hbm:s0], s1  }
0x2aa: {  	s0 =	simm.s32 @!p0 $0x1  }
0x2ab: {  	_ =	swait.ge @!p0 [sflag:s0], s1  }
0x2ac: {  	s1 =	ssub.s32 @!p0 $0x0, s1;
	[sflag:s0] =	ssyncset.done @!p0 $0x0  }
0x2ad: {  	[sflag:s0] =	ssyncadd.s32 @!p0 s1  }
0x2ae: {  	[bflag:$0x3] =	sbarrier.arrive $0xFFFF  }
0x2af: {  	_ =	shalt  }

</sc_bundles>
